<compile_context>
chip_gen: v7x
topology: tpu7x:2x2x1
jax: 0.10.2.dev20260603
libtpu: 0.0.44.dev20260713+nightly
codegen_flags: <defaults>
</compile_context>

<pallas_src>
import functools

import jax
import jax.numpy as jnp
from jax import lax
from jax.experimental import pallas as pl
from jax.experimental.pallas import tpu as pltpu
from jax.experimental.pallas import tpu_sc as plsc

N = 10000
E = 320000
F_IN = 128
HID = 16
NCLS = 40

NC = 2
NS = 16
NW = NC * NS
CHUNK = 128
ER = E // CHUNK
RW = ER // NW
XW = ER - RW * NW
NP = N + 112
RPT = NP // NS
HPT = N // NS
NBUF = 6
PD = 4
G = RW

_mesh = plsc.VectorSubcoreMesh(core_axis_name="c", subcore_axis_name="s")
_sc_params = pltpu.CompilerParams(use_tc_tiling_on_sc=False)


def _zero_rows(buf):
    n = buf.shape[0]
    z = jnp.zeros((16,), jnp.float32)

    def zrow(i, carry):
        for u in range(8):
            buf[i * 8 + u, :] = z
        return carry

    lax.fori_loop(0, n // 8, zrow, 0)
    for u in range(n - (n // 8) * 8):
        buf[(n // 8) * 8 + u, :] = z


def _load_edges(ei_hbm, src_v, dst_v, wid, seme):
    base = wid * RW + jnp.minimum(wid, XW)
    extra = wid < XW

    @pl.when(extra)
    def _():
        pltpu.async_copy(ei_hbm.at[0, pl.ds(base, RW + 1)], src_v, seme)
        pltpu.async_copy(ei_hbm.at[1, pl.ds(base, RW + 1)], dst_v, seme)

    @pl.when(jnp.logical_not(extra))
    def _():
        pltpu.async_copy(ei_hbm.at[0, pl.ds(base, RW)],
                         src_v.at[pl.ds(0, RW)], seme)
        pltpu.async_copy(ei_hbm.at[1, pl.ds(base, RW)],
                         dst_v.at[pl.ds(0, RW)], seme)


def _wait_edges(ei_hbm, src_v, dst_v, wid, seme):
    extra = wid < XW

    @pl.when(extra)
    def _():
        pltpu.make_async_copy(ei_hbm.at[0, pl.ds(0, RW + 1)], src_v,
                              seme).wait()
        pltpu.make_async_copy(ei_hbm.at[1, pl.ds(0, RW + 1)], dst_v,
                              seme).wait()

    @pl.when(jnp.logical_not(extra))
    def _():
        pltpu.make_async_copy(ei_hbm.at[0, pl.ds(0, RW)],
                              src_v.at[pl.ds(0, RW)], seme).wait()
        pltpu.make_async_copy(ei_hbm.at[1, pl.ds(0, RW)],
                              dst_v.at[pl.ds(0, RW)], seme).wait()


def _edge_pass(table, out_hbm, src_v, dst_v, rows_v, acc_sh, semg, sems,
               cid, sid):
    wid = sid * NC + cid
    extra = wid < XW

    def fire(g, b):
        pltpu.async_copy(table.at[src_v.at[g]], rows_v.at[b], semg[b])

    def wait_gather(g, b):
        pltpu.make_async_copy(table.at[src_v.at[g]], rows_v.at[b],
                              semg[b]).wait()

    def scatter(g, b):
        pltpu.async_copy(rows_v.at[b], acc_sh.at[dst_v.at[g]], sems[b],
                         add=True)

    def wait_scatter(g, b):
        pltpu.make_async_copy(rows_v.at[b], acc_sh.at[dst_v.at[g]],
                              sems[b]).wait()

    for b in range(PD):
        fire(b, b)

    def ring(i, carry):
        for b in range(NBUF):
            g = NBUF * i + b
            wait_gather(g, b)
            scatter(g, b)
            tb = (b + PD) % NBUF

            @pl.when(g + PD < G)
            def _():
                @pl.when(g >= NBUF - PD)
                def _():
                    wait_scatter(g - (NBUF - PD), tb)
                fire(g + PD, tb)
        return carry

    lax.fori_loop(0, G // NBUF, ring, 0)
    wait_scatter(G - NBUF, (G - NBUF) % NBUF)

    @pl.when(extra)
    def _():
        b = G % NBUF
        fire(G, b)
        wait_gather(G, b)
        scatter(G, b)
        wait_scatter(G, b)

    for j in range(NBUF - 1):
        g = G - NBUF + 1 + j
        wait_scatter(g, g % NBUF)
    plsc.subcore_barrier()
    row0 = sid * RPT
    pltpu.sync_copy(acc_sh.at[pl.ds(row0, RPT)],
                    out_hbm.at[cid, pl.ds(row0, RPT)])


@functools.partial(
    pl.kernel,
    out_type=jax.ShapeDtypeStruct((NC, NP, HID), jnp.float32),
    mesh=_mesh,
    compiler_params=_sc_params,
    scratch_types=[
        pltpu.VMEM((RW + 1, CHUNK), jnp.int32),
        pltpu.VMEM((RW + 1, CHUNK), jnp.int32),
        pltpu.VMEM((NBUF, CHUNK, HID), jnp.float32),
        pltpu.VMEM((RPT, HID), jnp.float32),
        pltpu.VMEM_SHARED((NP, HID), jnp.float32),
        pltpu.VMEM_SHARED((NP, HID), jnp.float32),
        pltpu.SemaphoreType.DMA,
        pltpu.SemaphoreType.DMA,
        [pltpu.SemaphoreType.DMA] * NBUF,
        [pltpu.SemaphoreType.DMA] * NBUF,
    ],
)
def _sc_agg1(h_hbm, ei_hbm, out_hbm,
             src_v, dst_v, rows_v, zbuf, tab_sh, acc_sh, semz, seme,
             semg, sems):
    cid = lax.axis_index("c")
    sid = lax.axis_index("s")
    wid = sid * NC + cid
    _load_edges(ei_hbm, src_v, dst_v, wid, seme)
    hrow = sid * HPT
    pltpu.async_copy(h_hbm.at[pl.ds(hrow, HPT)], tab_sh.at[pl.ds(hrow, HPT)],
                     semz)
    row0 = sid * RPT
    _zero_rows(zbuf)
    pltpu.sync_copy(zbuf, acc_sh.at[pl.ds(row0, RPT)])
    pltpu.make_async_copy(h_hbm.at[pl.ds(hrow, HPT)],
                          tab_sh.at[pl.ds(hrow, HPT)], semz).wait()
    _wait_edges(ei_hbm, src_v, dst_v, wid, seme)
    plsc.subcore_barrier()
    _edge_pass(tab_sh, out_hbm, src_v, dst_v, rows_v, acc_sh, semg, sems,
               cid, sid)


@functools.partial(
    pl.kernel,
    out_type=jax.ShapeDtypeStruct((NC, NP, HID), jnp.float32),
    mesh=_mesh,
    compiler_params=_sc_params,
    scratch_types=[
        pltpu.VMEM((RPT, HID), jnp.float32),
        pltpu.VMEM((RPT, HID), jnp.float32),
        pltpu.VMEM((16,), jnp.float32),
        pltpu.VMEM((RW + 1, CHUNK), jnp.int32),
        pltpu.VMEM((RW + 1, CHUNK), jnp.int32),
        pltpu.VMEM((NBUF, CHUNK, HID), jnp.float32),
        pltpu.VMEM((RPT, HID), jnp.float32),
        pltpu.VMEM_SHARED((NP, HID), jnp.float32),
        pltpu.VMEM_SHARED((NP, HID), jnp.float32),
        pltpu.SemaphoreType.DMA,
        pltpu.SemaphoreType.DMA,
        [pltpu.SemaphoreType.DMA] * NBUF,
        [pltpu.SemaphoreType.DMA] * NBUF,
    ],
)
def _sc_agg2(p_hbm, b1_hbm, ei_hbm, out_hbm,
             p0_v, p1_v, b1_v, src_v, dst_v, rows_v, zbuf,
             h1_sh, acc_sh, semz, seme, semg, sems):
    cid = lax.axis_index("c")
    sid = lax.axis_index("s")
    wid = sid * NC + cid
    row0 = sid * RPT
    _load_edges(ei_hbm, src_v, dst_v, wid, seme)
    pltpu.async_copy(p_hbm.at[0, pl.ds(row0, RPT)], p0_v, semz)
    pltpu.async_copy(p_hbm.at[1, pl.ds(row0, RPT)], p1_v, semz)
    pltpu.sync_copy(b1_hbm, b1_v)
    _zero_rows(zbuf)
    pltpu.sync_copy(zbuf, acc_sh.at[pl.ds(row0, RPT)])
    pltpu.make_async_copy(p_hbm.at[0, pl.ds(row0, RPT)], p0_v, semz).wait()
    pltpu.make_async_copy(p_hbm.at[1, pl.ds(row0, RPT)], p1_v, semz).wait()
    b1 = b1_v[...]

    def relu_row(i, carry):
        for u in range(8):
            r = i * 8 + u
            p0_v[r, :] = jnp.maximum(p0_v[r, :] + p1_v[r, :] + b1, 0.0)
        return carry

    lax.fori_loop(0, RPT // 8, relu_row, 0)
    pltpu.sync_copy(p0_v, h1_sh.at[pl.ds(row0, RPT)])
    _wait_edges(ei_hbm, src_v, dst_v, wid, seme)
    plsc.subcore_barrier()
    _edge_pass(h1_sh, out_hbm, src_v, dst_v, rows_v, acc_sh, semg, sems,
               cid, sid)


def _tc_mm1(x_ref, w_ref, o_ref):
    o_ref[...] = jnp.dot(x_ref[...], w_ref[...],
                         preferred_element_type=jnp.float32)


PK = 16
PR = N // PK
PC = PK * NCLS
PPR = NP // PK


def _tc_final(p_ref, w_ref, b_ref, o_ref):
    g = p_ref[0, :PR, :] + p_ref[1, :PR, :]
    s = jnp.dot(g, w_ref[...], preferred_element_type=jnp.float32) + b_ref[...]
    cols = []
    for k in range(PK):
        sk = s[:, k * NCLS:(k + 1) * NCLS]
        mk = jnp.max(sk, axis=1, keepdims=True)
        ek = jnp.exp(sk - mk)
        lk = jnp.log(jnp.sum(ek, axis=1, keepdims=True))
        cols.append(sk - mk - lk)
    o_ref[...] = jnp.concatenate(cols, axis=1)


def kernel(x, edge_index, W1, b1, W2, b2):
    ei3 = edge_index.reshape(2, ER, CHUNK)

    h = pl.pallas_call(
        _tc_mm1,
        out_shape=jax.ShapeDtypeStruct((N, HID), jnp.float32),
    )(x, W1)

    p1 = _sc_agg1(h, ei3)
    p2 = _sc_agg2(p1, b1, ei3)

    w2p = jnp.kron(jnp.eye(PK, dtype=jnp.float32), W2)
    b2p = jnp.tile(b2, PK).reshape(1, PC)
    outp = pl.pallas_call(
        _tc_final,
        out_shape=jax.ShapeDtypeStruct((PR, PC), jnp.float32),
    )(p2.reshape(NC, PPR, PK * HID), w2p, b2p)
    return outp.reshape(N, NCLS)

# --- scband reference (transcript-rebuilt; emitter-appended) ---
"""Pipeline reference for scband-net-10136122819212 (READ-ONLY COPY).

The authoritative reference and input builder live on the scoring server;
editing this copy changes nothing except your own understanding.
"""

import jax, jax.numpy as jnp
import numpy as np

N = 10000
E = 320000
F_IN = 128
HID = 16
NCLS = 40


def setup_inputs(seed: int = 0) -> dict:
    key = jax.random.key(seed)
    k1, k2, k3, k4 = jax.random.split(key, 4)
    x = jax.random.normal(k1, (N, F_IN), dtype=jnp.float32)
    edge_index = jax.random.randint(k2, (2, E), 0, N, dtype=jnp.int32)
    # GCNConv params (glorot-ish init); normalize=False so plain sum aggregation
    W1 = jax.random.normal(k3, (F_IN, HID), dtype=jnp.float32) * (1.0 / np.sqrt(F_IN))
    b1 = jnp.zeros((HID,), dtype=jnp.float32)
    W2 = jax.random.normal(k4, (HID, NCLS), dtype=jnp.float32) * (1.0 / np.sqrt(HID))
    b2 = jnp.zeros((NCLS,), dtype=jnp.float32)
    return {"x": x, "edge_index": edge_index, "W1": W1, "b1": b1, "W2": W2, "b2": b2}


def reference(x, edge_index, W1, b1, W2, b2):
    # GCNConv(normalize=False): out = scatter_add_{dst}( (x W)[src] ) + b
    src = edge_index[0]
    dst = edge_index[1]
    # layer 1
    h = x @ W1
    h = jax.ops.segment_sum(h[src], dst, num_segments=N) + b1
    h = jax.nn.relu(h)
    # dropout is a no-op at inference (training=False)
    # layer 2
    h = h @ W2
    h = jax.ops.segment_sum(h[src], dst, num_segments=N) + b2
    return jax.nn.log_softmax(h, axis=1)

if __name__ == "__main__":
    import jax
    _d = setup_inputs()
    print(jax.jit(kernel)(*tuple(_d.values())))

</pallas_src>

<mosaic_0001>
#map = affine_map<(d0, d1) -> (0, 0)>
#map1 = affine_map<(d0, d1) -> (0, 0, 0)>
module attributes {stable_mosaic.version = 14 : i64} {
  func.func @_sc_agg1(%arg0: i32, %arg1: i32, %arg2: memref<10000x16xf32, #tpu.memory_space<hbm>>, %arg3: memref<2x2500x128xi32, #tpu.memory_space<hbm>>, %arg4: memref<2x10112x16xf32, #tpu.memory_space<hbm>>, %arg5: memref<79x128xi32, #tpu.memory_space<vmem>>, %arg6: memref<79x128xi32, #tpu.memory_space<vmem>>, %arg7: memref<6x128x16xf32, #tpu.memory_space<vmem>>, %arg8: memref<632x16xf32, #tpu.memory_space<vmem>>, %arg9: memref<10112x16xf32, #tpu.memory_space<vmem_shared>>, %arg10: memref<10112x16xf32, #tpu.memory_space<vmem_shared>>, %arg11: memref<!tpu.dma_semaphore, #tpu.memory_space<semaphore_mem>>, %arg12: memref<!tpu.dma_semaphore, #tpu.memory_space<semaphore_mem>>, %arg13: memref<!tpu.dma_semaphore, #tpu.memory_space<semaphore_mem>>, %arg14: memref<!tpu.dma_semaphore, #tpu.memory_space<semaphore_mem>>, %arg15: memref<!tpu.dma_semaphore, #tpu.memory_space<semaphore_mem>>, %arg16: memref<!tpu.dma_semaphore, #tpu.memory_space<semaphore_mem>>, %arg17: memref<!tpu.dma_semaphore, #tpu.memory_space<semaphore_mem>>, %arg18: memref<!tpu.dma_semaphore, #tpu.memory_space<semaphore_mem>>, %arg19: memref<!tpu.dma_semaphore, #tpu.memory_space<semaphore_mem>>, %arg20: memref<!tpu.dma_semaphore, #tpu.memory_space<semaphore_mem>>, %arg21: memref<!tpu.dma_semaphore, #tpu.memory_space<semaphore_mem>>, %arg22: memref<!tpu.dma_semaphore, #tpu.memory_space<semaphore_mem>>, %arg23: memref<!tpu.dma_semaphore, #tpu.memory_space<semaphore_mem>>, %arg24: memref<!tpu.dma_semaphore, #tpu.memory_space<semaphore_mem>>) attributes {dimension_semantics = [#tpu.dimension_semantics<core_parallel>, #tpu.dimension_semantics<subcore_parallel>], iteration_bounds = array<i64: 2, 16>, scalar_prefetch = 0 : i64, scratch_operands = 20 : i64, tpu.core_type = #tpu.core_type<sc_vector_subcore>, window_params = [{transform_indices = #map}, {transform_indices = #map1}, {transform_indices = #map1}]} {
    %mul3A = arith.constant 2 : i32
    %mul3A_0 = arith.muli %arg1, %mul3A : i32
    %add3A = arith.addi %mul3A_0, %arg0 : i32
    %mul3A_1 = arith.constant 78 : i32
    %mul3A_2 = arith.muli %add3A, %mul3A_1 : i32
    %min3A = arith.constant 4 : i32
    %min3A_3 = arith.minsi %add3A, %min3A : i32
    %add3A_4 = arith.addi %mul3A_2, %min3A_3 : i32
    %lt3A = arith.constant 4 : i32
    %lt3A_5 = arith.cmpi slt, %add3A, %lt3A : i32
    %convert_element_type3A = arith.extui %lt3A_5 : i1 to i32
    %cond3A = arith.constant 0 : i32
    %cond3A_6 = arith.cmpi ne, %convert_element_type3A, %cond3A : i32
    scf.if %cond3A_6 {
      %dma_start3A_174 = arith.constant 0 : i32
      %dma_start3A_175 = arith.constant 0 : i32
      %dma_start3A_176 = tpu.memref_slice %arg3[%dma_start3A_174, %add3A_4, %dma_start3A_175] : memref<2x2500x128xi32, #tpu.memory_space<hbm>> -> memref<1x79x128xi32, #tpu.memory_space<hbm>>
      %dma_start3A_177 = tpu.memref_squeeze %dma_start3A_176 : memref<1x79x128xi32, #tpu.memory_space<hbm>> -> memref<79x128xi32, #tpu.memory_space<hbm>>
      %dma_start3A_178 = arith.constant 0 : i32
      %dma_start3A_179 = tpu.memref_slice %arg3[%dma_start3A_174, %add3A_4, %dma_start3A_178] : memref<2x2500x128xi32, #tpu.memory_space<hbm>> -> memref<1x79x128xi32, #tpu.memory_space<hbm>>
      %dma_start3A_180 = tpu.memref_squeeze %dma_start3A_179 : memref<1x79x128xi32, #tpu.memory_space<hbm>> -> memref<79x128xi32, #tpu.memory_space<hbm>>
      tpu.enqueue_dma source(%dma_start3A_180 : memref<79x128xi32, #tpu.memory_space<hbm>>) target(%arg5 : memref<79x128xi32, #tpu.memory_space<vmem>>) target_semaphore(%arg12 : memref<!tpu.dma_semaphore, #tpu.memory_space<semaphore_mem>>)
      %dma_start3A_181 = arith.constant 1 : i32
      %dma_start3A_182 = arith.constant 0 : i32
      %dma_start3A_183 = tpu.memref_slice %arg3[%dma_start3A_181, %add3A_4, %dma_start3A_182] : memref<2x2500x128xi32, #tpu.memory_space<hbm>> -> memref<1x79x128xi32, #tpu.memory_space<hbm>>
      %dma_start3A_184 = tpu.memref_squeeze %dma_start3A_183 : memref<1x79x128xi32, #tpu.memory_space<hbm>> -> memref<79x128xi32, #tpu.memory_space<hbm>>
      %dma_start3A_185 = arith.constant 0 : i32
      %dma_start3A_186 = tpu.memref_slice %arg3[%dma_start3A_181, %add3A_4, %dma_start3A_185] : memref<2x2500x128xi32, #tpu.memory_space<hbm>> -> memref<1x79x128xi32, #tpu.memory_space<hbm>>
      %dma_start3A_187 = tpu.memref_squeeze %dma_start3A_186 : memref<1x79x128xi32, #tpu.memory_space<hbm>> -> memref<79x128xi32, #tpu.memory_space<hbm>>
      tpu.enqueue_dma source(%dma_start3A_187 : memref<79x128xi32, #tpu.memory_space<hbm>>) target(%arg6 : memref<79x128xi32, #tpu.memory_space<vmem>>) target_semaphore(%arg12 : memref<!tpu.dma_semaphore, #tpu.memory_space<semaphore_mem>>)
    } else {
    }
    %not3A = arith.constant true
    %not3A_7 = arith.xori %lt3A_5, %not3A : i1
    %convert_element_type3A_8 = arith.extui %not3A_7 : i1 to i32
    %cond3A_9 = arith.constant 0 : i32
    %cond3A_10 = arith.cmpi ne, %convert_element_type3A_8, %cond3A_9 : i32
    scf.if %cond3A_10 {
      %dma_start3A_174 = arith.constant 0 : i32
      %dma_start3A_175 = arith.constant 0 : i32
      %dma_start3A_176 = arith.constant 0 : i32
      %dma_start3A_177 = tpu.memref_slice %arg5[%dma_start3A_175, %dma_start3A_176] : memref<79x128xi32, #tpu.memory_space<vmem>> -> memref<78x128xi32, #tpu.memory_space<vmem>>
      %dma_start3A_178 = arith.constant 0 : i32
      %dma_start3A_179 = tpu.memref_slice %arg3[%dma_start3A_174, %add3A_4, %dma_start3A_178] : memref<2x2500x128xi32, #tpu.memory_space<hbm>> -> memref<1x78x128xi32, #tpu.memory_space<hbm>>
      %dma_start3A_180 = tpu.memref_squeeze %dma_start3A_179 : memref<1x78x128xi32, #tpu.memory_space<hbm>> -> memref<78x128xi32, #tpu.memory_space<hbm>>
      %dma_start3A_181 = arith.constant 0 : i32
      %dma_start3A_182 = arith.constant 0 : i32
      %dma_start3A_183 = tpu.memref_slice %arg5[%dma_start3A_181, %dma_start3A_182] : memref<79x128xi32, #tpu.memory_space<vmem>> -> memref<78x128xi32, #tpu.memory_space<vmem>>
      %dma_start3A_184 = arith.constant 0 : i32
      %dma_start3A_185 = tpu.memref_slice %arg3[%dma_start3A_174, %add3A_4, %dma_start3A_184] : memref<2x2500x128xi32, #tpu.memory_space<hbm>> -> memref<1x78x128xi32, #tpu.memory_space<hbm>>
      %dma_start3A_186 = tpu.memref_squeeze %dma_start3A_185 : memref<1x78x128xi32, #tpu.memory_space<hbm>> -> memref<78x128xi32, #tpu.memory_space<hbm>>
      tpu.enqueue_dma source(%dma_start3A_186 : memref<78x128xi32, #tpu.memory_space<hbm>>) target(%dma_start3A_183 : memref<78x128xi32, #tpu.memory_space<vmem>>) target_semaphore(%arg12 : memref<!tpu.dma_semaphore, #tpu.memory_space<semaphore_mem>>)
      %dma_start3A_187 = arith.constant 1 : i32
      %dma_start3A_188 = arith.constant 0 : i32
      %dma_start3A_189 = arith.constant 0 : i32
      %dma_start3A_190 = tpu.memref_slice %arg6[%dma_start3A_188, %dma_start3A_189] : memref<79x128xi32, #tpu.memory_space<vmem>> -> memref<78x128xi32, #tpu.memory_space<vmem>>
      %dma_start3A_191 = arith.constant 0 : i32
      %dma_start3A_192 = tpu.memref_slice %arg3[%dma_start3A_187, %add3A_4, %dma_start3A_191] : memref<2x2500x128xi32, #tpu.memory_space<hbm>> -> memref<1x78x128xi32, #tpu.memory_space<hbm>>
      %dma_start3A_193 = tpu.memref_squeeze %dma_start3A_192 : memref<1x78x128xi32, #tpu.memory_space<hbm>> -> memref<78x128xi32, #tpu.memory_space<hbm>>
      %dma_start3A_194 = arith.constant 0 : i32
      %dma_start3A_195 = arith.constant 0 : i32
      %dma_start3A_196 = tpu.memref_slice %arg6[%dma_start3A_194, %dma_start3A_195] : memref<79x128xi32, #tpu.memory_space<vmem>> -> memref<78x128xi32, #tpu.memory_space<vmem>>
      %dma_start3A_197 = arith.constant 0 : i32
      %dma_start3A_198 = tpu.memref_slice %arg3[%dma_start3A_187, %add3A_4, %dma_start3A_197] : memref<2x2500x128xi32, #tpu.memory_space<hbm>> -> memref<1x78x128xi32, #tpu.memory_space<hbm>>
      %dma_start3A_199 = tpu.memref_squeeze %dma_start3A_198 : memref<1x78x128xi32, #tpu.memory_space<hbm>> -> memref<78x128xi32, #tpu.memory_space<hbm>>
      tpu.enqueue_dma source(%dma_start3A_199 : memref<78x128xi32, #tpu.memory_space<hbm>>) target(%dma_start3A_196 : memref<78x128xi32, #tpu.memory_space<vmem>>) target_semaphore(%arg12 : memref<!tpu.dma_semaphore, #tpu.memory_space<semaphore_mem>>)
    } else {
    }
    %mul3A_11 = arith.constant 625 : i32
    %mul3A_12 = arith.muli %arg1, %mul3A_11 : i32
    %dma_start3A = arith.constant 0 : i32
    %dma_start3A_13 = tpu.memref_slice %arg9[%mul3A_12, %dma_start3A] : memref<10112x16xf32, #tpu.memory_space<vmem_shared>> -> memref<625x16xf32, #tpu.memory_space<vmem_shared>>
    %dma_start3A_14 = arith.constant 0 : i32
    %dma_start3A_15 = tpu.memref_slice %arg2[%mul3A_12, %dma_start3A_14] : memref<10000x16xf32, #tpu.memory_space<hbm>> -> memref<625x16xf32, #tpu.memory_space<hbm>>
    tpu.enqueue_dma source(%dma_start3A_15 : memref<625x16xf32, #tpu.memory_space<hbm>>) target(%dma_start3A_13 : memref<625x16xf32, #tpu.memory_space<vmem_shared>>) target_semaphore(%arg11 : memref<!tpu.dma_semaphore, #tpu.memory_space<semaphore_mem>>)
    %mul3A_16 = arith.constant 632 : i32
    %mul3A_17 = arith.muli %arg1, %mul3A_16 : i32
    %broadcast_in_dim3A = arith.constant 0.000000e+00 : f32
    %broadcast_in_dim3A_18 = vector.broadcast %broadcast_in_dim3A : f32 to vector<16xf32>
    %scan3A = arith.constant 0 : i32
    %scan3A_19 = arith.constant 0 : i32
    %scan3A_20 = arith.constant 79 : i32
    %scan3A_21 = arith.addi %scan3A_19, %scan3A_20 : i32
    %scan3A_22 = arith.constant 1 : i32
    scf.for %scan3A_174 = %scan3A_19 to %scan3A_21 step %scan3A_22  : i32 {
      %mul3A_175 = arith.constant 8 : i32
      %mul3A_176 = arith.muli %scan3A_174, %mul3A_175 : i32
      %add3A_177 = arith.constant 0 : i32
      %add3A_178 = arith.addi %mul3A_176, %add3A_177 : i32
      %swap3A = arith.index_cast %add3A_178 : i32 to index
      %swap3A_179 = arith.constant 0 : index
      %swap3A_180 = tpu.vector_load %arg8[%swap3A, %swap3A_179] {strides = array<i32>} : memref<632x16xf32, #tpu.memory_space<vmem>>, vector<1x16xf32>,
      %swap3A_181 = vector.shape_cast %swap3A_180 : vector<1x16xf32> to vector<16xf32>
      %swap3A_182 = vector.shape_cast %broadcast_in_dim3A_18 : vector<16xf32> to vector<1x16xf32>
      tpu.vector_store %arg8[%swap3A, %swap3A_179], %swap3A_182 {strides = array<i32>} : memref<632x16xf32, #tpu.memory_space<vmem>>, vector<1x16xf32>,
      %mul3A_183 = arith.constant 8 : i32
      %mul3A_184 = arith.muli %scan3A_174, %mul3A_183 : i32
      %add3A_185 = arith.constant 1 : i32
      %add3A_186 = arith.addi %mul3A_184, %add3A_185 : i32
      %swap3A_187 = arith.index_cast %add3A_186 : i32 to index
      %swap3A_188 = arith.constant 0 : index
      %swap3A_189 = tpu.vector_load %arg8[%swap3A_187, %swap3A_188] {strides = array<i32>} : memref<632x16xf32, #tpu.memory_space<vmem>>, vector<1x16xf32>,
      %swap3A_190 = vector.shape_cast %swap3A_189 : vector<1x16xf32> to vector<16xf32>
      %swap3A_191 = vector.shape_cast %broadcast_in_dim3A_18 : vector<16xf32> to vector<1x16xf32>
      tpu.vector_store %arg8[%swap3A_187, %swap3A_188], %swap3A_191 {strides = array<i32>} : memref<632x16xf32, #tpu.memory_space<vmem>>, vector<1x16xf32>,
      %mul3A_192 = arith.constant 8 : i32
      %mul3A_193 = arith.muli %scan3A_174, %mul3A_192 : i32
      %add3A_194 = arith.constant 2 : i32
      %add3A_195 = arith.addi %mul3A_193, %add3A_194 : i32
      %swap3A_196 = arith.index_cast %add3A_195 : i32 to index
      %swap3A_197 = arith.constant 0 : index
      %swap3A_198 = tpu.vector_load %arg8[%swap3A_196, %swap3A_197] {strides = array<i32>} : memref<632x16xf32, #tpu.memory_space<vmem>>, vector<1x16xf32>,
      %swap3A_199 = vector.shape_cast %swap3A_198 : vector<1x16xf32> to vector<16xf32>
      %swap3A_200 = vector.shape_cast %broadcast_in_dim3A_18 : vector<16xf32> to vector<1x16xf32>
      tpu.vector_store %arg8[%swap3A_196, %swap3A_197], %swap3A_200 {strides = array<i32>} : memref<632x16xf32, #tpu.memory_space<vmem>>, vector<1x16xf32>,
      %mul3A_201 = arith.constant 8 : i32
      %mul3A_202 = arith.muli %scan3A_174, %mul3A_201 : i32
      %add3A_203 = arith.constant 3 : i32
      %add3A_204 = arith.addi %mul3A_202, %add3A_203 : i32
      %swap3A_205 = arith.index_cast %add3A_204 : i32 to index
      %swap3A_206 = arith.constant 0 : index
      %swap3A_207 = tpu.vector_load %arg8[%swap3A_205, %swap3A_206] {strides = array<i32>} : memref<632x16xf32, #tpu.memory_space<vmem>>, vector<1x16xf32>,
      %swap3A_208 = vector.shape_cast %swap3A_207 : vector<1x16xf32> to vector<16xf32>
      %swap3A_209 = vector.shape_cast %broadcast_in_dim3A_18 : vector<16xf32> to vector<1x16xf32>
      tpu.vector_store %arg8[%swap3A_205, %swap3A_206], %swap3A_209 {strides = array<i32>} : memref<632x16xf32, #tpu.memory_space<vmem>>, vector<1x16xf32>,
      %mul3A_210 = arith.constant 8 : i32
      %mul3A_211 = arith.muli %scan3A_174, %mul3A_210 : i32
      %add3A_212 = arith.constant 4 : i32
      %add3A_213 = arith.addi %mul3A_211, %add3A_212 : i32
      %swap3A_214 = arith.index_cast %add3A_213 : i32 to index
      %swap3A_215 = arith.constant 0 : index
      %swap3A_216 = tpu.vector_load %arg8[%swap3A_214, %swap3A_215] {strides = array<i32>} : memref<632x16xf32, #tpu.memory_space<vmem>>, vector<1x16xf32>,
      %swap3A_217 = vector.shape_cast %swap3A_216 : vector<1x16xf32> to vector<16xf32>
      %swap3A_218 = vector.shape_cast %broadcast_in_dim3A_18 : vector<16xf32> to vector<1x16xf32>
      tpu.vector_store %arg8[%swap3A_214, %swap3A_215], %swap3A_218 {strides = array<i32>} : memref<632x16xf32, #tpu.memory_space<vmem>>, vector<1x16xf32>,
      %mul3A_219 = arith.constant 8 : i32
      %mul3A_220 = arith.muli %scan3A_174, %mul3A_219 : i32
      %add3A_221 = arith.constant 5 : i32
      %add3A_222 = arith.addi %mul3A_220, %add3A_221 : i32
      %swap3A_223 = arith.index_cast %add3A_222 : i32 to index
      %swap3A_224 = arith.constant 0 : index
      %swap3A_225 = tpu.vector_load %arg8[%swap3A_223, %swap3A_224] {strides = array<i32>} : memref<632x16xf32, #tpu.memory_space<vmem>>, vector<1x16xf32>,
      %swap3A_226 = vector.shape_cast %swap3A_225 : vector<1x16xf32> to vector<16xf32>
      %swap3A_227 = vector.shape_cast %broadcast_in_dim3A_18 : vector<16xf32> to vector<1x16xf32>
      tpu.vector_store %arg8[%swap3A_223, %swap3A_224], %swap3A_227 {strides = array<i32>} : memref<632x16xf32, #tpu.memory_space<vmem>>, vector<1x16xf32>,
      %mul3A_228 = arith.constant 8 : i32
      %mul3A_229 = arith.muli %scan3A_174, %mul3A_228 : i32
      %add3A_230 = arith.constant 6 : i32
      %add3A_231 = arith.addi %mul3A_229, %add3A_230 : i32
      %swap3A_232 = arith.index_cast %add3A_231 : i32 to index
      %swap3A_233 = arith.constant 0 : index
      %swap3A_234 = tpu.vector_load %arg8[%swap3A_232, %swap3A_233] {strides = array<i32>} : memref<632x16xf32, #tpu.memory_space<vmem>>, vector<1x16xf32>,
      %swap3A_235 = vector.shape_cast %swap3A_234 : vector<1x16xf32> to vector<16xf32>
      %swap3A_236 = vector.shape_cast %broadcast_in_dim3A_18 : vector<16xf32> to vector<1x16xf32>
      tpu.vector_store %arg8[%swap3A_232, %swap3A_233], %swap3A_236 {strides = array<i32>} : memref<632x16xf32, #tpu.memory_space<vmem>>, vector<1x16xf32>,
      %mul3A_237 = arith.constant 8 : i32
      %mul3A_238 = arith.muli %scan3A_174, %mul3A_237 : i32
      %add3A_239 = arith.constant 7 : i32
      %add3A_240 = arith.addi %mul3A_238, %add3A_239 : i32
      %swap3A_241 = arith.index_cast %add3A_240 : i32 to index
      %swap3A_242 = arith.constant 0 : index
      %swap3A_243 = tpu.vector_load %arg8[%swap3A_241, %swap3A_242] {strides = array<i32>} : memref<632x16xf32, #tpu.memory_space<vmem>>, vector<1x16xf32>,
      %swap3A_244 = vector.shape_cast %swap3A_243 : vector<1x16xf32> to vector<16xf32>
      %swap3A_245 = vector.shape_cast %broadcast_in_dim3A_18 : vector<16xf32> to vector<1x16xf32>
      tpu.vector_store %arg8[%swap3A_241, %swap3A_242], %swap3A_245 {strides = array<i32>} : memref<632x16xf32, #tpu.memory_space<vmem>>, vector<1x16xf32>,
    }
    %scan3A_23 = arith.constant 79 : i32
    "tpu.region"() ({
      %run_scoped3A = tpu.sem_alloc : memref<!tpu.dma_semaphore, #tpu.memory_space<semaphore_mem>>
      %dma_start3A_174 = arith.constant 0 : i32
      %dma_start3A_175 = tpu.memref_slice %arg10[%mul3A_17, %dma_start3A_174] : memref<10112x16xf32, #tpu.memory_space<vmem_shared>> -> memref<632x16xf32, #tpu.memory_space<vmem_shared>>
      %dma_start3A_176 = arith.constant 0 : i32
      %dma_start3A_177 = tpu.memref_slice %arg10[%mul3A_17, %dma_start3A_176] : memref<10112x16xf32, #tpu.memory_space<vmem_shared>> -> memref<632x16xf32, #tpu.memory_space<vmem_shared>>
      tpu.enqueue_dma source(%arg8 : memref<632x16xf32, #tpu.memory_space<vmem>>) target(%dma_start3A_177 : memref<632x16xf32, #tpu.memory_space<vmem_shared>>) target_semaphore(%run_scoped3A : memref<!tpu.dma_semaphore, #tpu.memory_space<semaphore_mem>>)
      %dma_wait3A_178 = arith.constant 0 : i32
      %dma_wait3A_179 = tpu.memref_slice %arg10[%mul3A_17, %dma_wait3A_178] : memref<10112x16xf32, #tpu.memory_space<vmem_shared>> -> memref<632x16xf32, #tpu.memory_space<vmem_shared>>
      %dma_wait3A_180 = arith.constant 0 : i32
      %dma_wait3A_181 = tpu.memref_slice %arg10[%mul3A_17, %dma_wait3A_180] : memref<10112x16xf32, #tpu.memory_space<vmem_shared>> -> memref<632x16xf32, #tpu.memory_space<vmem_shared>>
      tpu.wait_dma2 semaphore(%run_scoped3A : memref<!tpu.dma_semaphore, #tpu.memory_space<semaphore_mem>>) src(%arg8 : memref<632x16xf32, #tpu.memory_space<vmem>>) dst(%dma_wait3A_181 : memref<632x16xf32, #tpu.memory_space<vmem_shared>>)
      tpu.yield
    }) : () -> ()
    %dma_wait3A = arith.constant 0 : i32
    %dma_wait3A_24 = tpu.memref_slice %arg9[%mul3A_12, %dma_wait3A] : memref<10112x16xf32, #tpu.memory_space<vmem_shared>> -> memref<625x16xf32, #tpu.memory_space<vmem_shared>>
    %dma_wait3A_25 = arith.constant 0 : i32
    %dma_wait3A_26 = tpu.memref_slice %arg2[%mul3A_12, %dma_wait3A_25] : memref<10000x16xf32, #tpu.memory_space<hbm>> -> memref<625x16xf32, #tpu.memory_space<hbm>>
    tpu.wait_dma2 semaphore(%arg11 : memref<!tpu.dma_semaphore, #tpu.memory_space<semaphore_mem>>) src(%dma_wait3A_26 : memref<625x16xf32, #tpu.memory_space<hbm>>) dst(%dma_wait3A_24 : memref<625x16xf32, #tpu.memory_space<vmem_shared>>)
    %lt3A_27 = arith.constant 4 : i32
    %lt3A_28 = arith.cmpi slt, %add3A, %lt3A_27 : i32
    %convert_element_type3A_29 = arith.extui %lt3A_28 : i1 to i32
    %cond3A_30 = arith.constant 0 : i32
    %cond3A_31 = arith.cmpi ne, %convert_element_type3A_29, %cond3A_30 : i32
    scf.if %cond3A_31 {
      %dma_wait3A_174 = arith.constant 0 : i32
      %dma_wait3A_175 = arith.constant 0 : i32
      %dma_wait3A_176 = arith.constant 0 : i32
      %dma_wait3A_177 = tpu.memref_slice %arg3[%dma_wait3A_174, %dma_wait3A_175, %dma_wait3A_176] : memref<2x2500x128xi32, #tpu.memory_space<hbm>> -> memref<1x79x128xi32, #tpu.memory_space<hbm>>
      %dma_wait3A_178 = tpu.memref_squeeze %dma_wait3A_177 : memref<1x79x128xi32, #tpu.memory_space<hbm>> -> memref<79x128xi32, #tpu.memory_space<hbm>>
      %dma_wait3A_179 = arith.constant 0 : i32
      %dma_wait3A_180 = arith.constant 0 : i32
      %dma_wait3A_181 = tpu.memref_slice %arg3[%dma_wait3A_174, %dma_wait3A_179, %dma_wait3A_180] : memref<2x2500x128xi32, #tpu.memory_space<hbm>> -> memref<1x79x128xi32, #tpu.memory_space<hbm>>
      %dma_wait3A_182 = tpu.memref_squeeze %dma_wait3A_181 : memref<1x79x128xi32, #tpu.memory_space<hbm>> -> memref<79x128xi32, #tpu.memory_space<hbm>>
      tpu.wait_dma2 semaphore(%arg12 : memref<!tpu.dma_semaphore, #tpu.memory_space<semaphore_mem>>) src(%dma_wait3A_182 : memref<79x128xi32, #tpu.memory_space<hbm>>) dst(%arg5 : memref<79x128xi32, #tpu.memory_space<vmem>>)
      %dma_wait3A_183 = arith.constant 1 : i32
      %dma_wait3A_184 = arith.constant 0 : i32
      %dma_wait3A_185 = arith.constant 0 : i32
      %dma_wait3A_186 = tpu.memref_slice %arg3[%dma_wait3A_183, %dma_wait3A_184, %dma_wait3A_185] : memref<2x2500x128xi32, #tpu.memory_space<hbm>> -> memref<1x79x128xi32, #tpu.memory_space<hbm>>
      %dma_wait3A_187 = tpu.memref_squeeze %dma_wait3A_186 : memref<1x79x128xi32, #tpu.memory_space<hbm>> -> memref<79x128xi32, #tpu.memory_space<hbm>>
      %dma_wait3A_188 = arith.constant 0 : i32
      %dma_wait3A_189 = arith.constant 0 : i32
      %dma_wait3A_190 = tpu.memref_slice %arg3[%dma_wait3A_183, %dma_wait3A_188, %dma_wait3A_189] : memref<2x2500x128xi32, #tpu.memory_space<hbm>> -> memref<1x79x128xi32, #tpu.memory_space<hbm>>
      %dma_wait3A_191 = tpu.memref_squeeze %dma_wait3A_190 : memref<1x79x128xi32, #tpu.memory_space<hbm>> -> memref<79x128xi32, #tpu.memory_space<hbm>>
      tpu.wait_dma2 semaphore(%arg12 : memref<!tpu.dma_semaphore, #tpu.memory_space<semaphore_mem>>) src(%dma_wait3A_191 : memref<79x128xi32, #tpu.memory_space<hbm>>) dst(%arg6 : memref<79x128xi32, #tpu.memory_space<vmem>>)
    } else {
    }
    %not3A_32 = arith.constant true
    %not3A_33 = arith.xori %lt3A_28, %not3A_32 : i1
    %convert_element_type3A_34 = arith.extui %not3A_33 : i1 to i32
    %cond3A_35 = arith.constant 0 : i32
    %cond3A_36 = arith.cmpi ne, %convert_element_type3A_34, %cond3A_35 : i32
    scf.if %cond3A_36 {
      %dma_wait3A_174 = arith.constant 0 : i32
      %dma_wait3A_175 = arith.constant 0 : i32
      %dma_wait3A_176 = arith.constant 0 : i32
      %dma_wait3A_177 = tpu.memref_slice %arg5[%dma_wait3A_175, %dma_wait3A_176] : memref<79x128xi32, #tpu.memory_space<vmem>> -> memref<78x128xi32, #tpu.memory_space<vmem>>
      %dma_wait3A_178 = arith.constant 0 : i32
      %dma_wait3A_179 = arith.constant 0 : i32
      %dma_wait3A_180 = tpu.memref_slice %arg3[%dma_wait3A_174, %dma_wait3A_178, %dma_wait3A_179] : memref<2x2500x128xi32, #tpu.memory_space<hbm>> -> memref<1x78x128xi32, #tpu.memory_space<hbm>>
      %dma_wait3A_181 = tpu.memref_squeeze %dma_wait3A_180 : memref<1x78x128xi32, #tpu.memory_space<hbm>> -> memref<78x128xi32, #tpu.memory_space<hbm>>
      %dma_wait3A_182 = arith.constant 0 : i32
      %dma_wait3A_183 = arith.constant 0 : i32
      %dma_wait3A_184 = tpu.memref_slice %arg5[%dma_wait3A_182, %dma_wait3A_183] : memref<79x128xi32, #tpu.memory_space<vmem>> -> memref<78x128xi32, #tpu.memory_space<vmem>>
      %dma_wait3A_185 = arith.constant 0 : i32
      %dma_wait3A_186 = arith.constant 0 : i32
      %dma_wait3A_187 = tpu.memref_slice %arg3[%dma_wait3A_174, %dma_wait3A_185, %dma_wait3A_186] : memref<2x2500x128xi32, #tpu.memory_space<hbm>> -> memref<1x78x128xi32, #tpu.memory_space<hbm>>
      %dma_wait3A_188 = tpu.memref_squeeze %dma_wait3A_187 : memref<1x78x128xi32, #tpu.memory_space<hbm>> -> memref<78x128xi32, #tpu.memory_space<hbm>>
      tpu.wait_dma2 semaphore(%arg12 : memref<!tpu.dma_semaphore, #tpu.memory_space<semaphore_mem>>) src(%dma_wait3A_188 : memref<78x128xi32, #tpu.memory_space<hbm>>) dst(%dma_wait3A_184 : memref<78x128xi32, #tpu.memory_space<vmem>>)
      %dma_wait3A_189 = arith.constant 1 : i32
      %dma_wait3A_190 = arith.constant 0 : i32
      %dma_wait3A_191 = arith.constant 0 : i32
      %dma_wait3A_192 = tpu.memref_slice %arg6[%dma_wait3A_190, %dma_wait3A_191] : memref<79x128xi32, #tpu.memory_space<vmem>> -> memref<78x128xi32, #tpu.memory_space<vmem>>
      %dma_wait3A_193 = arith.constant 0 : i32
      %dma_wait3A_194 = arith.constant 0 : i32
      %dma_wait3A_195 = tpu.memref_slice %arg3[%dma_wait3A_189, %dma_wait3A_193, %dma_wait3A_194] : memref<2x2500x128xi32, #tpu.memory_space<hbm>> -> memref<1x78x128xi32, #tpu.memory_space<hbm>>
      %dma_wait3A_196 = tpu.memref_squeeze %dma_wait3A_195 : memref<1x78x128xi32, #tpu.memory_space<hbm>> -> memref<78x128xi32, #tpu.memory_space<hbm>>
      %dma_wait3A_197 = arith.constant 0 : i32
      %dma_wait3A_198 = arith.constant 0 : i32
      %dma_wait3A_199 = tpu.memref_slice %arg6[%dma_wait3A_197, %dma_wait3A_198] : memref<79x128xi32, #tpu.memory_space<vmem>> -> memref<78x128xi32, #tpu.memory_space<vmem>>
      %dma_wait3A_200 = arith.constant 0 : i32
      %dma_wait3A_201 = arith.constant 0 : i32
      %dma_wait3A_202 = tpu.memref_slice %arg3[%dma_wait3A_189, %dma_wait3A_200, %dma_wait3A_201] : memref<2x2500x128xi32, #tpu.memory_space<hbm>> -> memref<1x78x128xi32, #tpu.memory_space<hbm>>
      %dma_wait3A_203 = tpu.memref_squeeze %dma_wait3A_202 : memref<1x78x128xi32, #tpu.memory_space<hbm>> -> memref<78x128xi32, #tpu.memory_space<hbm>>
      tpu.wait_dma2 semaphore(%arg12 : memref<!tpu.dma_semaphore, #tpu.memory_space<semaphore_mem>>) src(%dma_wait3A_203 : memref<78x128xi32, #tpu.memory_space<hbm>>) dst(%dma_wait3A_199 : memref<78x128xi32, #tpu.memory_space<vmem>>)
    } else {
    }
    %barrier3A = arith.constant 0 : index
    tpu.barrier barrier_id(%barrier3A)
    %mul3A_37 = arith.constant 2 : i32
    %mul3A_38 = arith.muli %arg1, %mul3A_37 : i32
    %add3A_39 = arith.addi %mul3A_38, %arg0 : i32
    %lt3A_40 = arith.constant 4 : i32
    %lt3A_41 = arith.cmpi slt, %add3A_39, %lt3A_40 : i32
    %dma_start3A_42 = arith.constant 0 : i32
    %dma_start3A_43 = arith.constant 0 : i32
    %dma_start3A_44 = arith.constant 0 : i32
    %dma_start3A_45 = arith.constant 0 : i32
    %dma_start3A_46 = tpu.memref_slice %arg7[%dma_start3A_43, %dma_start3A_44, %dma_start3A_45] : memref<6x128x16xf32, #tpu.memory_space<vmem>> -> memref<1x128x16xf32, #tpu.memory_space<vmem>>
    %dma_start3A_47 = tpu.memref_squeeze %dma_start3A_46 : memref<1x128x16xf32, #tpu.memory_space<vmem>> -> memref<128x16xf32, #tpu.memory_space<vmem>>
    %dma_start3A_48 = arith.constant 0 : i32
    %dma_start3A_49 = tpu.memref_slice %arg5[%dma_start3A_42, %dma_start3A_48] : memref<79x128xi32, #tpu.memory_space<vmem>> -> memref<1x128xi32, #tpu.memory_space<vmem>>
    %dma_start3A_50 = tpu.memref_squeeze %dma_start3A_49 : memref<1x128xi32, #tpu.memory_space<vmem>> -> memref<128xi32, #tpu.memory_space<vmem>>
    %dma_start3A_51 = arith.constant 0 : i32
    %dma_start3A_52 = arith.constant 0 : i32
    %dma_start3A_53 = tpu.memref_slice %arg9[%dma_start3A_51, %dma_start3A_52] : memref<10112x16xf32, #tpu.memory_space<vmem_shared>> -> memref<10112x16xf32, #tpu.memory_space<vmem_shared>>
    tpu.enqueue_indirect_dma source(%dma_start3A_53 : memref<10112x16xf32, #tpu.memory_space<vmem_shared>>) target(%dma_start3A_47 : memref<128x16xf32, #tpu.memory_space<vmem>>) offsets(%dma_start3A_50 : memref<128xi32, #tpu.memory_space<vmem>>) semaphore(%arg13 : memref<!tpu.dma_semaphore, #tpu.memory_space<semaphore_mem>>)
    %dma_start3A_54 = arith.constant 1 : i32
    %dma_start3A_55 = arith.constant 1 : i32
    %dma_start3A_56 = arith.constant 0 : i32
    %dma_start3A_57 = arith.constant 0 : i32
    %dma_start3A_58 = tpu.memref_slice %arg7[%dma_start3A_55, %dma_start3A_56, %dma_start3A_57] : memref<6x128x16xf32, #tpu.memory_space<vmem>> -> memref<1x128x16xf32, #tpu.memory_space<vmem>>
    %dma_start3A_59 = tpu.memref_squeeze %dma_start3A_58 : memref<1x128x16xf32, #tpu.memory_space<vmem>> -> memref<128x16xf32, #tpu.memory_space<vmem>>
    %dma_start3A_60 = arith.constant 0 : i32
    %dma_start3A_61 = tpu.memref_slice %arg5[%dma_start3A_54, %dma_start3A_60] : memref<79x128xi32, #tpu.memory_space<vmem>> -> memref<1x128xi32, #tpu.memory_space<vmem>>
    %dma_start3A_62 = tpu.memref_squeeze %dma_start3A_61 : memref<1x128xi32, #tpu.memory_space<vmem>> -> memref<128xi32, #tpu.memory_space<vmem>>
    %dma_start3A_63 = arith.constant 0 : i32
    %dma_start3A_64 = arith.constant 0 : i32
    %dma_start3A_65 = tpu.memref_slice %arg9[%dma_start3A_63, %dma_start3A_64] : memref<10112x16xf32, #tpu.memory_space<vmem_shared>> -> memref<10112x16xf32, #tpu.memory_space<vmem_shared>>
    tpu.enqueue_indirect_dma source(%dma_start3A_65 : memref<10112x16xf32, #tpu.memory_space<vmem_shared>>) target(%dma_start3A_59 : memref<128x16xf32, #tpu.memory_space<vmem>>) offsets(%dma_start3A_62 : memref<128xi32, #tpu.memory_space<vmem>>) semaphore(%arg14 : memref<!tpu.dma_semaphore, #tpu.memory_space<semaphore_mem>>)
    %dma_start3A_66 = arith.constant 2 : i32
    %dma_start3A_67 = arith.constant 2 : i32
    %dma_start3A_68 = arith.constant 0 : i32
    %dma_start3A_69 = arith.constant 0 : i32
    %dma_start3A_70 = tpu.memref_slice %arg7[%dma_start3A_67, %dma_start3A_68, %dma_start3A_69] : memref<6x128x16xf32, #tpu.memory_space<vmem>> -> memref<1x128x16xf32, #tpu.memory_space<vmem>>
    %dma_start3A_71 = tpu.memref_squeeze %dma_start3A_70 : memref<1x128x16xf32, #tpu.memory_space<vmem>> -> memref<128x16xf32, #tpu.memory_space<vmem>>
    %dma_start3A_72 = arith.constant 0 : i32
    %dma_start3A_73 = tpu.memref_slice %arg5[%dma_start3A_66, %dma_start3A_72] : memref<79x128xi32, #tpu.memory_space<vmem>> -> memref<1x128xi32, #tpu.memory_space<vmem>>
    %dma_start3A_74 = tpu.memref_squeeze %dma_start3A_73 : memref<1x128xi32, #tpu.memory_space<vmem>> -> memref<128xi32, #tpu.memory_space<vmem>>
    %dma_start3A_75 = arith.constant 0 : i32
    %dma_start3A_76 = arith.constant 0 : i32
    %dma_start3A_77 = tpu.memref_slice %arg9[%dma_start3A_75, %dma_start3A_76] : memref<10112x16xf32, #tpu.memory_space<vmem_shared>> -> memref<10112x16xf32, #tpu.memory_space<vmem_shared>>
    tpu.enqueue_indirect_dma source(%dma_start3A_77 : memref<10112x16xf32, #tpu.memory_space<vmem_shared>>) target(%dma_start3A_71 : memref<128x16xf32, #tpu.memory_space<vmem>>) offsets(%dma_start3A_74 : memref<128xi32, #tpu.memory_space<vmem>>) semaphore(%arg15 : memref<!tpu.dma_semaphore, #tpu.memory_space<semaphore_mem>>)
    %dma_start3A_78 = arith.constant 3 : i32
    %dma_start3A_79 = arith.constant 3 : i32
    %dma_start3A_80 = arith.constant 0 : i32
    %dma_start3A_81 = arith.constant 0 : i32
    %dma_start3A_82 = tpu.memref_slice %arg7[%dma_start3A_79, %dma_start3A_80, %dma_start3A_81] : memref<6x128x16xf32, #tpu.memory_space<vmem>> -> memref<1x128x16xf32, #tpu.memory_space<vmem>>
    %dma_start3A_83 = tpu.memref_squeeze %dma_start3A_82 : memref<1x128x16xf32, #tpu.memory_space<vmem>> -> memref<128x16xf32, #tpu.memory_space<vmem>>
    %dma_start3A_84 = arith.constant 0 : i32
    %dma_start3A_85 = tpu.memref_slice %arg5[%dma_start3A_78, %dma_start3A_84] : memref<79x128xi32, #tpu.memory_space<vmem>> -> memref<1x128xi32, #tpu.memory_space<vmem>>
    %dma_start3A_86 = tpu.memref_squeeze %dma_start3A_85 : memref<1x128xi32, #tpu.memory_space<vmem>> -> memref<128xi32, #tpu.memory_space<vmem>>
    %dma_start3A_87 = arith.constant 0 : i32
    %dma_start3A_88 = arith.constant 0 : i32
    %dma_start3A_89 = tpu.memref_slice %arg9[%dma_start3A_87, %dma_start3A_88] : memref<10112x16xf32, #tpu.memory_space<vmem_shared>> -> memref<10112x16xf32, #tpu.memory_space<vmem_shared>>
    tpu.enqueue_indirect_dma source(%dma_start3A_89 : memref<10112x16xf32, #tpu.memory_space<vmem_shared>>) target(%dma_start3A_83 : memref<128x16xf32, #tpu.memory_space<vmem>>) offsets(%dma_start3A_86 : memref<128xi32, #tpu.memory_space<vmem>>) semaphore(%arg16 : memref<!tpu.dma_semaphore, #tpu.memory_space<semaphore_mem>>)
    %scan3A_90 = arith.constant 0 : i32
    %scan3A_91 = arith.constant 0 : i32
    %scan3A_92 = arith.constant 13 : i32
    %scan3A_93 = arith.addi %scan3A_91, %scan3A_92 : i32
    %scan3A_94 = arith.constant 1 : i32
    scf.for %scan3A_174 = %scan3A_91 to %scan3A_93 step %scan3A_94  : i32 {
      %mul3A_175 = arith.constant 6 : i32
      %mul3A_176 = arith.muli %mul3A_175, %scan3A_174 : i32
      %add3A_177 = arith.constant 0 : i32
      %add3A_178 = arith.addi %mul3A_176, %add3A_177 : i32
      %dma_wait3A_179 = arith.constant 0 : i32
      %dma_wait3A_180 = arith.constant 0 : i32
      %dma_wait3A_181 = arith.constant 0 : i32
      %dma_wait3A_182 = tpu.memref_slice %arg7[%dma_wait3A_179, %dma_wait3A_180, %dma_wait3A_181] : memref<6x128x16xf32, #tpu.memory_space<vmem>> -> memref<1x128x16xf32, #tpu.memory_space<vmem>>
      %dma_wait3A_183 = tpu.memref_squeeze %dma_wait3A_182 : memref<1x128x16xf32, #tpu.memory_space<vmem>> -> memref<128x16xf32, #tpu.memory_space<vmem>>
      %dma_wait3A_184 = arith.constant 0 : i32
      %dma_wait3A_185 = tpu.memref_slice %arg5[%add3A_178, %dma_wait3A_184] : memref<79x128xi32, #tpu.memory_space<vmem>> -> memref<1x128xi32, #tpu.memory_space<vmem>>
      %dma_wait3A_186 = tpu.memref_squeeze %dma_wait3A_185 : memref<1x128xi32, #tpu.memory_space<vmem>> -> memref<128xi32, #tpu.memory_space<vmem>>
      %dma_wait3A_187 = arith.constant 0 : i32
      %dma_wait3A_188 = arith.constant 0 : i32
      %dma_wait3A_189 = tpu.memref_slice %arg9[%dma_wait3A_187, %dma_wait3A_188] : memref<10112x16xf32, #tpu.memory_space<vmem_shared>> -> memref<10112x16xf32, #tpu.memory_space<vmem_shared>>
      tpu.wait_indirect_dma semaphore(%arg13 : memref<!tpu.dma_semaphore, #tpu.memory_space<semaphore_mem>>) src(%dma_wait3A_189 : memref<10112x16xf32, #tpu.memory_space<vmem_shared>>) dst(%dma_wait3A_183 : memref<128x16xf32, #tpu.memory_space<vmem>>)
      %dma_start3A_190 = arith.constant 0 : i32
      %dma_start3A_191 = arith.constant 0 : i32
      %dma_start3A_192 = arith.constant 0 : i32
      %dma_start3A_193 = tpu.memref_slice %arg7[%dma_start3A_190, %dma_start3A_191, %dma_start3A_192] : memref<6x128x16xf32, #tpu.memory_space<vmem>> -> memref<1x128x16xf32, #tpu.memory_space<vmem>>
      %dma_start3A_194 = tpu.memref_squeeze %dma_start3A_193 : memref<1x128x16xf32, #tpu.memory_space<vmem>> -> memref<128x16xf32, #tpu.memory_space<vmem>>
      %dma_start3A_195 = arith.constant 0 : i32
      %dma_start3A_196 = tpu.memref_slice %arg6[%add3A_178, %dma_start3A_195] : memref<79x128xi32, #tpu.memory_space<vmem>> -> memref<1x128xi32, #tpu.memory_space<vmem>>
      %dma_start3A_197 = tpu.memref_squeeze %dma_start3A_196 : memref<1x128xi32, #tpu.memory_space<vmem>> -> memref<128xi32, #tpu.memory_space<vmem>>
      %dma_start3A_198 = arith.constant 0 : i32
      %dma_start3A_199 = arith.constant 0 : i32
      %dma_start3A_200 = tpu.memref_slice %arg10[%dma_start3A_198, %dma_start3A_199] : memref<10112x16xf32, #tpu.memory_space<vmem_shared>> -> memref<10112x16xf32, #tpu.memory_space<vmem_shared>>
      tpu.enqueue_indirect_dma source(%dma_start3A_194 : memref<128x16xf32, #tpu.memory_space<vmem>>) target(%dma_start3A_200 : memref<10112x16xf32, #tpu.memory_space<vmem_shared>>) offsets(%dma_start3A_197 : memref<128xi32, #tpu.memory_space<vmem>>) semaphore(%arg19 : memref<!tpu.dma_semaphore, #tpu.memory_space<semaphore_mem>>) {add = true}
      %add3A_201 = arith.constant 4 : i32
      %add3A_202 = arith.addi %add3A_178, %add3A_201 : i32
      %lt3A_203 = arith.constant 78 : i32
      %lt3A_204 = arith.cmpi slt, %add3A_202, %lt3A_203 : i32
      %convert_element_type3A_205 = arith.extui %lt3A_204 : i1 to i32
      %cond3A_206 = arith.constant 0 : i32
      %cond3A_207 = arith.cmpi ne, %convert_element_type3A_205, %cond3A_206 : i32
      scf.if %cond3A_207 {
        %ge3A = arith.constant 2 : i32
        %ge3A_373 = arith.cmpi sge, %add3A_178, %ge3A : i32
        %convert_element_type3A_374 = arith.extui %ge3A_373 : i1 to i32
        %cond3A_375 = arith.constant 0 : i32
        %cond3A_376 = arith.cmpi ne, %convert_element_type3A_374, %cond3A_375 : i32
        scf.if %cond3A_376 {
          %sub3A = arith.constant 2 : i32
          %sub3A_390 = arith.subi %add3A_178, %sub3A : i32
          %dma_wait3A_391 = arith.constant 4 : i32
          %dma_wait3A_392 = arith.constant 0 : i32
          %dma_wait3A_393 = arith.constant 0 : i32
          %dma_wait3A_394 = tpu.memref_slice %arg7[%dma_wait3A_391, %dma_wait3A_392, %dma_wait3A_393] : memref<6x128x16xf32, #tpu.memory_space<vmem>> -> memref<1x128x16xf32, #tpu.memory_space<vmem>>
          %dma_wait3A_395 = tpu.memref_squeeze %dma_wait3A_394 : memref<1x128x16xf32, #tpu.memory_space<vmem>> -> memref<128x16xf32, #tpu.memory_space<vmem>>
          %dma_wait3A_396 = arith.constant 0 : i32
          %dma_wait3A_397 = tpu.memref_slice %arg6[%sub3A_390, %dma_wait3A_396] : memref<79x128xi32, #tpu.memory_space<vmem>> -> memref<1x128xi32, #tpu.memory_space<vmem>>
          %dma_wait3A_398 = tpu.memref_squeeze %dma_wait3A_397 : memref<1x128xi32, #tpu.memory_space<vmem>> -> memref<128xi32, #tpu.memory_space<vmem>>
          %dma_wait3A_399 = arith.constant 0 : i32
          %dma_wait3A_400 = arith.constant 0 : i32
          %dma_wait3A_401 = tpu.memref_slice %arg10[%dma_wait3A_399, %dma_wait3A_400] : memref<10112x16xf32, #tpu.memory_space<vmem_shared>> -> memref<10112x16xf32, #tpu.memory_space<vmem_shared>>
          tpu.wait_indirect_dma semaphore(%arg23 : memref<!tpu.dma_semaphore, #tpu.memory_space<semaphore_mem>>) src(%dma_wait3A_395 : memref<128x16xf32, #tpu.memory_space<vmem>>) dst(%dma_wait3A_401 : memref<10112x16xf32, #tpu.memory_space<vmem_shared>>)
        } else {
        }
        %add3A_377 = arith.constant 4 : i32
        %add3A_378 = arith.addi %add3A_178, %add3A_377 : i32
        %dma_start3A_379 = arith.constant 4 : i32
        %dma_start3A_380 = arith.constant 0 : i32
        %dma_start3A_381 = arith.constant 0 : i32
        %dma_start3A_382 = tpu.memref_slice %arg7[%dma_start3A_379, %dma_start3A_380, %dma_start3A_381] : memref<6x128x16xf32, #tpu.memory_space<vmem>> -> memref<1x128x16xf32, #tpu.memory_space<vmem>>
        %dma_start3A_383 = tpu.memref_squeeze %dma_start3A_382 : memref<1x128x16xf32, #tpu.memory_space<vmem>> -> memref<128x16xf32, #tpu.memory_space<vmem>>
        %dma_start3A_384 = arith.constant 0 : i32
        %dma_start3A_385 = tpu.memref_slice %arg5[%add3A_378, %dma_start3A_384] : memref<79x128xi32, #tpu.memory_space<vmem>> -> memref<1x128xi32, #tpu.memory_space<vmem>>
        %dma_start3A_386 = tpu.memref_squeeze %dma_start3A_385 : memref<1x128xi32, #tpu.memory_space<vmem>> -> memref<128xi32, #tpu.memory_space<vmem>>
        %dma_start3A_387 = arith.constant 0 : i32
        %dma_start3A_388 = arith.constant 0 : i32
        %dma_start3A_389 = tpu.memref_slice %arg9[%dma_start3A_387, %dma_start3A_388] : memref<10112x16xf32, #tpu.memory_space<vmem_shared>> -> memref<10112x16xf32, #tpu.memory_space<vmem_shared>>
        tpu.enqueue_indirect_dma source(%dma_start3A_389 : memref<10112x16xf32, #tpu.memory_space<vmem_shared>>) target(%dma_start3A_383 : memref<128x16xf32, #tpu.memory_space<vmem>>) offsets(%dma_start3A_386 : memref<128xi32, #tpu.memory_space<vmem>>) semaphore(%arg17 : memref<!tpu.dma_semaphore, #tpu.memory_space<semaphore_mem>>)
      } else {
      }
      %mul3A_208 = arith.constant 6 : i32
      %mul3A_209 = arith.muli %mul3A_208, %scan3A_174 : i32
      %add3A_210 = arith.constant 1 : i32
      %add3A_211 = arith.addi %mul3A_209, %add3A_210 : i32
      %dma_wait3A_212 = arith.constant 1 : i32
      %dma_wait3A_213 = arith.constant 0 : i32
      %dma_wait3A_214 = arith.constant 0 : i32
      %dma_wait3A_215 = tpu.memref_slice %arg7[%dma_wait3A_212, %dma_wait3A_213, %dma_wait3A_214] : memref<6x128x16xf32, #tpu.memory_space<vmem>> -> memref<1x128x16xf32, #tpu.memory_space<vmem>>
      %dma_wait3A_216 = tpu.memref_squeeze %dma_wait3A_215 : memref<1x128x16xf32, #tpu.memory_space<vmem>> -> memref<128x16xf32, #tpu.memory_space<vmem>>
      %dma_wait3A_217 = arith.constant 0 : i32
      %dma_wait3A_218 = tpu.memref_slice %arg5[%add3A_211, %dma_wait3A_217] : memref<79x128xi32, #tpu.memory_space<vmem>> -> memref<1x128xi32, #tpu.memory_space<vmem>>
      %dma_wait3A_219 = tpu.memref_squeeze %dma_wait3A_218 : memref<1x128xi32, #tpu.memory_space<vmem>> -> memref<128xi32, #tpu.memory_space<vmem>>
      %dma_wait3A_220 = arith.constant 0 : i32
      %dma_wait3A_221 = arith.constant 0 : i32
      %dma_wait3A_222 = tpu.memref_slice %arg9[%dma_wait3A_220, %dma_wait3A_221] : memref<10112x16xf32, #tpu.memory_space<vmem_shared>> -> memref<10112x16xf32, #tpu.memory_space<vmem_shared>>
      tpu.wait_indirect_dma semaphore(%arg14 : memref<!tpu.dma_semaphore, #tpu.memory_space<semaphore_mem>>) src(%dma_wait3A_222 : memref<10112x16xf32, #tpu.memory_space<vmem_shared>>) dst(%dma_wait3A_216 : memref<128x16xf32, #tpu.memory_space<vmem>>)
      %dma_start3A_223 = arith.constant 1 : i32
      %dma_start3A_224 = arith.constant 0 : i32
      %dma_start3A_225 = arith.constant 0 : i32
      %dma_start3A_226 = tpu.memref_slice %arg7[%dma_start3A_223, %dma_start3A_224, %dma_start3A_225] : memref<6x128x16xf32, #tpu.memory_space<vmem>> -> memref<1x128x16xf32, #tpu.memory_space<vmem>>
      %dma_start3A_227 = tpu.memref_squeeze %dma_start3A_226 : memref<1x128x16xf32, #tpu.memory_space<vmem>> -> memref<128x16xf32, #tpu.memory_space<vmem>>
      %dma_start3A_228 = arith.constant 0 : i32
      %dma_start3A_229 = tpu.memref_slice %arg6[%add3A_211, %dma_start3A_228] : memref<79x128xi32, #tpu.memory_space<vmem>> -> memref<1x128xi32, #tpu.memory_space<vmem>>
      %dma_start3A_230 = tpu.memref_squeeze %dma_start3A_229 : memref<1x128xi32, #tpu.memory_space<vmem>> -> memref<128xi32, #tpu.memory_space<vmem>>
      %dma_start3A_231 = arith.constant 0 : i32
      %dma_start3A_232 = arith.constant 0 : i32
      %dma_start3A_233 = tpu.memref_slice %arg10[%dma_start3A_231, %dma_start3A_232] : memref<10112x16xf32, #tpu.memory_space<vmem_shared>> -> memref<10112x16xf32, #tpu.memory_space<vmem_shared>>
      tpu.enqueue_indirect_dma source(%dma_start3A_227 : memref<128x16xf32, #tpu.memory_space<vmem>>) target(%dma_start3A_233 : memref<10112x16xf32, #tpu.memory_space<vmem_shared>>) offsets(%dma_start3A_230 : memref<128xi32, #tpu.memory_space<vmem>>) semaphore(%arg20 : memref<!tpu.dma_semaphore, #tpu.memory_space<semaphore_mem>>) {add = true}
      %add3A_234 = arith.constant 4 : i32
      %add3A_235 = arith.addi %add3A_211, %add3A_234 : i32
      %lt3A_236 = arith.constant 78 : i32
      %lt3A_237 = arith.cmpi slt, %add3A_235, %lt3A_236 : i32
      %convert_element_type3A_238 = arith.extui %lt3A_237 : i1 to i32
      %cond3A_239 = arith.constant 0 : i32
      %cond3A_240 = arith.cmpi ne, %convert_element_type3A_238, %cond3A_239 : i32
      scf.if %cond3A_240 {
        %ge3A = arith.constant 2 : i32
        %ge3A_373 = arith.cmpi sge, %add3A_211, %ge3A : i32
        %convert_element_type3A_374 = arith.extui %ge3A_373 : i1 to i32
        %cond3A_375 = arith.constant 0 : i32
        %cond3A_376 = arith.cmpi ne, %convert_element_type3A_374, %cond3A_375 : i32
        scf.if %cond3A_376 {
          %sub3A = arith.constant 2 : i32
          %sub3A_390 = arith.subi %add3A_211, %sub3A : i32
          %dma_wait3A_391 = arith.constant 5 : i32
          %dma_wait3A_392 = arith.constant 0 : i32
          %dma_wait3A_393 = arith.constant 0 : i32
          %dma_wait3A_394 = tpu.memref_slice %arg7[%dma_wait3A_391, %dma_wait3A_392, %dma_wait3A_393] : memref<6x128x16xf32, #tpu.memory_space<vmem>> -> memref<1x128x16xf32, #tpu.memory_space<vmem>>
          %dma_wait3A_395 = tpu.memref_squeeze %dma_wait3A_394 : memref<1x128x16xf32, #tpu.memory_space<vmem>> -> memref<128x16xf32, #tpu.memory_space<vmem>>
          %dma_wait3A_396 = arith.constant 0 : i32
          %dma_wait3A_397 = tpu.memref_slice %arg6[%sub3A_390, %dma_wait3A_396] : memref<79x128xi32, #tpu.memory_space<vmem>> -> memref<1x128xi32, #tpu.memory_space<vmem>>
          %dma_wait3A_398 = tpu.memref_squeeze %dma_wait3A_397 : memref<1x128xi32, #tpu.memory_space<vmem>> -> memref<128xi32, #tpu.memory_space<vmem>>
          %dma_wait3A_399 = arith.constant 0 : i32
          %dma_wait3A_400 = arith.constant 0 : i32
          %dma_wait3A_401 = tpu.memref_slice %arg10[%dma_wait3A_399, %dma_wait3A_400] : memref<10112x16xf32, #tpu.memory_space<vmem_shared>> -> memref<10112x16xf32, #tpu.memory_space<vmem_shared>>
          tpu.wait_indirect_dma semaphore(%arg24 : memref<!tpu.dma_semaphore, #tpu.memory_space<semaphore_mem>>) src(%dma_wait3A_395 : memref<128x16xf32, #tpu.memory_space<vmem>>) dst(%dma_wait3A_401 : memref<10112x16xf32, #tpu.memory_space<vmem_shared>>)
        } else {
        }
        %add3A_377 = arith.constant 4 : i32
        %add3A_378 = arith.addi %add3A_211, %add3A_377 : i32
        %dma_start3A_379 = arith.constant 5 : i32
        %dma_start3A_380 = arith.constant 0 : i32
        %dma_start3A_381 = arith.constant 0 : i32
        %dma_start3A_382 = tpu.memref_slice %arg7[%dma_start3A_379, %dma_start3A_380, %dma_start3A_381] : memref<6x128x16xf32, #tpu.memory_space<vmem>> -> memref<1x128x16xf32, #tpu.memory_space<vmem>>
        %dma_start3A_383 = tpu.memref_squeeze %dma_start3A_382 : memref<1x128x16xf32, #tpu.memory_space<vmem>> -> memref<128x16xf32, #tpu.memory_space<vmem>>
        %dma_start3A_384 = arith.constant 0 : i32
        %dma_start3A_385 = tpu.memref_slice %arg5[%add3A_378, %dma_start3A_384] : memref<79x128xi32, #tpu.memory_space<vmem>> -> memref<1x128xi32, #tpu.memory_space<vmem>>
        %dma_start3A_386 = tpu.memref_squeeze %dma_start3A_385 : memref<1x128xi32, #tpu.memory_space<vmem>> -> memref<128xi32, #tpu.memory_space<vmem>>
        %dma_start3A_387 = arith.constant 0 : i32
        %dma_start3A_388 = arith.constant 0 : i32
        %dma_start3A_389 = tpu.memref_slice %arg9[%dma_start3A_387, %dma_start3A_388] : memref<10112x16xf32, #tpu.memory_space<vmem_shared>> -> memref<10112x16xf32, #tpu.memory_space<vmem_shared>>
        tpu.enqueue_indirect_dma source(%dma_start3A_389 : memref<10112x16xf32, #tpu.memory_space<vmem_shared>>) target(%dma_start3A_383 : memref<128x16xf32, #tpu.memory_space<vmem>>) offsets(%dma_start3A_386 : memref<128xi32, #tpu.memory_space<vmem>>) semaphore(%arg18 : memref<!tpu.dma_semaphore, #tpu.memory_space<semaphore_mem>>)
      } else {
      }
      %mul3A_241 = arith.constant 6 : i32
      %mul3A_242 = arith.muli %mul3A_241, %scan3A_174 : i32
      %add3A_243 = arith.constant 2 : i32
      %add3A_244 = arith.addi %mul3A_242, %add3A_243 : i32
      %dma_wait3A_245 = arith.constant 2 : i32
      %dma_wait3A_246 = arith.constant 0 : i32
      %dma_wait3A_247 = arith.constant 0 : i32
      %dma_wait3A_248 = tpu.memref_slice %arg7[%dma_wait3A_245, %dma_wait3A_246, %dma_wait3A_247] : memref<6x128x16xf32, #tpu.memory_space<vmem>> -> memref<1x128x16xf32, #tpu.memory_space<vmem>>
      %dma_wait3A_249 = tpu.memref_squeeze %dma_wait3A_248 : memref<1x128x16xf32, #tpu.memory_space<vmem>> -> memref<128x16xf32, #tpu.memory_space<vmem>>
      %dma_wait3A_250 = arith.constant 0 : i32
      %dma_wait3A_251 = tpu.memref_slice %arg5[%add3A_244, %dma_wait3A_250] : memref<79x128xi32, #tpu.memory_space<vmem>> -> memref<1x128xi32, #tpu.memory_space<vmem>>
      %dma_wait3A_252 = tpu.memref_squeeze %dma_wait3A_251 : memref<1x128xi32, #tpu.memory_space<vmem>> -> memref<128xi32, #tpu.memory_space<vmem>>
      %dma_wait3A_253 = arith.constant 0 : i32
      %dma_wait3A_254 = arith.constant 0 : i32
      %dma_wait3A_255 = tpu.memref_slice %arg9[%dma_wait3A_253, %dma_wait3A_254] : memref<10112x16xf32, #tpu.memory_space<vmem_shared>> -> memref<10112x16xf32, #tpu.memory_space<vmem_shared>>
      tpu.wait_indirect_dma semaphore(%arg15 : memref<!tpu.dma_semaphore, #tpu.memory_space<semaphore_mem>>) src(%dma_wait3A_255 : memref<10112x16xf32, #tpu.memory_space<vmem_shared>>) dst(%dma_wait3A_249 : memref<128x16xf32, #tpu.memory_space<vmem>>)
      %dma_start3A_256 = arith.constant 2 : i32
      %dma_start3A_257 = arith.constant 0 : i32
      %dma_start3A_258 = arith.constant 0 : i32
      %dma_start3A_259 = tpu.memref_slice %arg7[%dma_start3A_256, %dma_start3A_257, %dma_start3A_258] : memref<6x128x16xf32, #tpu.memory_space<vmem>> -> memref<1x128x16xf32, #tpu.memory_space<vmem>>
      %dma_start3A_260 = tpu.memref_squeeze %dma_start3A_259 : memref<1x128x16xf32, #tpu.memory_space<vmem>> -> memref<128x16xf32, #tpu.memory_space<vmem>>
      %dma_start3A_261 = arith.constant 0 : i32
      %dma_start3A_262 = tpu.memref_slice %arg6[%add3A_244, %dma_start3A_261] : memref<79x128xi32, #tpu.memory_space<vmem>> -> memref<1x128xi32, #tpu.memory_space<vmem>>
      %dma_start3A_263 = tpu.memref_squeeze %dma_start3A_262 : memref<1x128xi32, #tpu.memory_space<vmem>> -> memref<128xi32, #tpu.memory_space<vmem>>
      %dma_start3A_264 = arith.constant 0 : i32
      %dma_start3A_265 = arith.constant 0 : i32
      %dma_start3A_266 = tpu.memref_slice %arg10[%dma_start3A_264, %dma_start3A_265] : memref<10112x16xf32, #tpu.memory_space<vmem_shared>> -> memref<10112x16xf32, #tpu.memory_space<vmem_shared>>
      tpu.enqueue_indirect_dma source(%dma_start3A_260 : memref<128x16xf32, #tpu.memory_space<vmem>>) target(%dma_start3A_266 : memref<10112x16xf32, #tpu.memory_space<vmem_shared>>) offsets(%dma_start3A_263 : memref<128xi32, #tpu.memory_space<vmem>>) semaphore(%arg21 : memref<!tpu.dma_semaphore, #tpu.memory_space<semaphore_mem>>) {add = true}
      %add3A_267 = arith.constant 4 : i32
      %add3A_268 = arith.addi %add3A_244, %add3A_267 : i32
      %lt3A_269 = arith.constant 78 : i32
      %lt3A_270 = arith.cmpi slt, %add3A_268, %lt3A_269 : i32
      %convert_element_type3A_271 = arith.extui %lt3A_270 : i1 to i32
      %cond3A_272 = arith.constant 0 : i32
      %cond3A_273 = arith.cmpi ne, %convert_element_type3A_271, %cond3A_272 : i32
      scf.if %cond3A_273 {
        %ge3A = arith.constant 2 : i32
        %ge3A_373 = arith.cmpi sge, %add3A_244, %ge3A : i32
        %convert_element_type3A_374 = arith.extui %ge3A_373 : i1 to i32
        %cond3A_375 = arith.constant 0 : i32
        %cond3A_376 = arith.cmpi ne, %convert_element_type3A_374, %cond3A_375 : i32
        scf.if %cond3A_376 {
          %sub3A = arith.constant 2 : i32
          %sub3A_390 = arith.subi %add3A_244, %sub3A : i32
          %dma_wait3A_391 = arith.constant 0 : i32
          %dma_wait3A_392 = arith.constant 0 : i32
          %dma_wait3A_393 = arith.constant 0 : i32
          %dma_wait3A_394 = tpu.memref_slice %arg7[%dma_wait3A_391, %dma_wait3A_392, %dma_wait3A_393] : memref<6x128x16xf32, #tpu.memory_space<vmem>> -> memref<1x128x16xf32, #tpu.memory_space<vmem>>
          %dma_wait3A_395 = tpu.memref_squeeze %dma_wait3A_394 : memref<1x128x16xf32, #tpu.memory_space<vmem>> -> memref<128x16xf32, #tpu.memory_space<vmem>>
          %dma_wait3A_396 = arith.constant 0 : i32
          %dma_wait3A_397 = tpu.memref_slice %arg6[%sub3A_390, %dma_wait3A_396] : memref<79x128xi32, #tpu.memory_space<vmem>> -> memref<1x128xi32, #tpu.memory_space<vmem>>
          %dma_wait3A_398 = tpu.memref_squeeze %dma_wait3A_397 : memref<1x128xi32, #tpu.memory_space<vmem>> -> memref<128xi32, #tpu.memory_space<vmem>>
          %dma_wait3A_399 = arith.constant 0 : i32
          %dma_wait3A_400 = arith.constant 0 : i32
          %dma_wait3A_401 = tpu.memref_slice %arg10[%dma_wait3A_399, %dma_wait3A_400] : memref<10112x16xf32, #tpu.memory_space<vmem_shared>> -> memref<10112x16xf32, #tpu.memory_space<vmem_shared>>
          tpu.wait_indirect_dma semaphore(%arg19 : memref<!tpu.dma_semaphore, #tpu.memory_space<semaphore_mem>>) src(%dma_wait3A_395 : memref<128x16xf32, #tpu.memory_space<vmem>>) dst(%dma_wait3A_401 : memref<10112x16xf32, #tpu.memory_space<vmem_shared>>)
        } else {
        }
        %add3A_377 = arith.constant 4 : i32
        %add3A_378 = arith.addi %add3A_244, %add3A_377 : i32
        %dma_start3A_379 = arith.constant 0 : i32
        %dma_start3A_380 = arith.constant 0 : i32
        %dma_start3A_381 = arith.constant 0 : i32
        %dma_start3A_382 = tpu.memref_slice %arg7[%dma_start3A_379, %dma_start3A_380, %dma_start3A_381] : memref<6x128x16xf32, #tpu.memory_space<vmem>> -> memref<1x128x16xf32, #tpu.memory_space<vmem>>
        %dma_start3A_383 = tpu.memref_squeeze %dma_start3A_382 : memref<1x128x16xf32, #tpu.memory_space<vmem>> -> memref<128x16xf32, #tpu.memory_space<vmem>>
        %dma_start3A_384 = arith.constant 0 : i32
        %dma_start3A_385 = tpu.memref_slice %arg5[%add3A_378, %dma_start3A_384] : memref<79x128xi32, #tpu.memory_space<vmem>> -> memref<1x128xi32, #tpu.memory_space<vmem>>
        %dma_start3A_386 = tpu.memref_squeeze %dma_start3A_385 : memref<1x128xi32, #tpu.memory_space<vmem>> -> memref<128xi32, #tpu.memory_space<vmem>>
        %dma_start3A_387 = arith.constant 0 : i32
        %dma_start3A_388 = arith.constant 0 : i32
        %dma_start3A_389 = tpu.memref_slice %arg9[%dma_start3A_387, %dma_start3A_388] : memref<10112x16xf32, #tpu.memory_space<vmem_shared>> -> memref<10112x16xf32, #tpu.memory_space<vmem_shared>>
        tpu.enqueue_indirect_dma source(%dma_start3A_389 : memref<10112x16xf32, #tpu.memory_space<vmem_shared>>) target(%dma_start3A_383 : memref<128x16xf32, #tpu.memory_space<vmem>>) offsets(%dma_start3A_386 : memref<128xi32, #tpu.memory_space<vmem>>) semaphore(%arg13 : memref<!tpu.dma_semaphore, #tpu.memory_space<semaphore_mem>>)
      } else {
      }
      %mul3A_274 = arith.constant 6 : i32
      %mul3A_275 = arith.muli %mul3A_274, %scan3A_174 : i32
      %add3A_276 = arith.constant 3 : i32
      %add3A_277 = arith.addi %mul3A_275, %add3A_276 : i32
      %dma_wait3A_278 = arith.constant 3 : i32
      %dma_wait3A_279 = arith.constant 0 : i32
      %dma_wait3A_280 = arith.constant 0 : i32
      %dma_wait3A_281 = tpu.memref_slice %arg7[%dma_wait3A_278, %dma_wait3A_279, %dma_wait3A_280] : memref<6x128x16xf32, #tpu.memory_space<vmem>> -> memref<1x128x16xf32, #tpu.memory_space<vmem>>
      %dma_wait3A_282 = tpu.memref_squeeze %dma_wait3A_281 : memref<1x128x16xf32, #tpu.memory_space<vmem>> -> memref<128x16xf32, #tpu.memory_space<vmem>>
      %dma_wait3A_283 = arith.constant 0 : i32
      %dma_wait3A_284 = tpu.memref_slice %arg5[%add3A_277, %dma_wait3A_283] : memref<79x128xi32, #tpu.memory_space<vmem>> -> memref<1x128xi32, #tpu.memory_space<vmem>>
      %dma_wait3A_285 = tpu.memref_squeeze %dma_wait3A_284 : memref<1x128xi32, #tpu.memory_space<vmem>> -> memref<128xi32, #tpu.memory_space<vmem>>
      %dma_wait3A_286 = arith.constant 0 : i32
      %dma_wait3A_287 = arith.constant 0 : i32
      %dma_wait3A_288 = tpu.memref_slice %arg9[%dma_wait3A_286, %dma_wait3A_287] : memref<10112x16xf32, #tpu.memory_space<vmem_shared>> -> memref<10112x16xf32, #tpu.memory_space<vmem_shared>>
      tpu.wait_indirect_dma semaphore(%arg16 : memref<!tpu.dma_semaphore, #tpu.memory_space<semaphore_mem>>) src(%dma_wait3A_288 : memref<10112x16xf32, #tpu.memory_space<vmem_shared>>) dst(%dma_wait3A_282 : memref<128x16xf32, #tpu.memory_space<vmem>>)
      %dma_start3A_289 = arith.constant 3 : i32
      %dma_start3A_290 = arith.constant 0 : i32
      %dma_start3A_291 = arith.constant 0 : i32
      %dma_start3A_292 = tpu.memref_slice %arg7[%dma_start3A_289, %dma_start3A_290, %dma_start3A_291] : memref<6x128x16xf32, #tpu.memory_space<vmem>> -> memref<1x128x16xf32, #tpu.memory_space<vmem>>
      %dma_start3A_293 = tpu.memref_squeeze %dma_start3A_292 : memref<1x128x16xf32, #tpu.memory_space<vmem>> -> memref<128x16xf32, #tpu.memory_space<vmem>>
      %dma_start3A_294 = arith.constant 0 : i32
      %dma_start3A_295 = tpu.memref_slice %arg6[%add3A_277, %dma_start3A_294] : memref<79x128xi32, #tpu.memory_space<vmem>> -> memref<1x128xi32, #tpu.memory_space<vmem>>
      %dma_start3A_296 = tpu.memref_squeeze %dma_start3A_295 : memref<1x128xi32, #tpu.memory_space<vmem>> -> memref<128xi32, #tpu.memory_space<vmem>>
      %dma_start3A_297 = arith.constant 0 : i32
      %dma_start3A_298 = arith.constant 0 : i32
      %dma_start3A_299 = tpu.memref_slice %arg10[%dma_start3A_297, %dma_start3A_298] : memref<10112x16xf32, #tpu.memory_space<vmem_shared>> -> memref<10112x16xf32, #tpu.memory_space<vmem_shared>>
      tpu.enqueue_indirect_dma source(%dma_start3A_293 : memref<128x16xf32, #tpu.memory_space<vmem>>) target(%dma_start3A_299 : memref<10112x16xf32, #tpu.memory_space<vmem_shared>>) offsets(%dma_start3A_296 : memref<128xi32, #tpu.memory_space<vmem>>) semaphore(%arg22 : memref<!tpu.dma_semaphore, #tpu.memory_space<semaphore_mem>>) {add = true}
      %add3A_300 = arith.constant 4 : i32
      %add3A_301 = arith.addi %add3A_277, %add3A_300 : i32
      %lt3A_302 = arith.constant 78 : i32
      %lt3A_303 = arith.cmpi slt, %add3A_301, %lt3A_302 : i32
      %convert_element_type3A_304 = arith.extui %lt3A_303 : i1 to i32
      %cond3A_305 = arith.constant 0 : i32
      %cond3A_306 = arith.cmpi ne, %convert_element_type3A_304, %cond3A_305 : i32
      scf.if %cond3A_306 {
        %ge3A = arith.constant 2 : i32
        %ge3A_373 = arith.cmpi sge, %add3A_277, %ge3A : i32
        %convert_element_type3A_374 = arith.extui %ge3A_373 : i1 to i32
        %cond3A_375 = arith.constant 0 : i32
        %cond3A_376 = arith.cmpi ne, %convert_element_type3A_374, %cond3A_375 : i32
        scf.if %cond3A_376 {
          %sub3A = arith.constant 2 : i32
          %sub3A_390 = arith.subi %add3A_277, %sub3A : i32
          %dma_wait3A_391 = arith.constant 1 : i32
          %dma_wait3A_392 = arith.constant 0 : i32
          %dma_wait3A_393 = arith.constant 0 : i32
          %dma_wait3A_394 = tpu.memref_slice %arg7[%dma_wait3A_391, %dma_wait3A_392, %dma_wait3A_393] : memref<6x128x16xf32, #tpu.memory_space<vmem>> -> memref<1x128x16xf32, #tpu.memory_space<vmem>>
          %dma_wait3A_395 = tpu.memref_squeeze %dma_wait3A_394 : memref<1x128x16xf32, #tpu.memory_space<vmem>> -> memref<128x16xf32, #tpu.memory_space<vmem>>
          %dma_wait3A_396 = arith.constant 0 : i32
          %dma_wait3A_397 = tpu.memref_slice %arg6[%sub3A_390, %dma_wait3A_396] : memref<79x128xi32, #tpu.memory_space<vmem>> -> memref<1x128xi32, #tpu.memory_space<vmem>>
          %dma_wait3A_398 = tpu.memref_squeeze %dma_wait3A_397 : memref<1x128xi32, #tpu.memory_space<vmem>> -> memref<128xi32, #tpu.memory_space<vmem>>
          %dma_wait3A_399 = arith.constant 0 : i32
          %dma_wait3A_400 = arith.constant 0 : i32
          %dma_wait3A_401 = tpu.memref_slice %arg10[%dma_wait3A_399, %dma_wait3A_400] : memref<10112x16xf32, #tpu.memory_space<vmem_shared>> -> memref<10112x16xf32, #tpu.memory_space<vmem_shared>>
          tpu.wait_indirect_dma semaphore(%arg20 : memref<!tpu.dma_semaphore, #tpu.memory_space<semaphore_mem>>) src(%dma_wait3A_395 : memref<128x16xf32, #tpu.memory_space<vmem>>) dst(%dma_wait3A_401 : memref<10112x16xf32, #tpu.memory_space<vmem_shared>>)
        } else {
        }
        %add3A_377 = arith.constant 4 : i32
        %add3A_378 = arith.addi %add3A_277, %add3A_377 : i32
        %dma_start3A_379 = arith.constant 1 : i32
        %dma_start3A_380 = arith.constant 0 : i32
        %dma_start3A_381 = arith.constant 0 : i32
        %dma_start3A_382 = tpu.memref_slice %arg7[%dma_start3A_379, %dma_start3A_380, %dma_start3A_381] : memref<6x128x16xf32, #tpu.memory_space<vmem>> -> memref<1x128x16xf32, #tpu.memory_space<vmem>>
        %dma_start3A_383 = tpu.memref_squeeze %dma_start3A_382 : memref<1x128x16xf32, #tpu.memory_space<vmem>> -> memref<128x16xf32, #tpu.memory_space<vmem>>
        %dma_start3A_384 = arith.constant 0 : i32
        %dma_start3A_385 = tpu.memref_slice %arg5[%add3A_378, %dma_start3A_384] : memref<79x128xi32, #tpu.memory_space<vmem>> -> memref<1x128xi32, #tpu.memory_space<vmem>>
        %dma_start3A_386 = tpu.memref_squeeze %dma_start3A_385 : memref<1x128xi32, #tpu.memory_space<vmem>> -> memref<128xi32, #tpu.memory_space<vmem>>
        %dma_start3A_387 = arith.constant 0 : i32
        %dma_start3A_388 = arith.constant 0 : i32
        %dma_start3A_389 = tpu.memref_slice %arg9[%dma_start3A_387, %dma_start3A_388] : memref<10112x16xf32, #tpu.memory_space<vmem_shared>> -> memref<10112x16xf32, #tpu.memory_space<vmem_shared>>
        tpu.enqueue_indirect_dma source(%dma_start3A_389 : memref<10112x16xf32, #tpu.memory_space<vmem_shared>>) target(%dma_start3A_383 : memref<128x16xf32, #tpu.memory_space<vmem>>) offsets(%dma_start3A_386 : memref<128xi32, #tpu.memory_space<vmem>>) semaphore(%arg14 : memref<!tpu.dma_semaphore, #tpu.memory_space<semaphore_mem>>)
      } else {
      }
      %mul3A_307 = arith.constant 6 : i32
      %mul3A_308 = arith.muli %mul3A_307, %scan3A_174 : i32
      %add3A_309 = arith.constant 4 : i32
      %add3A_310 = arith.addi %mul3A_308, %add3A_309 : i32
      %dma_wait3A_311 = arith.constant 4 : i32
      %dma_wait3A_312 = arith.constant 0 : i32
      %dma_wait3A_313 = arith.constant 0 : i32
      %dma_wait3A_314 = tpu.memref_slice %arg7[%dma_wait3A_311, %dma_wait3A_312, %dma_wait3A_313] : memref<6x128x16xf32, #tpu.memory_space<vmem>> -> memref<1x128x16xf32, #tpu.memory_space<vmem>>
      %dma_wait3A_315 = tpu.memref_squeeze %dma_wait3A_314 : memref<1x128x16xf32, #tpu.memory_space<vmem>> -> memref<128x16xf32, #tpu.memory_space<vmem>>
      %dma_wait3A_316 = arith.constant 0 : i32
      %dma_wait3A_317 = tpu.memref_slice %arg5[%add3A_310, %dma_wait3A_316] : memref<79x128xi32, #tpu.memory_space<vmem>> -> memref<1x128xi32, #tpu.memory_space<vmem>>
      %dma_wait3A_318 = tpu.memref_squeeze %dma_wait3A_317 : memref<1x128xi32, #tpu.memory_space<vmem>> -> memref<128xi32, #tpu.memory_space<vmem>>
      %dma_wait3A_319 = arith.constant 0 : i32
      %dma_wait3A_320 = arith.constant 0 : i32
      %dma_wait3A_321 = tpu.memref_slice %arg9[%dma_wait3A_319, %dma_wait3A_320] : memref<10112x16xf32, #tpu.memory_space<vmem_shared>> -> memref<10112x16xf32, #tpu.memory_space<vmem_shared>>
      tpu.wait_indirect_dma semaphore(%arg17 : memref<!tpu.dma_semaphore, #tpu.memory_space<semaphore_mem>>) src(%dma_wait3A_321 : memref<10112x16xf32, #tpu.memory_space<vmem_shared>>) dst(%dma_wait3A_315 : memref<128x16xf32, #tpu.memory_space<vmem>>)
      %dma_start3A_322 = arith.constant 4 : i32
      %dma_start3A_323 = arith.constant 0 : i32
      %dma_start3A_324 = arith.constant 0 : i32
      %dma_start3A_325 = tpu.memref_slice %arg7[%dma_start3A_322, %dma_start3A_323, %dma_start3A_324] : memref<6x128x16xf32, #tpu.memory_space<vmem>> -> memref<1x128x16xf32, #tpu.memory_space<vmem>>
      %dma_start3A_326 = tpu.memref_squeeze %dma_start3A_325 : memref<1x128x16xf32, #tpu.memory_space<vmem>> -> memref<128x16xf32, #tpu.memory_space<vmem>>
      %dma_start3A_327 = arith.constant 0 : i32
      %dma_start3A_328 = tpu.memref_slice %arg6[%add3A_310, %dma_start3A_327] : memref<79x128xi32, #tpu.memory_space<vmem>> -> memref<1x128xi32, #tpu.memory_space<vmem>>
      %dma_start3A_329 = tpu.memref_squeeze %dma_start3A_328 : memref<1x128xi32, #tpu.memory_space<vmem>> -> memref<128xi32, #tpu.memory_space<vmem>>
      %dma_start3A_330 = arith.constant 0 : i32
      %dma_start3A_331 = arith.constant 0 : i32
      %dma_start3A_332 = tpu.memref_slice %arg10[%dma_start3A_330, %dma_start3A_331] : memref<10112x16xf32, #tpu.memory_space<vmem_shared>> -> memref<10112x16xf32, #tpu.memory_space<vmem_shared>>
      tpu.enqueue_indirect_dma source(%dma_start3A_326 : memref<128x16xf32, #tpu.memory_space<vmem>>) target(%dma_start3A_332 : memref<10112x16xf32, #tpu.memory_space<vmem_shared>>) offsets(%dma_start3A_329 : memref<128xi32, #tpu.memory_space<vmem>>) semaphore(%arg23 : memref<!tpu.dma_semaphore, #tpu.memory_space<semaphore_mem>>) {add = true}
      %add3A_333 = arith.constant 4 : i32
      %add3A_334 = arith.addi %add3A_310, %add3A_333 : i32
      %lt3A_335 = arith.constant 78 : i32
      %lt3A_336 = arith.cmpi slt, %add3A_334, %lt3A_335 : i32
      %convert_element_type3A_337 = arith.extui %lt3A_336 : i1 to i32
      %cond3A_338 = arith.constant 0 : i32
      %cond3A_339 = arith.cmpi ne, %convert_element_type3A_337, %cond3A_338 : i32
      scf.if %cond3A_339 {
        %ge3A = arith.constant 2 : i32
        %ge3A_373 = arith.cmpi sge, %add3A_310, %ge3A : i32
        %convert_element_type3A_374 = arith.extui %ge3A_373 : i1 to i32
        %cond3A_375 = arith.constant 0 : i32
        %cond3A_376 = arith.cmpi ne, %convert_element_type3A_374, %cond3A_375 : i32
        scf.if %cond3A_376 {
          %sub3A = arith.constant 2 : i32
          %sub3A_390 = arith.subi %add3A_310, %sub3A : i32
          %dma_wait3A_391 = arith.constant 2 : i32
          %dma_wait3A_392 = arith.constant 0 : i32
          %dma_wait3A_393 = arith.constant 0 : i32
          %dma_wait3A_394 = tpu.memref_slice %arg7[%dma_wait3A_391, %dma_wait3A_392, %dma_wait3A_393] : memref<6x128x16xf32, #tpu.memory_space<vmem>> -> memref<1x128x16xf32, #tpu.memory_space<vmem>>
          %dma_wait3A_395 = tpu.memref_squeeze %dma_wait3A_394 : memref<1x128x16xf32, #tpu.memory_space<vmem>> -> memref<128x16xf32, #tpu.memory_space<vmem>>
          %dma_wait3A_396 = arith.constant 0 : i32
          %dma_wait3A_397 = tpu.memref_slice %arg6[%sub3A_390, %dma_wait3A_396] : memref<79x128xi32, #tpu.memory_space<vmem>> -> memref<1x128xi32, #tpu.memory_space<vmem>>
          %dma_wait3A_398 = tpu.memref_squeeze %dma_wait3A_397 : memref<1x128xi32, #tpu.memory_space<vmem>> -> memref<128xi32, #tpu.memory_space<vmem>>
          %dma_wait3A_399 = arith.constant 0 : i32
          %dma_wait3A_400 = arith.constant 0 : i32
          %dma_wait3A_401 = tpu.memref_slice %arg10[%dma_wait3A_399, %dma_wait3A_400] : memref<10112x16xf32, #tpu.memory_space<vmem_shared>> -> memref<10112x16xf32, #tpu.memory_space<vmem_shared>>
          tpu.wait_indirect_dma semaphore(%arg21 : memref<!tpu.dma_semaphore, #tpu.memory_space<semaphore_mem>>) src(%dma_wait3A_395 : memref<128x16xf32, #tpu.memory_space<vmem>>) dst(%dma_wait3A_401 : memref<10112x16xf32, #tpu.memory_space<vmem_shared>>)
        } else {
        }
        %add3A_377 = arith.constant 4 : i32
        %add3A_378 = arith.addi %add3A_310, %add3A_377 : i32
        %dma_start3A_379 = arith.constant 2 : i32
        %dma_start3A_380 = arith.constant 0 : i32
        %dma_start3A_381 = arith.constant 0 : i32
        %dma_start3A_382 = tpu.memref_slice %arg7[%dma_start3A_379, %dma_start3A_380, %dma_start3A_381] : memref<6x128x16xf32, #tpu.memory_space<vmem>> -> memref<1x128x16xf32, #tpu.memory_space<vmem>>
        %dma_start3A_383 = tpu.memref_squeeze %dma_start3A_382 : memref<1x128x16xf32, #tpu.memory_space<vmem>> -> memref<128x16xf32, #tpu.memory_space<vmem>>
        %dma_start3A_384 = arith.constant 0 : i32
        %dma_start3A_385 = tpu.memref_slice %arg5[%add3A_378, %dma_start3A_384] : memref<79x128xi32, #tpu.memory_space<vmem>> -> memref<1x128xi32, #tpu.memory_space<vmem>>
        %dma_start3A_386 = tpu.memref_squeeze %dma_start3A_385 : memref<1x128xi32, #tpu.memory_space<vmem>> -> memref<128xi32, #tpu.memory_space<vmem>>
        %dma_start3A_387 = arith.constant 0 : i32
        %dma_start3A_388 = arith.constant 0 : i32
        %dma_start3A_389 = tpu.memref_slice %arg9[%dma_start3A_387, %dma_start3A_388] : memref<10112x16xf32, #tpu.memory_space<vmem_shared>> -> memref<10112x16xf32, #tpu.memory_space<vmem_shared>>
        tpu.enqueue_indirect_dma source(%dma_start3A_389 : memref<10112x16xf32, #tpu.memory_space<vmem_shared>>) target(%dma_start3A_383 : memref<128x16xf32, #tpu.memory_space<vmem>>) offsets(%dma_start3A_386 : memref<128xi32, #tpu.memory_space<vmem>>) semaphore(%arg15 : memref<!tpu.dma_semaphore, #tpu.memory_space<semaphore_mem>>)
      } else {
      }
      %mul3A_340 = arith.constant 6 : i32
      %mul3A_341 = arith.muli %mul3A_340, %scan3A_174 : i32
      %add3A_342 = arith.constant 5 : i32
      %add3A_343 = arith.addi %mul3A_341, %add3A_342 : i32
      %dma_wait3A_344 = arith.constant 5 : i32
      %dma_wait3A_345 = arith.constant 0 : i32
      %dma_wait3A_346 = arith.constant 0 : i32
      %dma_wait3A_347 = tpu.memref_slice %arg7[%dma_wait3A_344, %dma_wait3A_345, %dma_wait3A_346] : memref<6x128x16xf32, #tpu.memory_space<vmem>> -> memref<1x128x16xf32, #tpu.memory_space<vmem>>
      %dma_wait3A_348 = tpu.memref_squeeze %dma_wait3A_347 : memref<1x128x16xf32, #tpu.memory_space<vmem>> -> memref<128x16xf32, #tpu.memory_space<vmem>>
      %dma_wait3A_349 = arith.constant 0 : i32
      %dma_wait3A_350 = tpu.memref_slice %arg5[%add3A_343, %dma_wait3A_349] : memref<79x128xi32, #tpu.memory_space<vmem>> -> memref<1x128xi32, #tpu.memory_space<vmem>>
      %dma_wait3A_351 = tpu.memref_squeeze %dma_wait3A_350 : memref<1x128xi32, #tpu.memory_space<vmem>> -> memref<128xi32, #tpu.memory_space<vmem>>
      %dma_wait3A_352 = arith.constant 0 : i32
      %dma_wait3A_353 = arith.constant 0 : i32
      %dma_wait3A_354 = tpu.memref_slice %arg9[%dma_wait3A_352, %dma_wait3A_353] : memref<10112x16xf32, #tpu.memory_space<vmem_shared>> -> memref<10112x16xf32, #tpu.memory_space<vmem_shared>>
      tpu.wait_indirect_dma semaphore(%arg18 : memref<!tpu.dma_semaphore, #tpu.memory_space<semaphore_mem>>) src(%dma_wait3A_354 : memref<10112x16xf32, #tpu.memory_space<vmem_shared>>) dst(%dma_wait3A_348 : memref<128x16xf32, #tpu.memory_space<vmem>>)
      %dma_start3A_355 = arith.constant 5 : i32
      %dma_start3A_356 = arith.constant 0 : i32
      %dma_start3A_357 = arith.constant 0 : i32
      %dma_start3A_358 = tpu.memref_slice %arg7[%dma_start3A_355, %dma_start3A_356, %dma_start3A_357] : memref<6x128x16xf32, #tpu.memory_space<vmem>> -> memref<1x128x16xf32, #tpu.memory_space<vmem>>
      %dma_start3A_359 = tpu.memref_squeeze %dma_start3A_358 : memref<1x128x16xf32, #tpu.memory_space<vmem>> -> memref<128x16xf32, #tpu.memory_space<vmem>>
      %dma_start3A_360 = arith.constant 0 : i32
      %dma_start3A_361 = tpu.memref_slice %arg6[%add3A_343, %dma_start3A_360] : memref<79x128xi32, #tpu.memory_space<vmem>> -> memref<1x128xi32, #tpu.memory_space<vmem>>
      %dma_start3A_362 = tpu.memref_squeeze %dma_start3A_361 : memref<1x128xi32, #tpu.memory_space<vmem>> -> memref<128xi32, #tpu.memory_space<vmem>>
      %dma_start3A_363 = arith.constant 0 : i32
      %dma_start3A_364 = arith.constant 0 : i32
      %dma_start3A_365 = tpu.memref_slice %arg10[%dma_start3A_363, %dma_start3A_364] : memref<10112x16xf32, #tpu.memory_space<vmem_shared>> -> memref<10112x16xf32, #tpu.memory_space<vmem_shared>>
      tpu.enqueue_indirect_dma source(%dma_start3A_359 : memref<128x16xf32, #tpu.memory_space<vmem>>) target(%dma_start3A_365 : memref<10112x16xf32, #tpu.memory_space<vmem_shared>>) offsets(%dma_start3A_362 : memref<128xi32, #tpu.memory_space<vmem>>) semaphore(%arg24 : memref<!tpu.dma_semaphore, #tpu.memory_space<semaphore_mem>>) {add = true}
      %add3A_366 = arith.constant 4 : i32
      %add3A_367 = arith.addi %add3A_343, %add3A_366 : i32
      %lt3A_368 = arith.constant 78 : i32
      %lt3A_369 = arith.cmpi slt, %add3A_367, %lt3A_368 : i32
      %convert_element_type3A_370 = arith.extui %lt3A_369 : i1 to i32
      %cond3A_371 = arith.constant 0 : i32
      %cond3A_372 = arith.cmpi ne, %convert_element_type3A_370, %cond3A_371 : i32
      scf.if %cond3A_372 {
        %ge3A = arith.constant 2 : i32
        %ge3A_373 = arith.cmpi sge, %add3A_343, %ge3A : i32
        %convert_element_type3A_374 = arith.extui %ge3A_373 : i1 to i32
        %cond3A_375 = arith.constant 0 : i32
        %cond3A_376 = arith.cmpi ne, %convert_element_type3A_374, %cond3A_375 : i32
        scf.if %cond3A_376 {
          %sub3A = arith.constant 2 : i32
          %sub3A_390 = arith.subi %add3A_343, %sub3A : i32
          %dma_wait3A_391 = arith.constant 3 : i32
          %dma_wait3A_392 = arith.constant 0 : i32
          %dma_wait3A_393 = arith.constant 0 : i32
          %dma_wait3A_394 = tpu.memref_slice %arg7[%dma_wait3A_391, %dma_wait3A_392, %dma_wait3A_393] : memref<6x128x16xf32, #tpu.memory_space<vmem>> -> memref<1x128x16xf32, #tpu.memory_space<vmem>>
          %dma_wait3A_395 = tpu.memref_squeeze %dma_wait3A_394 : memref<1x128x16xf32, #tpu.memory_space<vmem>> -> memref<128x16xf32, #tpu.memory_space<vmem>>
          %dma_wait3A_396 = arith.constant 0 : i32
          %dma_wait3A_397 = tpu.memref_slice %arg6[%sub3A_390, %dma_wait3A_396] : memref<79x128xi32, #tpu.memory_space<vmem>> -> memref<1x128xi32, #tpu.memory_space<vmem>>
          %dma_wait3A_398 = tpu.memref_squeeze %dma_wait3A_397 : memref<1x128xi32, #tpu.memory_space<vmem>> -> memref<128xi32, #tpu.memory_space<vmem>>
          %dma_wait3A_399 = arith.constant 0 : i32
          %dma_wait3A_400 = arith.constant 0 : i32
          %dma_wait3A_401 = tpu.memref_slice %arg10[%dma_wait3A_399, %dma_wait3A_400] : memref<10112x16xf32, #tpu.memory_space<vmem_shared>> -> memref<10112x16xf32, #tpu.memory_space<vmem_shared>>
          tpu.wait_indirect_dma semaphore(%arg22 : memref<!tpu.dma_semaphore, #tpu.memory_space<semaphore_mem>>) src(%dma_wait3A_395 : memref<128x16xf32, #tpu.memory_space<vmem>>) dst(%dma_wait3A_401 : memref<10112x16xf32, #tpu.memory_space<vmem_shared>>)
        } else {
        }
        %add3A_377 = arith.constant 4 : i32
        %add3A_378 = arith.addi %add3A_343, %add3A_377 : i32
        %dma_start3A_379 = arith.constant 3 : i32
        %dma_start3A_380 = arith.constant 0 : i32
        %dma_start3A_381 = arith.constant 0 : i32
        %dma_start3A_382 = tpu.memref_slice %arg7[%dma_start3A_379, %dma_start3A_380, %dma_start3A_381] : memref<6x128x16xf32, #tpu.memory_space<vmem>> -> memref<1x128x16xf32, #tpu.memory_space<vmem>>
        %dma_start3A_383 = tpu.memref_squeeze %dma_start3A_382 : memref<1x128x16xf32, #tpu.memory_space<vmem>> -> memref<128x16xf32, #tpu.memory_space<vmem>>
        %dma_start3A_384 = arith.constant 0 : i32
        %dma_start3A_385 = tpu.memref_slice %arg5[%add3A_378, %dma_start3A_384] : memref<79x128xi32, #tpu.memory_space<vmem>> -> memref<1x128xi32, #tpu.memory_space<vmem>>
        %dma_start3A_386 = tpu.memref_squeeze %dma_start3A_385 : memref<1x128xi32, #tpu.memory_space<vmem>> -> memref<128xi32, #tpu.memory_space<vmem>>
        %dma_start3A_387 = arith.constant 0 : i32
        %dma_start3A_388 = arith.constant 0 : i32
        %dma_start3A_389 = tpu.memref_slice %arg9[%dma_start3A_387, %dma_start3A_388] : memref<10112x16xf32, #tpu.memory_space<vmem_shared>> -> memref<10112x16xf32, #tpu.memory_space<vmem_shared>>
        tpu.enqueue_indirect_dma source(%dma_start3A_389 : memref<10112x16xf32, #tpu.memory_space<vmem_shared>>) target(%dma_start3A_383 : memref<128x16xf32, #tpu.memory_space<vmem>>) offsets(%dma_start3A_386 : memref<128xi32, #tpu.memory_space<vmem>>) semaphore(%arg16 : memref<!tpu.dma_semaphore, #tpu.memory_space<semaphore_mem>>)
      } else {
      }
    }
    %scan3A_95 = arith.constant 13 : i32
    %dma_wait3A_96 = arith.constant 0 : i32
    %dma_wait3A_97 = arith.constant 72 : i32
    %dma_wait3A_98 = arith.constant 0 : i32
    %dma_wait3A_99 = arith.constant 0 : i32
    %dma_wait3A_100 = tpu.memref_slice %arg7[%dma_wait3A_96, %dma_wait3A_98, %dma_wait3A_99] : memref<6x128x16xf32, #tpu.memory_space<vmem>> -> memref<1x128x16xf32, #tpu.memory_space<vmem>>
    %dma_wait3A_101 = tpu.memref_squeeze %dma_wait3A_100 : memref<1x128x16xf32, #tpu.memory_space<vmem>> -> memref<128x16xf32, #tpu.memory_space<vmem>>
    %dma_wait3A_102 = arith.constant 0 : i32
    %dma_wait3A_103 = tpu.memref_slice %arg6[%dma_wait3A_97, %dma_wait3A_102] : memref<79x128xi32, #tpu.memory_space<vmem>> -> memref<1x128xi32, #tpu.memory_space<vmem>>
    %dma_wait3A_104 = tpu.memref_squeeze %dma_wait3A_103 : memref<1x128xi32, #tpu.memory_space<vmem>> -> memref<128xi32, #tpu.memory_space<vmem>>
    %dma_wait3A_105 = arith.constant 0 : i32
    %dma_wait3A_106 = arith.constant 0 : i32
    %dma_wait3A_107 = tpu.memref_slice %arg10[%dma_wait3A_105, %dma_wait3A_106] : memref<10112x16xf32, #tpu.memory_space<vmem_shared>> -> memref<10112x16xf32, #tpu.memory_space<vmem_shared>>
    tpu.wait_indirect_dma semaphore(%arg19 : memref<!tpu.dma_semaphore, #tpu.memory_space<semaphore_mem>>) src(%dma_wait3A_101 : memref<128x16xf32, #tpu.memory_space<vmem>>) dst(%dma_wait3A_107 : memref<10112x16xf32, #tpu.memory_space<vmem_shared>>)
    %convert_element_type3A_108 = arith.extui %lt3A_41 : i1 to i32
    %cond3A_109 = arith.constant 0 : i32
    %cond3A_110 = arith.cmpi ne, %convert_element_type3A_108, %cond3A_109 : i32
    scf.if %cond3A_110 {
      %dma_start3A_174 = arith.constant 78 : i32
      %dma_start3A_175 = arith.constant 0 : i32
      %dma_start3A_176 = arith.constant 0 : i32
      %dma_start3A_177 = arith.constant 0 : i32
      %dma_start3A_178 = tpu.memref_slice %arg7[%dma_start3A_175, %dma_start3A_176, %dma_start3A_177] : memref<6x128x16xf32, #tpu.memory_space<vmem>> -> memref<1x128x16xf32, #tpu.memory_space<vmem>>
      %dma_start3A_179 = tpu.memref_squeeze %dma_start3A_178 : memref<1x128x16xf32, #tpu.memory_space<vmem>> -> memref<128x16xf32, #tpu.memory_space<vmem>>
      %dma_start3A_180 = arith.constant 0 : i32
      %dma_start3A_181 = tpu.memref_slice %arg5[%dma_start3A_174, %dma_start3A_180] : memref<79x128xi32, #tpu.memory_space<vmem>> -> memref<1x128xi32, #tpu.memory_space<vmem>>
      %dma_start3A_182 = tpu.memref_squeeze %dma_start3A_181 : memref<1x128xi32, #tpu.memory_space<vmem>> -> memref<128xi32, #tpu.memory_space<vmem>>
      %dma_start3A_183 = arith.constant 0 : i32
      %dma_start3A_184 = arith.constant 0 : i32
      %dma_start3A_185 = tpu.memref_slice %arg9[%dma_start3A_183, %dma_start3A_184] : memref<10112x16xf32, #tpu.memory_space<vmem_shared>> -> memref<10112x16xf32, #tpu.memory_space<vmem_shared>>
      tpu.enqueue_indirect_dma source(%dma_start3A_185 : memref<10112x16xf32, #tpu.memory_space<vmem_shared>>) target(%dma_start3A_179 : memref<128x16xf32, #tpu.memory_space<vmem>>) offsets(%dma_start3A_182 : memref<128xi32, #tpu.memory_space<vmem>>) semaphore(%arg13 : memref<!tpu.dma_semaphore, #tpu.memory_space<semaphore_mem>>)
      %dma_wait3A_186 = arith.constant 78 : i32
      %dma_wait3A_187 = arith.constant 0 : i32
      %dma_wait3A_188 = arith.constant 0 : i32
      %dma_wait3A_189 = arith.constant 0 : i32
      %dma_wait3A_190 = tpu.memref_slice %arg7[%dma_wait3A_187, %dma_wait3A_188, %dma_wait3A_189] : memref<6x128x16xf32, #tpu.memory_space<vmem>> -> memref<1x128x16xf32, #tpu.memory_space<vmem>>
      %dma_wait3A_191 = tpu.memref_squeeze %dma_wait3A_190 : memref<1x128x16xf32, #tpu.memory_space<vmem>> -> memref<128x16xf32, #tpu.memory_space<vmem>>
      %dma_wait3A_192 = arith.constant 0 : i32
      %dma_wait3A_193 = tpu.memref_slice %arg5[%dma_wait3A_186, %dma_wait3A_192] : memref<79x128xi32, #tpu.memory_space<vmem>> -> memref<1x128xi32, #tpu.memory_space<vmem>>
      %dma_wait3A_194 = tpu.memref_squeeze %dma_wait3A_193 : memref<1x128xi32, #tpu.memory_space<vmem>> -> memref<128xi32, #tpu.memory_space<vmem>>
      %dma_wait3A_195 = arith.constant 0 : i32
      %dma_wait3A_196 = arith.constant 0 : i32
      %dma_wait3A_197 = tpu.memref_slice %arg9[%dma_wait3A_195, %dma_wait3A_196] : memref<10112x16xf32, #tpu.memory_space<vmem_shared>> -> memref<10112x16xf32, #tpu.memory_space<vmem_shared>>
      tpu.wait_indirect_dma semaphore(%arg13 : memref<!tpu.dma_semaphore, #tpu.memory_space<semaphore_mem>>) src(%dma_wait3A_197 : memref<10112x16xf32, #tpu.memory_space<vmem_shared>>) dst(%dma_wait3A_191 : memref<128x16xf32, #tpu.memory_space<vmem>>)
      %dma_start3A_198 = arith.constant 0 : i32
      %dma_start3A_199 = arith.constant 78 : i32
      %dma_start3A_200 = arith.constant 0 : i32
      %dma_start3A_201 = arith.constant 0 : i32
      %dma_start3A_202 = tpu.memref_slice %arg7[%dma_start3A_198, %dma_start3A_200, %dma_start3A_201] : memref<6x128x16xf32, #tpu.memory_space<vmem>> -> memref<1x128x16xf32, #tpu.memory_space<vmem>>
      %dma_start3A_203 = tpu.memref_squeeze %dma_start3A_202 : memref<1x128x16xf32, #tpu.memory_space<vmem>> -> memref<128x16xf32, #tpu.memory_space<vmem>>
      %dma_start3A_204 = arith.constant 0 : i32
      %dma_start3A_205 = tpu.memref_slice %arg6[%dma_start3A_199, %dma_start3A_204] : memref<79x128xi32, #tpu.memory_space<vmem>> -> memref<1x128xi32, #tpu.memory_space<vmem>>
      %dma_start3A_206 = tpu.memref_squeeze %dma_start3A_205 : memref<1x128xi32, #tpu.memory_space<vmem>> -> memref<128xi32, #tpu.memory_space<vmem>>
      %dma_start3A_207 = arith.constant 0 : i32
      %dma_start3A_208 = arith.constant 0 : i32
      %dma_start3A_209 = tpu.memref_slice %arg10[%dma_start3A_207, %dma_start3A_208] : memref<10112x16xf32, #tpu.memory_space<vmem_shared>> -> memref<10112x16xf32, #tpu.memory_space<vmem_shared>>
      tpu.enqueue_indirect_dma source(%dma_start3A_203 : memref<128x16xf32, #tpu.memory_space<vmem>>) target(%dma_start3A_209 : memref<10112x16xf32, #tpu.memory_space<vmem_shared>>) offsets(%dma_start3A_206 : memref<128xi32, #tpu.memory_space<vmem>>) semaphore(%arg19 : memref<!tpu.dma_semaphore, #tpu.memory_space<semaphore_mem>>) {add = true}
      %dma_wait3A_210 = arith.constant 0 : i32
      %dma_wait3A_211 = arith.constant 78 : i32
      %dma_wait3A_212 = arith.constant 0 : i32
      %dma_wait3A_213 = arith.constant 0 : i32
      %dma_wait3A_214 = tpu.memref_slice %arg7[%dma_wait3A_210, %dma_wait3A_212, %dma_wait3A_213] : memref<6x128x16xf32, #tpu.memory_space<vmem>> -> memref<1x128x16xf32, #tpu.memory_space<vmem>>
      %dma_wait3A_215 = tpu.memref_squeeze %dma_wait3A_214 : memref<1x128x16xf32, #tpu.memory_space<vmem>> -> memref<128x16xf32, #tpu.memory_space<vmem>>
      %dma_wait3A_216 = arith.constant 0 : i32
      %dma_wait3A_217 = tpu.memref_slice %arg6[%dma_wait3A_211, %dma_wait3A_216] : memref<79x128xi32, #tpu.memory_space<vmem>> -> memref<1x128xi32, #tpu.memory_space<vmem>>
      %dma_wait3A_218 = tpu.memref_squeeze %dma_wait3A_217 : memref<1x128xi32, #tpu.memory_space<vmem>> -> memref<128xi32, #tpu.memory_space<vmem>>
      %dma_wait3A_219 = arith.constant 0 : i32
      %dma_wait3A_220 = arith.constant 0 : i32
      %dma_wait3A_221 = tpu.memref_slice %arg10[%dma_wait3A_219, %dma_wait3A_220] : memref<10112x16xf32, #tpu.memory_space<vmem_shared>> -> memref<10112x16xf32, #tpu.memory_space<vmem_shared>>
      tpu.wait_indirect_dma semaphore(%arg19 : memref<!tpu.dma_semaphore, #tpu.memory_space<semaphore_mem>>) src(%dma_wait3A_215 : memref<128x16xf32, #tpu.memory_space<vmem>>) dst(%dma_wait3A_221 : memref<10112x16xf32, #tpu.memory_space<vmem_shared>>)
    } else {
    }
    %dma_wait3A_111 = arith.constant 1 : i32
    %dma_wait3A_112 = arith.constant 73 : i32
    %dma_wait3A_113 = arith.constant 0 : i32
    %dma_wait3A_114 = arith.constant 0 : i32
    %dma_wait3A_115 = tpu.memref_slice %arg7[%dma_wait3A_111, %dma_wait3A_113, %dma_wait3A_114] : memref<6x128x16xf32, #tpu.memory_space<vmem>> -> memref<1x128x16xf32, #tpu.memory_space<vmem>>
    %dma_wait3A_116 = tpu.memref_squeeze %dma_wait3A_115 : memref<1x128x16xf32, #tpu.memory_space<vmem>> -> memref<128x16xf32, #tpu.memory_space<vmem>>
    %dma_wait3A_117 = arith.constant 0 : i32
    %dma_wait3A_118 = tpu.memref_slice %arg6[%dma_wait3A_112, %dma_wait3A_117] : memref<79x128xi32, #tpu.memory_space<vmem>> -> memref<1x128xi32, #tpu.memory_space<vmem>>
    %dma_wait3A_119 = tpu.memref_squeeze %dma_wait3A_118 : memref<1x128xi32, #tpu.memory_space<vmem>> -> memref<128xi32, #tpu.memory_space<vmem>>
    %dma_wait3A_120 = arith.constant 0 : i32
    %dma_wait3A_121 = arith.constant 0 : i32
    %dma_wait3A_122 = tpu.memref_slice %arg10[%dma_wait3A_120, %dma_wait3A_121] : memref<10112x16xf32, #tpu.memory_space<vmem_shared>> -> memref<10112x16xf32, #tpu.memory_space<vmem_shared>>
    tpu.wait_indirect_dma semaphore(%arg20 : memref<!tpu.dma_semaphore, #tpu.memory_space<semaphore_mem>>) src(%dma_wait3A_116 : memref<128x16xf32, #tpu.memory_space<vmem>>) dst(%dma_wait3A_122 : memref<10112x16xf32, #tpu.memory_space<vmem_shared>>)
    %dma_wait3A_123 = arith.constant 2 : i32
    %dma_wait3A_124 = arith.constant 74 : i32
    %dma_wait3A_125 = arith.constant 0 : i32
    %dma_wait3A_126 = arith.constant 0 : i32
    %dma_wait3A_127 = tpu.memref_slice %arg7[%dma_wait3A_123, %dma_wait3A_125, %dma_wait3A_126] : memref<6x128x16xf32, #tpu.memory_space<vmem>> -> memref<1x128x16xf32, #tpu.memory_space<vmem>>
    %dma_wait3A_128 = tpu.memref_squeeze %dma_wait3A_127 : memref<1x128x16xf32, #tpu.memory_space<vmem>> -> memref<128x16xf32, #tpu.memory_space<vmem>>
    %dma_wait3A_129 = arith.constant 0 : i32
    %dma_wait3A_130 = tpu.memref_slice %arg6[%dma_wait3A_124, %dma_wait3A_129] : memref<79x128xi32, #tpu.memory_space<vmem>> -> memref<1x128xi32, #tpu.memory_space<vmem>>
    %dma_wait3A_131 = tpu.memref_squeeze %dma_wait3A_130 : memref<1x128xi32, #tpu.memory_space<vmem>> -> memref<128xi32, #tpu.memory_space<vmem>>
    %dma_wait3A_132 = arith.constant 0 : i32
    %dma_wait3A_133 = arith.constant 0 : i32
    %dma_wait3A_134 = tpu.memref_slice %arg10[%dma_wait3A_132, %dma_wait3A_133] : memref<10112x16xf32, #tpu.memory_space<vmem_shared>> -> memref<10112x16xf32, #tpu.memory_space<vmem_shared>>
    tpu.wait_indirect_dma semaphore(%arg21 : memref<!tpu.dma_semaphore, #tpu.memory_space<semaphore_mem>>) src(%dma_wait3A_128 : memref<128x16xf32, #tpu.memory_space<vmem>>) dst(%dma_wait3A_134 : memref<10112x16xf32, #tpu.memory_space<vmem_shared>>)
    %dma_wait3A_135 = arith.constant 3 : i32
    %dma_wait3A_136 = arith.constant 75 : i32
    %dma_wait3A_137 = arith.constant 0 : i32
    %dma_wait3A_138 = arith.constant 0 : i32
    %dma_wait3A_139 = tpu.memref_slice %arg7[%dma_wait3A_135, %dma_wait3A_137, %dma_wait3A_138] : memref<6x128x16xf32, #tpu.memory_space<vmem>> -> memref<1x128x16xf32, #tpu.memory_space<vmem>>
    %dma_wait3A_140 = tpu.memref_squeeze %dma_wait3A_139 : memref<1x128x16xf32, #tpu.memory_space<vmem>> -> memref<128x16xf32, #tpu.memory_space<vmem>>
    %dma_wait3A_141 = arith.constant 0 : i32
    %dma_wait3A_142 = tpu.memref_slice %arg6[%dma_wait3A_136, %dma_wait3A_141] : memref<79x128xi32, #tpu.memory_space<vmem>> -> memref<1x128xi32, #tpu.memory_space<vmem>>
    %dma_wait3A_143 = tpu.memref_squeeze %dma_wait3A_142 : memref<1x128xi32, #tpu.memory_space<vmem>> -> memref<128xi32, #tpu.memory_space<vmem>>
    %dma_wait3A_144 = arith.constant 0 : i32
    %dma_wait3A_145 = arith.constant 0 : i32
    %dma_wait3A_146 = tpu.memref_slice %arg10[%dma_wait3A_144, %dma_wait3A_145] : memref<10112x16xf32, #tpu.memory_space<vmem_shared>> -> memref<10112x16xf32, #tpu.memory_space<vmem_shared>>
    tpu.wait_indirect_dma semaphore(%arg22 : memref<!tpu.dma_semaphore, #tpu.memory_space<semaphore_mem>>) src(%dma_wait3A_140 : memref<128x16xf32, #tpu.memory_space<vmem>>) dst(%dma_wait3A_146 : memref<10112x16xf32, #tpu.memory_space<vmem_shared>>)
    %dma_wait3A_147 = arith.constant 4 : i32
    %dma_wait3A_148 = arith.constant 76 : i32
    %dma_wait3A_149 = arith.constant 0 : i32
    %dma_wait3A_150 = arith.constant 0 : i32
    %dma_wait3A_151 = tpu.memref_slice %arg7[%dma_wait3A_147, %dma_wait3A_149, %dma_wait3A_150] : memref<6x128x16xf32, #tpu.memory_space<vmem>> -> memref<1x128x16xf32, #tpu.memory_space<vmem>>
    %dma_wait3A_152 = tpu.memref_squeeze %dma_wait3A_151 : memref<1x128x16xf32, #tpu.memory_space<vmem>> -> memref<128x16xf32, #tpu.memory_space<vmem>>
    %dma_wait3A_153 = arith.constant 0 : i32
    %dma_wait3A_154 = tpu.memref_slice %arg6[%dma_wait3A_148, %dma_wait3A_153] : memref<79x128xi32, #tpu.memory_space<vmem>> -> memref<1x128xi32, #tpu.memory_space<vmem>>
    %dma_wait3A_155 = tpu.memref_squeeze %dma_wait3A_154 : memref<1x128xi32, #tpu.memory_space<vmem>> -> memref<128xi32, #tpu.memory_space<vmem>>
    %dma_wait3A_156 = arith.constant 0 : i32
    %dma_wait3A_157 = arith.constant 0 : i32
    %dma_wait3A_158 = tpu.memref_slice %arg10[%dma_wait3A_156, %dma_wait3A_157] : memref<10112x16xf32, #tpu.memory_space<vmem_shared>> -> memref<10112x16xf32, #tpu.memory_space<vmem_shared>>
    tpu.wait_indirect_dma semaphore(%arg23 : memref<!tpu.dma_semaphore, #tpu.memory_space<semaphore_mem>>) src(%dma_wait3A_152 : memref<128x16xf32, #tpu.memory_space<vmem>>) dst(%dma_wait3A_158 : memref<10112x16xf32, #tpu.memory_space<vmem_shared>>)
    %dma_wait3A_159 = arith.constant 5 : i32
    %dma_wait3A_160 = arith.constant 77 : i32
    %dma_wait3A_161 = arith.constant 0 : i32
    %dma_wait3A_162 = arith.constant 0 : i32
    %dma_wait3A_163 = tpu.memref_slice %arg7[%dma_wait3A_159, %dma_wait3A_161, %dma_wait3A_162] : memref<6x128x16xf32, #tpu.memory_space<vmem>> -> memref<1x128x16xf32, #tpu.memory_space<vmem>>
    %dma_wait3A_164 = tpu.memref_squeeze %dma_wait3A_163 : memref<1x128x16xf32, #tpu.memory_space<vmem>> -> memref<128x16xf32, #tpu.memory_space<vmem>>
    %dma_wait3A_165 = arith.constant 0 : i32
    %dma_wait3A_166 = tpu.memref_slice %arg6[%dma_wait3A_160, %dma_wait3A_165] : memref<79x128xi32, #tpu.memory_space<vmem>> -> memref<1x128xi32, #tpu.memory_space<vmem>>
    %dma_wait3A_167 = tpu.memref_squeeze %dma_wait3A_166 : memref<1x128xi32, #tpu.memory_space<vmem>> -> memref<128xi32, #tpu.memory_space<vmem>>
    %dma_wait3A_168 = arith.constant 0 : i32
    %dma_wait3A_169 = arith.constant 0 : i32
    %dma_wait3A_170 = tpu.memref_slice %arg10[%dma_wait3A_168, %dma_wait3A_169] : memref<10112x16xf32, #tpu.memory_space<vmem_shared>> -> memref<10112x16xf32, #tpu.memory_space<vmem_shared>>
    tpu.wait_indirect_dma semaphore(%arg24 : memref<!tpu.dma_semaphore, #tpu.memory_space<semaphore_mem>>) src(%dma_wait3A_164 : memref<128x16xf32, #tpu.memory_space<vmem>>) dst(%dma_wait3A_170 : memref<10112x16xf32, #tpu.memory_space<vmem_shared>>)
    %barrier3A_171 = arith.constant 0 : index
    tpu.barrier barrier_id(%barrier3A_171)
    %mul3A_172 = arith.constant 632 : i32
    %mul3A_173 = arith.muli %arg1, %mul3A_172 : i32
    "tpu.region"() ({
      %run_scoped3A = tpu.sem_alloc : memref<!tpu.dma_semaphore, #tpu.memory_space<semaphore_mem>>
      %dma_start3A_174 = arith.constant 0 : i32
      %dma_start3A_175 = tpu.memref_slice %arg4[%arg0, %mul3A_173, %dma_start3A_174] : memref<2x10112x16xf32, #tpu.memory_space<hbm>> -> memref<1x632x16xf32, #tpu.memory_space<hbm>>
      %dma_start3A_176 = tpu.memref_squeeze %dma_start3A_175 : memref<1x632x16xf32, #tpu.memory_space<hbm>> -> memref<632x16xf32, #tpu.memory_space<hbm>>
      %dma_start3A_177 = arith.constant 0 : i32
      %dma_start3A_178 = tpu.memref_slice %arg10[%mul3A_173, %dma_start3A_177] : memref<10112x16xf32, #tpu.memory_space<vmem_shared>> -> memref<632x16xf32, #tpu.memory_space<vmem_shared>>
      tpu.enqueue_dma source(%dma_start3A_178 : memref<632x16xf32, #tpu.memory_space<vmem_shared>>) target(%dma_start3A_176 : memref<632x16xf32, #tpu.memory_space<hbm>>) target_semaphore(%run_scoped3A : memref<!tpu.dma_semaphore, #tpu.memory_space<semaphore_mem>>)
      %dma_wait3A_179 = arith.constant 0 : i32
      %dma_wait3A_180 = tpu.memref_slice %arg4[%arg0, %mul3A_173, %dma_wait3A_179] : memref<2x10112x16xf32, #tpu.memory_space<hbm>> -> memref<1x632x16xf32, #tpu.memory_space<hbm>>
      %dma_wait3A_181 = tpu.memref_squeeze %dma_wait3A_180 : memref<1x632x16xf32, #tpu.memory_space<hbm>> -> memref<632x16xf32, #tpu.memory_space<hbm>>
      %dma_wait3A_182 = arith.constant 0 : i32
      %dma_wait3A_183 = tpu.memref_slice %arg10[%mul3A_173, %dma_wait3A_182] : memref<10112x16xf32, #tpu.memory_space<vmem_shared>> -> memref<632x16xf32, #tpu.memory_space<vmem_shared>>
      tpu.wait_dma2 semaphore(%run_scoped3A : memref<!tpu.dma_semaphore, #tpu.memory_space<semaphore_mem>>) src(%dma_wait3A_183 : memref<632x16xf32, #tpu.memory_space<vmem_shared>>) dst(%dma_wait3A_181 : memref<632x16xf32, #tpu.memory_space<hbm>>)
      tpu.yield
    }) : () -> ()
    return
  }
}

#map = affine_map<(d0, d1) -> (0, 0, 0)>
#map1 = affine_map<(d0, d1) -> (0)>
module attributes {stable_mosaic.version = 14 : i64} {
  func.func @_sc_agg2(%arg0: i32, %arg1: i32, %arg2: memref<2x10112x16xf32, #tpu.memory_space<hbm>>, %arg3: memref<16xf32, #tpu.memory_space<hbm>>, %arg4: memref<2x2500x128xi32, #tpu.memory_space<hbm>>, %arg5: memref<2x10112x16xf32, #tpu.memory_space<hbm>>, %arg6: memref<632x16xf32, #tpu.memory_space<vmem>>, %arg7: memref<632x16xf32, #tpu.memory_space<vmem>>, %arg8: memref<16xf32, #tpu.memory_space<vmem>>, %arg9: memref<79x128xi32, #tpu.memory_space<vmem>>, %arg10: memref<79x128xi32, #tpu.memory_space<vmem>>, %arg11: memref<6x128x16xf32, #tpu.memory_space<vmem>>, %arg12: memref<632x16xf32, #tpu.memory_space<vmem>>, %arg13: memref<10112x16xf32, #tpu.memory_space<vmem_shared>>, %arg14: memref<10112x16xf32, #tpu.memory_space<vmem_shared>>, %arg15: memref<!tpu.dma_semaphore, #tpu.memory_space<semaphore_mem>>, %arg16: memref<!tpu.dma_semaphore, #tpu.memory_space<semaphore_mem>>, %arg17: memref<!tpu.dma_semaphore, #tpu.memory_space<semaphore_mem>>, %arg18: memref<!tpu.dma_semaphore, #tpu.memory_space<semaphore_mem>>, %arg19: memref<!tpu.dma_semaphore, #tpu.memory_space<semaphore_mem>>, %arg20: memref<!tpu.dma_semaphore, #tpu.memory_space<semaphore_mem>>, %arg21: memref<!tpu.dma_semaphore, #tpu.memory_space<semaphore_mem>>, %arg22: memref<!tpu.dma_semaphore, #tpu.memory_space<semaphore_mem>>, %arg23: memref<!tpu.dma_semaphore, #tpu.memory_space<semaphore_mem>>, %arg24: memref<!tpu.dma_semaphore, #tpu.memory_space<semaphore_mem>>, %arg25: memref<!tpu.dma_semaphore, #tpu.memory_space<semaphore_mem>>, %arg26: memref<!tpu.dma_semaphore, #tpu.memory_space<semaphore_mem>>, %arg27: memref<!tpu.dma_semaphore, #tpu.memory_space<semaphore_mem>>, %arg28: memref<!tpu.dma_semaphore, #tpu.memory_space<semaphore_mem>>) attributes {dimension_semantics = [#tpu.dimension_semantics<core_parallel>, #tpu.dimension_semantics<subcore_parallel>], iteration_bounds = array<i64: 2, 16>, scalar_prefetch = 0 : i64, scratch_operands = 23 : i64, tpu.core_type = #tpu.core_type<sc_vector_subcore>, window_params = [{transform_indices = #map}, {transform_indices = #map1}, {transform_indices = #map}, {transform_indices = #map}]} {
    %mul3A = arith.constant 2 : i32
    %mul3A_0 = arith.muli %arg1, %mul3A : i32
    %add3A = arith.addi %mul3A_0, %arg0 : i32
    %mul3A_1 = arith.constant 632 : i32
    %mul3A_2 = arith.muli %arg1, %mul3A_1 : i32
    %mul3A_3 = arith.constant 78 : i32
    %mul3A_4 = arith.muli %add3A, %mul3A_3 : i32
    %min3A = arith.constant 4 : i32
    %min3A_5 = arith.minsi %add3A, %min3A : i32
    %add3A_6 = arith.addi %mul3A_4, %min3A_5 : i32
    %lt3A = arith.constant 4 : i32
    %lt3A_7 = arith.cmpi slt, %add3A, %lt3A : i32
    %convert_element_type3A = arith.extui %lt3A_7 : i1 to i32
    %cond3A = arith.constant 0 : i32
    %cond3A_8 = arith.cmpi ne, %convert_element_type3A, %cond3A : i32
    scf.if %cond3A_8 {
      %dma_start3A_200 = arith.constant 0 : i32
      %dma_start3A_201 = arith.constant 0 : i32
      %dma_start3A_202 = tpu.memref_slice %arg4[%dma_start3A_200, %add3A_6, %dma_start3A_201] : memref<2x2500x128xi32, #tpu.memory_space<hbm>> -> memref<1x79x128xi32, #tpu.memory_space<hbm>>
      %dma_start3A_203 = tpu.memref_squeeze %dma_start3A_202 : memref<1x79x128xi32, #tpu.memory_space<hbm>> -> memref<79x128xi32, #tpu.memory_space<hbm>>
      %dma_start3A_204 = arith.constant 0 : i32
      %dma_start3A_205 = tpu.memref_slice %arg4[%dma_start3A_200, %add3A_6, %dma_start3A_204] : memref<2x2500x128xi32, #tpu.memory_space<hbm>> -> memref<1x79x128xi32, #tpu.memory_space<hbm>>
      %dma_start3A_206 = tpu.memref_squeeze %dma_start3A_205 : memref<1x79x128xi32, #tpu.memory_space<hbm>> -> memref<79x128xi32, #tpu.memory_space<hbm>>
      tpu.enqueue_dma source(%dma_start3A_206 : memref<79x128xi32, #tpu.memory_space<hbm>>) target(%arg9 : memref<79x128xi32, #tpu.memory_space<vmem>>) target_semaphore(%arg16 : memref<!tpu.dma_semaphore, #tpu.memory_space<semaphore_mem>>)
      %dma_start3A_207 = arith.constant 1 : i32
      %dma_start3A_208 = arith.constant 0 : i32
      %dma_start3A_209 = tpu.memref_slice %arg4[%dma_start3A_207, %add3A_6, %dma_start3A_208] : memref<2x2500x128xi32, #tpu.memory_space<hbm>> -> memref<1x79x128xi32, #tpu.memory_space<hbm>>
      %dma_start3A_210 = tpu.memref_squeeze %dma_start3A_209 : memref<1x79x128xi32, #tpu.memory_space<hbm>> -> memref<79x128xi32, #tpu.memory_space<hbm>>
      %dma_start3A_211 = arith.constant 0 : i32
      %dma_start3A_212 = tpu.memref_slice %arg4[%dma_start3A_207, %add3A_6, %dma_start3A_211] : memref<2x2500x128xi32, #tpu.memory_space<hbm>> -> memref<1x79x128xi32, #tpu.memory_space<hbm>>
      %dma_start3A_213 = tpu.memref_squeeze %dma_start3A_212 : memref<1x79x128xi32, #tpu.memory_space<hbm>> -> memref<79x128xi32, #tpu.memory_space<hbm>>
      tpu.enqueue_dma source(%dma_start3A_213 : memref<79x128xi32, #tpu.memory_space<hbm>>) target(%arg10 : memref<79x128xi32, #tpu.memory_space<vmem>>) target_semaphore(%arg16 : memref<!tpu.dma_semaphore, #tpu.memory_space<semaphore_mem>>)
    } else {
    }
    %not3A = arith.constant true
    %not3A_9 = arith.xori %lt3A_7, %not3A : i1
    %convert_element_type3A_10 = arith.extui %not3A_9 : i1 to i32
    %cond3A_11 = arith.constant 0 : i32
    %cond3A_12 = arith.cmpi ne, %convert_element_type3A_10, %cond3A_11 : i32
    scf.if %cond3A_12 {
      %dma_start3A_200 = arith.constant 0 : i32
      %dma_start3A_201 = arith.constant 0 : i32
      %dma_start3A_202 = arith.constant 0 : i32
      %dma_start3A_203 = tpu.memref_slice %arg9[%dma_start3A_201, %dma_start3A_202] : memref<79x128xi32, #tpu.memory_space<vmem>> -> memref<78x128xi32, #tpu.memory_space<vmem>>
      %dma_start3A_204 = arith.constant 0 : i32
      %dma_start3A_205 = tpu.memref_slice %arg4[%dma_start3A_200, %add3A_6, %dma_start3A_204] : memref<2x2500x128xi32, #tpu.memory_space<hbm>> -> memref<1x78x128xi32, #tpu.memory_space<hbm>>
      %dma_start3A_206 = tpu.memref_squeeze %dma_start3A_205 : memref<1x78x128xi32, #tpu.memory_space<hbm>> -> memref<78x128xi32, #tpu.memory_space<hbm>>
      %dma_start3A_207 = arith.constant 0 : i32
      %dma_start3A_208 = arith.constant 0 : i32
      %dma_start3A_209 = tpu.memref_slice %arg9[%dma_start3A_207, %dma_start3A_208] : memref<79x128xi32, #tpu.memory_space<vmem>> -> memref<78x128xi32, #tpu.memory_space<vmem>>
      %dma_start3A_210 = arith.constant 0 : i32
      %dma_start3A_211 = tpu.memref_slice %arg4[%dma_start3A_200, %add3A_6, %dma_start3A_210] : memref<2x2500x128xi32, #tpu.memory_space<hbm>> -> memref<1x78x128xi32, #tpu.memory_space<hbm>>
      %dma_start3A_212 = tpu.memref_squeeze %dma_start3A_211 : memref<1x78x128xi32, #tpu.memory_space<hbm>> -> memref<78x128xi32, #tpu.memory_space<hbm>>
      tpu.enqueue_dma source(%dma_start3A_212 : memref<78x128xi32, #tpu.memory_space<hbm>>) target(%dma_start3A_209 : memref<78x128xi32, #tpu.memory_space<vmem>>) target_semaphore(%arg16 : memref<!tpu.dma_semaphore, #tpu.memory_space<semaphore_mem>>)
      %dma_start3A_213 = arith.constant 1 : i32
      %dma_start3A_214 = arith.constant 0 : i32
      %dma_start3A_215 = arith.constant 0 : i32
      %dma_start3A_216 = tpu.memref_slice %arg10[%dma_start3A_214, %dma_start3A_215] : memref<79x128xi32, #tpu.memory_space<vmem>> -> memref<78x128xi32, #tpu.memory_space<vmem>>
      %dma_start3A_217 = arith.constant 0 : i32
      %dma_start3A_218 = tpu.memref_slice %arg4[%dma_start3A_213, %add3A_6, %dma_start3A_217] : memref<2x2500x128xi32, #tpu.memory_space<hbm>> -> memref<1x78x128xi32, #tpu.memory_space<hbm>>
      %dma_start3A_219 = tpu.memref_squeeze %dma_start3A_218 : memref<1x78x128xi32, #tpu.memory_space<hbm>> -> memref<78x128xi32, #tpu.memory_space<hbm>>
      %dma_start3A_220 = arith.constant 0 : i32
      %dma_start3A_221 = arith.constant 0 : i32
      %dma_start3A_222 = tpu.memref_slice %arg10[%dma_start3A_220, %dma_start3A_221] : memref<79x128xi32, #tpu.memory_space<vmem>> -> memref<78x128xi32, #tpu.memory_space<vmem>>
      %dma_start3A_223 = arith.constant 0 : i32
      %dma_start3A_224 = tpu.memref_slice %arg4[%dma_start3A_213, %add3A_6, %dma_start3A_223] : memref<2x2500x128xi32, #tpu.memory_space<hbm>> -> memref<1x78x128xi32, #tpu.memory_space<hbm>>
      %dma_start3A_225 = tpu.memref_squeeze %dma_start3A_224 : memref<1x78x128xi32, #tpu.memory_space<hbm>> -> memref<78x128xi32, #tpu.memory_space<hbm>>
      tpu.enqueue_dma source(%dma_start3A_225 : memref<78x128xi32, #tpu.memory_space<hbm>>) target(%dma_start3A_222 : memref<78x128xi32, #tpu.memory_space<vmem>>) target_semaphore(%arg16 : memref<!tpu.dma_semaphore, #tpu.memory_space<semaphore_mem>>)
    } else {
    }
    %dma_start3A = arith.constant 0 : i32
    %dma_start3A_13 = arith.constant 0 : i32
    %dma_start3A_14 = tpu.memref_slice %arg2[%dma_start3A, %mul3A_2, %dma_start3A_13] : memref<2x10112x16xf32, #tpu.memory_space<hbm>> -> memref<1x632x16xf32, #tpu.memory_space<hbm>>
    %dma_start3A_15 = tpu.memref_squeeze %dma_start3A_14 : memref<1x632x16xf32, #tpu.memory_space<hbm>> -> memref<632x16xf32, #tpu.memory_space<hbm>>
    %dma_start3A_16 = arith.constant 0 : i32
    %dma_start3A_17 = tpu.memref_slice %arg2[%dma_start3A, %mul3A_2, %dma_start3A_16] : memref<2x10112x16xf32, #tpu.memory_space<hbm>> -> memref<1x632x16xf32, #tpu.memory_space<hbm>>
    %dma_start3A_18 = tpu.memref_squeeze %dma_start3A_17 : memref<1x632x16xf32, #tpu.memory_space<hbm>> -> memref<632x16xf32, #tpu.memory_space<hbm>>
    tpu.enqueue_dma source(%dma_start3A_18 : memref<632x16xf32, #tpu.memory_space<hbm>>) target(%arg6 : memref<632x16xf32, #tpu.memory_space<vmem>>) target_semaphore(%arg15 : memref<!tpu.dma_semaphore, #tpu.memory_space<semaphore_mem>>)
    %dma_start3A_19 = arith.constant 1 : i32
    %dma_start3A_20 = arith.constant 0 : i32
    %dma_start3A_21 = tpu.memref_slice %arg2[%dma_start3A_19, %mul3A_2, %dma_start3A_20] : memref<2x10112x16xf32, #tpu.memory_space<hbm>> -> memref<1x632x16xf32, #tpu.memory_space<hbm>>
    %dma_start3A_22 = tpu.memref_squeeze %dma_start3A_21 : memref<1x632x16xf32, #tpu.memory_space<hbm>> -> memref<632x16xf32, #tpu.memory_space<hbm>>
    %dma_start3A_23 = arith.constant 0 : i32
    %dma_start3A_24 = tpu.memref_slice %arg2[%dma_start3A_19, %mul3A_2, %dma_start3A_23] : memref<2x10112x16xf32, #tpu.memory_space<hbm>> -> memref<1x632x16xf32, #tpu.memory_space<hbm>>
    %dma_start3A_25 = tpu.memref_squeeze %dma_start3A_24 : memref<1x632x16xf32, #tpu.memory_space<hbm>> -> memref<632x16xf32, #tpu.memory_space<hbm>>
    tpu.enqueue_dma source(%dma_start3A_25 : memref<632x16xf32, #tpu.memory_space<hbm>>) target(%arg7 : memref<632x16xf32, #tpu.memory_space<vmem>>) target_semaphore(%arg15 : memref<!tpu.dma_semaphore, #tpu.memory_space<semaphore_mem>>)
    "tpu.region"() ({
      %run_scoped3A = tpu.sem_alloc : memref<!tpu.dma_semaphore, #tpu.memory_space<semaphore_mem>>
      tpu.enqueue_dma source(%arg3 : memref<16xf32, #tpu.memory_space<hbm>>) target(%arg8 : memref<16xf32, #tpu.memory_space<vmem>>) target_semaphore(%run_scoped3A : memref<!tpu.dma_semaphore, #tpu.memory_space<semaphore_mem>>)
      tpu.wait_dma2 semaphore(%run_scoped3A : memref<!tpu.dma_semaphore, #tpu.memory_space<semaphore_mem>>) src(%arg3 : memref<16xf32, #tpu.memory_space<hbm>>) dst(%arg8 : memref<16xf32, #tpu.memory_space<vmem>>)
      tpu.yield
    }) : () -> ()
    %broadcast_in_dim3A = arith.constant 0.000000e+00 : f32
    %broadcast_in_dim3A_26 = vector.broadcast %broadcast_in_dim3A : f32 to vector<16xf32>
    %scan3A = arith.constant 0 : i32
    %scan3A_27 = arith.constant 0 : i32
    %scan3A_28 = arith.constant 79 : i32
    %scan3A_29 = arith.addi %scan3A_27, %scan3A_28 : i32
    %scan3A_30 = arith.constant 1 : i32
    scf.for %scan3A_200 = %scan3A_27 to %scan3A_29 step %scan3A_30  : i32 {
      %mul3A_201 = arith.constant 8 : i32
      %mul3A_202 = arith.muli %scan3A_200, %mul3A_201 : i32
      %add3A_203 = arith.constant 0 : i32
      %add3A_204 = arith.addi %mul3A_202, %add3A_203 : i32
      %swap3A = arith.index_cast %add3A_204 : i32 to index
      %swap3A_205 = arith.constant 0 : index
      %swap3A_206 = tpu.vector_load %arg12[%swap3A, %swap3A_205] {strides = array<i32>} : memref<632x16xf32, #tpu.memory_space<vmem>>, vector<1x16xf32>,
      %swap3A_207 = vector.shape_cast %swap3A_206 : vector<1x16xf32> to vector<16xf32>
      %swap3A_208 = vector.shape_cast %broadcast_in_dim3A_26 : vector<16xf32> to vector<1x16xf32>
      tpu.vector_store %arg12[%swap3A, %swap3A_205], %swap3A_208 {strides = array<i32>} : memref<632x16xf32, #tpu.memory_space<vmem>>, vector<1x16xf32>,
      %mul3A_209 = arith.constant 8 : i32
      %mul3A_210 = arith.muli %scan3A_200, %mul3A_209 : i32
      %add3A_211 = arith.constant 1 : i32
      %add3A_212 = arith.addi %mul3A_210, %add3A_211 : i32
      %swap3A_213 = arith.index_cast %add3A_212 : i32 to index
      %swap3A_214 = arith.constant 0 : index
      %swap3A_215 = tpu.vector_load %arg12[%swap3A_213, %swap3A_214] {strides = array<i32>} : memref<632x16xf32, #tpu.memory_space<vmem>>, vector<1x16xf32>,
      %swap3A_216 = vector.shape_cast %swap3A_215 : vector<1x16xf32> to vector<16xf32>
      %swap3A_217 = vector.shape_cast %broadcast_in_dim3A_26 : vector<16xf32> to vector<1x16xf32>
      tpu.vector_store %arg12[%swap3A_213, %swap3A_214], %swap3A_217 {strides = array<i32>} : memref<632x16xf32, #tpu.memory_space<vmem>>, vector<1x16xf32>,
      %mul3A_218 = arith.constant 8 : i32
      %mul3A_219 = arith.muli %scan3A_200, %mul3A_218 : i32
      %add3A_220 = arith.constant 2 : i32
      %add3A_221 = arith.addi %mul3A_219, %add3A_220 : i32
      %swap3A_222 = arith.index_cast %add3A_221 : i32 to index
      %swap3A_223 = arith.constant 0 : index
      %swap3A_224 = tpu.vector_load %arg12[%swap3A_222, %swap3A_223] {strides = array<i32>} : memref<632x16xf32, #tpu.memory_space<vmem>>, vector<1x16xf32>,
      %swap3A_225 = vector.shape_cast %swap3A_224 : vector<1x16xf32> to vector<16xf32>
      %swap3A_226 = vector.shape_cast %broadcast_in_dim3A_26 : vector<16xf32> to vector<1x16xf32>
      tpu.vector_store %arg12[%swap3A_222, %swap3A_223], %swap3A_226 {strides = array<i32>} : memref<632x16xf32, #tpu.memory_space<vmem>>, vector<1x16xf32>,
      %mul3A_227 = arith.constant 8 : i32
      %mul3A_228 = arith.muli %scan3A_200, %mul3A_227 : i32
      %add3A_229 = arith.constant 3 : i32
      %add3A_230 = arith.addi %mul3A_228, %add3A_229 : i32
      %swap3A_231 = arith.index_cast %add3A_230 : i32 to index
      %swap3A_232 = arith.constant 0 : index
      %swap3A_233 = tpu.vector_load %arg12[%swap3A_231, %swap3A_232] {strides = array<i32>} : memref<632x16xf32, #tpu.memory_space<vmem>>, vector<1x16xf32>,
      %swap3A_234 = vector.shape_cast %swap3A_233 : vector<1x16xf32> to vector<16xf32>
      %swap3A_235 = vector.shape_cast %broadcast_in_dim3A_26 : vector<16xf32> to vector<1x16xf32>
      tpu.vector_store %arg12[%swap3A_231, %swap3A_232], %swap3A_235 {strides = array<i32>} : memref<632x16xf32, #tpu.memory_space<vmem>>, vector<1x16xf32>,
      %mul3A_236 = arith.constant 8 : i32
      %mul3A_237 = arith.muli %scan3A_200, %mul3A_236 : i32
      %add3A_238 = arith.constant 4 : i32
      %add3A_239 = arith.addi %mul3A_237, %add3A_238 : i32
      %swap3A_240 = arith.index_cast %add3A_239 : i32 to index
      %swap3A_241 = arith.constant 0 : index
      %swap3A_242 = tpu.vector_load %arg12[%swap3A_240, %swap3A_241] {strides = array<i32>} : memref<632x16xf32, #tpu.memory_space<vmem>>, vector<1x16xf32>,
      %swap3A_243 = vector.shape_cast %swap3A_242 : vector<1x16xf32> to vector<16xf32>
      %swap3A_244 = vector.shape_cast %broadcast_in_dim3A_26 : vector<16xf32> to vector<1x16xf32>
      tpu.vector_store %arg12[%swap3A_240, %swap3A_241], %swap3A_244 {strides = array<i32>} : memref<632x16xf32, #tpu.memory_space<vmem>>, vector<1x16xf32>,
      %mul3A_245 = arith.constant 8 : i32
      %mul3A_246 = arith.muli %scan3A_200, %mul3A_245 : i32
      %add3A_247 = arith.constant 5 : i32
      %add3A_248 = arith.addi %mul3A_246, %add3A_247 : i32
      %swap3A_249 = arith.index_cast %add3A_248 : i32 to index
      %swap3A_250 = arith.constant 0 : index
      %swap3A_251 = tpu.vector_load %arg12[%swap3A_249, %swap3A_250] {strides = array<i32>} : memref<632x16xf32, #tpu.memory_space<vmem>>, vector<1x16xf32>,
      %swap3A_252 = vector.shape_cast %swap3A_251 : vector<1x16xf32> to vector<16xf32>
      %swap3A_253 = vector.shape_cast %broadcast_in_dim3A_26 : vector<16xf32> to vector<1x16xf32>
      tpu.vector_store %arg12[%swap3A_249, %swap3A_250], %swap3A_253 {strides = array<i32>} : memref<632x16xf32, #tpu.memory_space<vmem>>, vector<1x16xf32>,
      %mul3A_254 = arith.constant 8 : i32
      %mul3A_255 = arith.muli %scan3A_200, %mul3A_254 : i32
      %add3A_256 = arith.constant 6 : i32
      %add3A_257 = arith.addi %mul3A_255, %add3A_256 : i32
      %swap3A_258 = arith.index_cast %add3A_257 : i32 to index
      %swap3A_259 = arith.constant 0 : index
      %swap3A_260 = tpu.vector_load %arg12[%swap3A_258, %swap3A_259] {strides = array<i32>} : memref<632x16xf32, #tpu.memory_space<vmem>>, vector<1x16xf32>,
      %swap3A_261 = vector.shape_cast %swap3A_260 : vector<1x16xf32> to vector<16xf32>
      %swap3A_262 = vector.shape_cast %broadcast_in_dim3A_26 : vector<16xf32> to vector<1x16xf32>
      tpu.vector_store %arg12[%swap3A_258, %swap3A_259], %swap3A_262 {strides = array<i32>} : memref<632x16xf32, #tpu.memory_space<vmem>>, vector<1x16xf32>,
      %mul3A_263 = arith.constant 8 : i32
      %mul3A_264 = arith.muli %scan3A_200, %mul3A_263 : i32
      %add3A_265 = arith.constant 7 : i32
      %add3A_266 = arith.addi %mul3A_264, %add3A_265 : i32
      %swap3A_267 = arith.index_cast %add3A_266 : i32 to index
      %swap3A_268 = arith.constant 0 : index
      %swap3A_269 = tpu.vector_load %arg12[%swap3A_267, %swap3A_268] {strides = array<i32>} : memref<632x16xf32, #tpu.memory_space<vmem>>, vector<1x16xf32>,
      %swap3A_270 = vector.shape_cast %swap3A_269 : vector<1x16xf32> to vector<16xf32>
      %swap3A_271 = vector.shape_cast %broadcast_in_dim3A_26 : vector<16xf32> to vector<1x16xf32>
      tpu.vector_store %arg12[%swap3A_267, %swap3A_268], %swap3A_271 {strides = array<i32>} : memref<632x16xf32, #tpu.memory_space<vmem>>, vector<1x16xf32>,
    }
    %scan3A_31 = arith.constant 79 : i32
    "tpu.region"() ({
      %run_scoped3A = tpu.sem_alloc : memref<!tpu.dma_semaphore, #tpu.memory_space<semaphore_mem>>
      %dma_start3A_200 = arith.constant 0 : i32
      %dma_start3A_201 = tpu.memref_slice %arg14[%mul3A_2, %dma_start3A_200] : memref<10112x16xf32, #tpu.memory_space<vmem_shared>> -> memref<632x16xf32, #tpu.memory_space<vmem_shared>>
      %dma_start3A_202 = arith.constant 0 : i32
      %dma_start3A_203 = tpu.memref_slice %arg14[%mul3A_2, %dma_start3A_202] : memref<10112x16xf32, #tpu.memory_space<vmem_shared>> -> memref<632x16xf32, #tpu.memory_space<vmem_shared>>
      tpu.enqueue_dma source(%arg12 : memref<632x16xf32, #tpu.memory_space<vmem>>) target(%dma_start3A_203 : memref<632x16xf32, #tpu.memory_space<vmem_shared>>) target_semaphore(%run_scoped3A : memref<!tpu.dma_semaphore, #tpu.memory_space<semaphore_mem>>)
      %dma_wait3A_204 = arith.constant 0 : i32
      %dma_wait3A_205 = tpu.memref_slice %arg14[%mul3A_2, %dma_wait3A_204] : memref<10112x16xf32, #tpu.memory_space<vmem_shared>> -> memref<632x16xf32, #tpu.memory_space<vmem_shared>>
      %dma_wait3A_206 = arith.constant 0 : i32
      %dma_wait3A_207 = tpu.memref_slice %arg14[%mul3A_2, %dma_wait3A_206] : memref<10112x16xf32, #tpu.memory_space<vmem_shared>> -> memref<632x16xf32, #tpu.memory_space<vmem_shared>>
      tpu.wait_dma2 semaphore(%run_scoped3A : memref<!tpu.dma_semaphore, #tpu.memory_space<semaphore_mem>>) src(%arg12 : memref<632x16xf32, #tpu.memory_space<vmem>>) dst(%dma_wait3A_207 : memref<632x16xf32, #tpu.memory_space<vmem_shared>>)
      tpu.yield
    }) : () -> ()
    %dma_wait3A = arith.constant 0 : i32
    %dma_wait3A_32 = arith.constant 0 : i32
    %dma_wait3A_33 = tpu.memref_slice %arg2[%dma_wait3A, %mul3A_2, %dma_wait3A_32] : memref<2x10112x16xf32, #tpu.memory_space<hbm>> -> memref<1x632x16xf32, #tpu.memory_space<hbm>>
    %dma_wait3A_34 = tpu.memref_squeeze %dma_wait3A_33 : memref<1x632x16xf32, #tpu.memory_space<hbm>> -> memref<632x16xf32, #tpu.memory_space<hbm>>
    %dma_wait3A_35 = arith.constant 0 : i32
    %dma_wait3A_36 = tpu.memref_slice %arg2[%dma_wait3A, %mul3A_2, %dma_wait3A_35] : memref<2x10112x16xf32, #tpu.memory_space<hbm>> -> memref<1x632x16xf32, #tpu.memory_space<hbm>>
    %dma_wait3A_37 = tpu.memref_squeeze %dma_wait3A_36 : memref<1x632x16xf32, #tpu.memory_space<hbm>> -> memref<632x16xf32, #tpu.memory_space<hbm>>
    tpu.wait_dma2 semaphore(%arg15 : memref<!tpu.dma_semaphore, #tpu.memory_space<semaphore_mem>>) src(%dma_wait3A_37 : memref<632x16xf32, #tpu.memory_space<hbm>>) dst(%arg6 : memref<632x16xf32, #tpu.memory_space<vmem>>)
    %dma_wait3A_38 = arith.constant 1 : i32
    %dma_wait3A_39 = arith.constant 0 : i32
    %dma_wait3A_40 = tpu.memref_slice %arg2[%dma_wait3A_38, %mul3A_2, %dma_wait3A_39] : memref<2x10112x16xf32, #tpu.memory_space<hbm>> -> memref<1x632x16xf32, #tpu.memory_space<hbm>>
    %dma_wait3A_41 = tpu.memref_squeeze %dma_wait3A_40 : memref<1x632x16xf32, #tpu.memory_space<hbm>> -> memref<632x16xf32, #tpu.memory_space<hbm>>
    %dma_wait3A_42 = arith.constant 0 : i32
    %dma_wait3A_43 = tpu.memref_slice %arg2[%dma_wait3A_38, %mul3A_2, %dma_wait3A_42] : memref<2x10112x16xf32, #tpu.memory_space<hbm>> -> memref<1x632x16xf32, #tpu.memory_space<hbm>>
    %dma_wait3A_44 = tpu.memref_squeeze %dma_wait3A_43 : memref<1x632x16xf32, #tpu.memory_space<hbm>> -> memref<632x16xf32, #tpu.memory_space<hbm>>
    tpu.wait_dma2 semaphore(%arg15 : memref<!tpu.dma_semaphore, #tpu.memory_space<semaphore_mem>>) src(%dma_wait3A_44 : memref<632x16xf32, #tpu.memory_space<hbm>>) dst(%arg7 : memref<632x16xf32, #tpu.memory_space<vmem>>)
    %get3A = arith.constant 0 : index
    %get3A_45 = tpu.vector_load %arg8[%get3A] {strides = array<i32>} : memref<16xf32, #tpu.memory_space<vmem>>, vector<16xf32>,
    %get3A_46 = vector.shape_cast %get3A_45 : vector<16xf32> to vector<16xf32>
    %scan3A_47 = arith.constant 0 : i32
    %scan3A_48 = arith.constant 0 : i32
    %scan3A_49 = arith.constant 79 : i32
    %scan3A_50 = arith.addi %scan3A_48, %scan3A_49 : i32
    %scan3A_51 = arith.constant 1 : i32
    scf.for %scan3A_200 = %scan3A_48 to %scan3A_50 step %scan3A_51  : i32 {
      %mul3A_201 = arith.constant 8 : i32
      %mul3A_202 = arith.muli %scan3A_200, %mul3A_201 : i32
      %add3A_203 = arith.constant 0 : i32
      %add3A_204 = arith.addi %mul3A_202, %add3A_203 : i32
      %get3A_205 = arith.index_cast %add3A_204 : i32 to index
      %get3A_206 = arith.constant 0 : index
      %get3A_207 = tpu.vector_load %arg6[%get3A_205, %get3A_206] {strides = array<i32>} : memref<632x16xf32, #tpu.memory_space<vmem>>, vector<1x16xf32>,
      %get3A_208 = vector.shape_cast %get3A_207 : vector<1x16xf32> to vector<16xf32>
      %get3A_209 = arith.index_cast %add3A_204 : i32 to index
      %get3A_210 = arith.constant 0 : index
      %get3A_211 = tpu.vector_load %arg7[%get3A_209, %get3A_210] {strides = array<i32>} : memref<632x16xf32, #tpu.memory_space<vmem>>, vector<1x16xf32>,
      %get3A_212 = vector.shape_cast %get3A_211 : vector<1x16xf32> to vector<16xf32>
      %add3A_213 = arith.addf %get3A_208, %get3A_212 : vector<16xf32>
      %add3A_214 = arith.addf %add3A_213, %get3A_46 : vector<16xf32>
      %max3A = arith.constant 0.000000e+00 : f32
      %max3A_215 = vector.broadcast %max3A : f32 to vector<16xf32>
      %max3A_216 = arith.maximumf %add3A_214, %max3A_215 : vector<16xf32>
      %swap3A = arith.index_cast %add3A_204 : i32 to index
      %swap3A_217 = arith.constant 0 : index
      %swap3A_218 = tpu.vector_load %arg6[%swap3A, %swap3A_217] {strides = array<i32>} : memref<632x16xf32, #tpu.memory_space<vmem>>, vector<1x16xf32>,
      %swap3A_219 = vector.shape_cast %swap3A_218 : vector<1x16xf32> to vector<16xf32>
      %swap3A_220 = vector.shape_cast %max3A_216 : vector<16xf32> to vector<1x16xf32>
      tpu.vector_store %arg6[%swap3A, %swap3A_217], %swap3A_220 {strides = array<i32>} : memref<632x16xf32, #tpu.memory_space<vmem>>, vector<1x16xf32>,
      %mul3A_221 = arith.constant 8 : i32
      %mul3A_222 = arith.muli %scan3A_200, %mul3A_221 : i32
      %add3A_223 = arith.constant 1 : i32
      %add3A_224 = arith.addi %mul3A_222, %add3A_223 : i32
      %get3A_225 = arith.index_cast %add3A_224 : i32 to index
      %get3A_226 = arith.constant 0 : index
      %get3A_227 = tpu.vector_load %arg6[%get3A_225, %get3A_226] {strides = array<i32>} : memref<632x16xf32, #tpu.memory_space<vmem>>, vector<1x16xf32>,
      %get3A_228 = vector.shape_cast %get3A_227 : vector<1x16xf32> to vector<16xf32>
      %get3A_229 = arith.index_cast %add3A_224 : i32 to index
      %get3A_230 = arith.constant 0 : index
      %get3A_231 = tpu.vector_load %arg7[%get3A_229, %get3A_230] {strides = array<i32>} : memref<632x16xf32, #tpu.memory_space<vmem>>, vector<1x16xf32>,
      %get3A_232 = vector.shape_cast %get3A_231 : vector<1x16xf32> to vector<16xf32>
      %add3A_233 = arith.addf %get3A_228, %get3A_232 : vector<16xf32>
      %add3A_234 = arith.addf %add3A_233, %get3A_46 : vector<16xf32>
      %max3A_235 = arith.constant 0.000000e+00 : f32
      %max3A_236 = vector.broadcast %max3A_235 : f32 to vector<16xf32>
      %max3A_237 = arith.maximumf %add3A_234, %max3A_236 : vector<16xf32>
      %swap3A_238 = arith.index_cast %add3A_224 : i32 to index
      %swap3A_239 = arith.constant 0 : index
      %swap3A_240 = tpu.vector_load %arg6[%swap3A_238, %swap3A_239] {strides = array<i32>} : memref<632x16xf32, #tpu.memory_space<vmem>>, vector<1x16xf32>,
      %swap3A_241 = vector.shape_cast %swap3A_240 : vector<1x16xf32> to vector<16xf32>
      %swap3A_242 = vector.shape_cast %max3A_237 : vector<16xf32> to vector<1x16xf32>
      tpu.vector_store %arg6[%swap3A_238, %swap3A_239], %swap3A_242 {strides = array<i32>} : memref<632x16xf32, #tpu.memory_space<vmem>>, vector<1x16xf32>,
      %mul3A_243 = arith.constant 8 : i32
      %mul3A_244 = arith.muli %scan3A_200, %mul3A_243 : i32
      %add3A_245 = arith.constant 2 : i32
      %add3A_246 = arith.addi %mul3A_244, %add3A_245 : i32
      %get3A_247 = arith.index_cast %add3A_246 : i32 to index
      %get3A_248 = arith.constant 0 : index
      %get3A_249 = tpu.vector_load %arg6[%get3A_247, %get3A_248] {strides = array<i32>} : memref<632x16xf32, #tpu.memory_space<vmem>>, vector<1x16xf32>,
      %get3A_250 = vector.shape_cast %get3A_249 : vector<1x16xf32> to vector<16xf32>
      %get3A_251 = arith.index_cast %add3A_246 : i32 to index
      %get3A_252 = arith.constant 0 : index
      %get3A_253 = tpu.vector_load %arg7[%get3A_251, %get3A_252] {strides = array<i32>} : memref<632x16xf32, #tpu.memory_space<vmem>>, vector<1x16xf32>,
      %get3A_254 = vector.shape_cast %get3A_253 : vector<1x16xf32> to vector<16xf32>
      %add3A_255 = arith.addf %get3A_250, %get3A_254 : vector<16xf32>
      %add3A_256 = arith.addf %add3A_255, %get3A_46 : vector<16xf32>
      %max3A_257 = arith.constant 0.000000e+00 : f32
      %max3A_258 = vector.broadcast %max3A_257 : f32 to vector<16xf32>
      %max3A_259 = arith.maximumf %add3A_256, %max3A_258 : vector<16xf32>
      %swap3A_260 = arith.index_cast %add3A_246 : i32 to index
      %swap3A_261 = arith.constant 0 : index
      %swap3A_262 = tpu.vector_load %arg6[%swap3A_260, %swap3A_261] {strides = array<i32>} : memref<632x16xf32, #tpu.memory_space<vmem>>, vector<1x16xf32>,
      %swap3A_263 = vector.shape_cast %swap3A_262 : vector<1x16xf32> to vector<16xf32>
      %swap3A_264 = vector.shape_cast %max3A_259 : vector<16xf32> to vector<1x16xf32>
      tpu.vector_store %arg6[%swap3A_260, %swap3A_261], %swap3A_264 {strides = array<i32>} : memref<632x16xf32, #tpu.memory_space<vmem>>, vector<1x16xf32>,
      %mul3A_265 = arith.constant 8 : i32
      %mul3A_266 = arith.muli %scan3A_200, %mul3A_265 : i32
      %add3A_267 = arith.constant 3 : i32
      %add3A_268 = arith.addi %mul3A_266, %add3A_267 : i32
      %get3A_269 = arith.index_cast %add3A_268 : i32 to index
      %get3A_270 = arith.constant 0 : index
      %get3A_271 = tpu.vector_load %arg6[%get3A_269, %get3A_270] {strides = array<i32>} : memref<632x16xf32, #tpu.memory_space<vmem>>, vector<1x16xf32>,
      %get3A_272 = vector.shape_cast %get3A_271 : vector<1x16xf32> to vector<16xf32>
      %get3A_273 = arith.index_cast %add3A_268 : i32 to index
      %get3A_274 = arith.constant 0 : index
      %get3A_275 = tpu.vector_load %arg7[%get3A_273, %get3A_274] {strides = array<i32>} : memref<632x16xf32, #tpu.memory_space<vmem>>, vector<1x16xf32>,
      %get3A_276 = vector.shape_cast %get3A_275 : vector<1x16xf32> to vector<16xf32>
      %add3A_277 = arith.addf %get3A_272, %get3A_276 : vector<16xf32>
      %add3A_278 = arith.addf %add3A_277, %get3A_46 : vector<16xf32>
      %max3A_279 = arith.constant 0.000000e+00 : f32
      %max3A_280 = vector.broadcast %max3A_279 : f32 to vector<16xf32>
      %max3A_281 = arith.maximumf %add3A_278, %max3A_280 : vector<16xf32>
      %swap3A_282 = arith.index_cast %add3A_268 : i32 to index
      %swap3A_283 = arith.constant 0 : index
      %swap3A_284 = tpu.vector_load %arg6[%swap3A_282, %swap3A_283] {strides = array<i32>} : memref<632x16xf32, #tpu.memory_space<vmem>>, vector<1x16xf32>,
      %swap3A_285 = vector.shape_cast %swap3A_284 : vector<1x16xf32> to vector<16xf32>
      %swap3A_286 = vector.shape_cast %max3A_281 : vector<16xf32> to vector<1x16xf32>
      tpu.vector_store %arg6[%swap3A_282, %swap3A_283], %swap3A_286 {strides = array<i32>} : memref<632x16xf32, #tpu.memory_space<vmem>>, vector<1x16xf32>,
      %mul3A_287 = arith.constant 8 : i32
      %mul3A_288 = arith.muli %scan3A_200, %mul3A_287 : i32
      %add3A_289 = arith.constant 4 : i32
      %add3A_290 = arith.addi %mul3A_288, %add3A_289 : i32
      %get3A_291 = arith.index_cast %add3A_290 : i32 to index
      %get3A_292 = arith.constant 0 : index
      %get3A_293 = tpu.vector_load %arg6[%get3A_291, %get3A_292] {strides = array<i32>} : memref<632x16xf32, #tpu.memory_space<vmem>>, vector<1x16xf32>,
      %get3A_294 = vector.shape_cast %get3A_293 : vector<1x16xf32> to vector<16xf32>
      %get3A_295 = arith.index_cast %add3A_290 : i32 to index
      %get3A_296 = arith.constant 0 : index
      %get3A_297 = tpu.vector_load %arg7[%get3A_295, %get3A_296] {strides = array<i32>} : memref<632x16xf32, #tpu.memory_space<vmem>>, vector<1x16xf32>,
      %get3A_298 = vector.shape_cast %get3A_297 : vector<1x16xf32> to vector<16xf32>
      %add3A_299 = arith.addf %get3A_294, %get3A_298 : vector<16xf32>
      %add3A_300 = arith.addf %add3A_299, %get3A_46 : vector<16xf32>
      %max3A_301 = arith.constant 0.000000e+00 : f32
      %max3A_302 = vector.broadcast %max3A_301 : f32 to vector<16xf32>
      %max3A_303 = arith.maximumf %add3A_300, %max3A_302 : vector<16xf32>
      %swap3A_304 = arith.index_cast %add3A_290 : i32 to index
      %swap3A_305 = arith.constant 0 : index
      %swap3A_306 = tpu.vector_load %arg6[%swap3A_304, %swap3A_305] {strides = array<i32>} : memref<632x16xf32, #tpu.memory_space<vmem>>, vector<1x16xf32>,
      %swap3A_307 = vector.shape_cast %swap3A_306 : vector<1x16xf32> to vector<16xf32>
      %swap3A_308 = vector.shape_cast %max3A_303 : vector<16xf32> to vector<1x16xf32>
      tpu.vector_store %arg6[%swap3A_304, %swap3A_305], %swap3A_308 {strides = array<i32>} : memref<632x16xf32, #tpu.memory_space<vmem>>, vector<1x16xf32>,
      %mul3A_309 = arith.constant 8 : i32
      %mul3A_310 = arith.muli %scan3A_200, %mul3A_309 : i32
      %add3A_311 = arith.constant 5 : i32
      %add3A_312 = arith.addi %mul3A_310, %add3A_311 : i32
      %get3A_313 = arith.index_cast %add3A_312 : i32 to index
      %get3A_314 = arith.constant 0 : index
      %get3A_315 = tpu.vector_load %arg6[%get3A_313, %get3A_314] {strides = array<i32>} : memref<632x16xf32, #tpu.memory_space<vmem>>, vector<1x16xf32>,
      %get3A_316 = vector.shape_cast %get3A_315 : vector<1x16xf32> to vector<16xf32>
      %get3A_317 = arith.index_cast %add3A_312 : i32 to index
      %get3A_318 = arith.constant 0 : index
      %get3A_319 = tpu.vector_load %arg7[%get3A_317, %get3A_318] {strides = array<i32>} : memref<632x16xf32, #tpu.memory_space<vmem>>, vector<1x16xf32>,
      %get3A_320 = vector.shape_cast %get3A_319 : vector<1x16xf32> to vector<16xf32>
      %add3A_321 = arith.addf %get3A_316, %get3A_320 : vector<16xf32>
      %add3A_322 = arith.addf %add3A_321, %get3A_46 : vector<16xf32>
      %max3A_323 = arith.constant 0.000000e+00 : f32
      %max3A_324 = vector.broadcast %max3A_323 : f32 to vector<16xf32>
      %max3A_325 = arith.maximumf %add3A_322, %max3A_324 : vector<16xf32>
      %swap3A_326 = arith.index_cast %add3A_312 : i32 to index
      %swap3A_327 = arith.constant 0 : index
      %swap3A_328 = tpu.vector_load %arg6[%swap3A_326, %swap3A_327] {strides = array<i32>} : memref<632x16xf32, #tpu.memory_space<vmem>>, vector<1x16xf32>,
      %swap3A_329 = vector.shape_cast %swap3A_328 : vector<1x16xf32> to vector<16xf32>
      %swap3A_330 = vector.shape_cast %max3A_325 : vector<16xf32> to vector<1x16xf32>
      tpu.vector_store %arg6[%swap3A_326, %swap3A_327], %swap3A_330 {strides = array<i32>} : memref<632x16xf32, #tpu.memory_space<vmem>>, vector<1x16xf32>,
      %mul3A_331 = arith.constant 8 : i32
      %mul3A_332 = arith.muli %scan3A_200, %mul3A_331 : i32
      %add3A_333 = arith.constant 6 : i32
      %add3A_334 = arith.addi %mul3A_332, %add3A_333 : i32
      %get3A_335 = arith.index_cast %add3A_334 : i32 to index
      %get3A_336 = arith.constant 0 : index
      %get3A_337 = tpu.vector_load %arg6[%get3A_335, %get3A_336] {strides = array<i32>} : memref<632x16xf32, #tpu.memory_space<vmem>>, vector<1x16xf32>,
      %get3A_338 = vector.shape_cast %get3A_337 : vector<1x16xf32> to vector<16xf32>
      %get3A_339 = arith.index_cast %add3A_334 : i32 to index
      %get3A_340 = arith.constant 0 : index
      %get3A_341 = tpu.vector_load %arg7[%get3A_339, %get3A_340] {strides = array<i32>} : memref<632x16xf32, #tpu.memory_space<vmem>>, vector<1x16xf32>,
      %get3A_342 = vector.shape_cast %get3A_341 : vector<1x16xf32> to vector<16xf32>
      %add3A_343 = arith.addf %get3A_338, %get3A_342 : vector<16xf32>
      %add3A_344 = arith.addf %add3A_343, %get3A_46 : vector<16xf32>
      %max3A_345 = arith.constant 0.000000e+00 : f32
      %max3A_346 = vector.broadcast %max3A_345 : f32 to vector<16xf32>
      %max3A_347 = arith.maximumf %add3A_344, %max3A_346 : vector<16xf32>
      %swap3A_348 = arith.index_cast %add3A_334 : i32 to index
      %swap3A_349 = arith.constant 0 : index
      %swap3A_350 = tpu.vector_load %arg6[%swap3A_348, %swap3A_349] {strides = array<i32>} : memref<632x16xf32, #tpu.memory_space<vmem>>, vector<1x16xf32>,
      %swap3A_351 = vector.shape_cast %swap3A_350 : vector<1x16xf32> to vector<16xf32>
      %swap3A_352 = vector.shape_cast %max3A_347 : vector<16xf32> to vector<1x16xf32>
      tpu.vector_store %arg6[%swap3A_348, %swap3A_349], %swap3A_352 {strides = array<i32>} : memref<632x16xf32, #tpu.memory_space<vmem>>, vector<1x16xf32>,
      %mul3A_353 = arith.constant 8 : i32
      %mul3A_354 = arith.muli %scan3A_200, %mul3A_353 : i32
      %add3A_355 = arith.constant 7 : i32
      %add3A_356 = arith.addi %mul3A_354, %add3A_355 : i32
      %get3A_357 = arith.index_cast %add3A_356 : i32 to index
      %get3A_358 = arith.constant 0 : index
      %get3A_359 = tpu.vector_load %arg6[%get3A_357, %get3A_358] {strides = array<i32>} : memref<632x16xf32, #tpu.memory_space<vmem>>, vector<1x16xf32>,
      %get3A_360 = vector.shape_cast %get3A_359 : vector<1x16xf32> to vector<16xf32>
      %get3A_361 = arith.index_cast %add3A_356 : i32 to index
      %get3A_362 = arith.constant 0 : index
      %get3A_363 = tpu.vector_load %arg7[%get3A_361, %get3A_362] {strides = array<i32>} : memref<632x16xf32, #tpu.memory_space<vmem>>, vector<1x16xf32>,
      %get3A_364 = vector.shape_cast %get3A_363 : vector<1x16xf32> to vector<16xf32>
      %add3A_365 = arith.addf %get3A_360, %get3A_364 : vector<16xf32>
      %add3A_366 = arith.addf %add3A_365, %get3A_46 : vector<16xf32>
      %max3A_367 = arith.constant 0.000000e+00 : f32
      %max3A_368 = vector.broadcast %max3A_367 : f32 to vector<16xf32>
      %max3A_369 = arith.maximumf %add3A_366, %max3A_368 : vector<16xf32>
      %swap3A_370 = arith.index_cast %add3A_356 : i32 to index
      %swap3A_371 = arith.constant 0 : index
      %swap3A_372 = tpu.vector_load %arg6[%swap3A_370, %swap3A_371] {strides = array<i32>} : memref<632x16xf32, #tpu.memory_space<vmem>>, vector<1x16xf32>,
      %swap3A_373 = vector.shape_cast %swap3A_372 : vector<1x16xf32> to vector<16xf32>
      %swap3A_374 = vector.shape_cast %max3A_369 : vector<16xf32> to vector<1x16xf32>
      tpu.vector_store %arg6[%swap3A_370, %swap3A_371], %swap3A_374 {strides = array<i32>} : memref<632x16xf32, #tpu.memory_space<vmem>>, vector<1x16xf32>,
    }
    %scan3A_52 = arith.constant 79 : i32
    "tpu.region"() ({
      %run_scoped3A = tpu.sem_alloc : memref<!tpu.dma_semaphore, #tpu.memory_space<semaphore_mem>>
      %dma_start3A_200 = arith.constant 0 : i32
      %dma_start3A_201 = tpu.memref_slice %arg13[%mul3A_2, %dma_start3A_200] : memref<10112x16xf32, #tpu.memory_space<vmem_shared>> -> memref<632x16xf32, #tpu.memory_space<vmem_shared>>
      %dma_start3A_202 = arith.constant 0 : i32
      %dma_start3A_203 = tpu.memref_slice %arg13[%mul3A_2, %dma_start3A_202] : memref<10112x16xf32, #tpu.memory_space<vmem_shared>> -> memref<632x16xf32, #tpu.memory_space<vmem_shared>>
      tpu.enqueue_dma source(%arg6 : memref<632x16xf32, #tpu.memory_space<vmem>>) target(%dma_start3A_203 : memref<632x16xf32, #tpu.memory_space<vmem_shared>>) target_semaphore(%run_scoped3A : memref<!tpu.dma_semaphore, #tpu.memory_space<semaphore_mem>>)
      %dma_wait3A_204 = arith.constant 0 : i32
      %dma_wait3A_205 = tpu.memref_slice %arg13[%mul3A_2, %dma_wait3A_204] : memref<10112x16xf32, #tpu.memory_space<vmem_shared>> -> memref<632x16xf32, #tpu.memory_space<vmem_shared>>
      %dma_wait3A_206 = arith.constant 0 : i32
      %dma_wait3A_207 = tpu.memref_slice %arg13[%mul3A_2, %dma_wait3A_206] : memref<10112x16xf32, #tpu.memory_space<vmem_shared>> -> memref<632x16xf32, #tpu.memory_space<vmem_shared>>
      tpu.wait_dma2 semaphore(%run_scoped3A : memref<!tpu.dma_semaphore, #tpu.memory_space<semaphore_mem>>) src(%arg6 : memref<632x16xf32, #tpu.memory_space<vmem>>) dst(%dma_wait3A_207 : memref<632x16xf32, #tpu.memory_space<vmem_shared>>)
      tpu.yield
    }) : () -> ()
    %lt3A_53 = arith.constant 4 : i32
    %lt3A_54 = arith.cmpi slt, %add3A, %lt3A_53 : i32
    %convert_element_type3A_55 = arith.extui %lt3A_54 : i1 to i32
    %cond3A_56 = arith.constant 0 : i32
    %cond3A_57 = arith.cmpi ne, %convert_element_type3A_55, %cond3A_56 : i32
    scf.if %cond3A_57 {
      %dma_wait3A_200 = arith.constant 0 : i32
      %dma_wait3A_201 = arith.constant 0 : i32
      %dma_wait3A_202 = arith.constant 0 : i32
      %dma_wait3A_203 = tpu.memref_slice %arg4[%dma_wait3A_200, %dma_wait3A_201, %dma_wait3A_202] : memref<2x2500x128xi32, #tpu.memory_space<hbm>> -> memref<1x79x128xi32, #tpu.memory_space<hbm>>
      %dma_wait3A_204 = tpu.memref_squeeze %dma_wait3A_203 : memref<1x79x128xi32, #tpu.memory_space<hbm>> -> memref<79x128xi32, #tpu.memory_space<hbm>>
      %dma_wait3A_205 = arith.constant 0 : i32
      %dma_wait3A_206 = arith.constant 0 : i32
      %dma_wait3A_207 = tpu.memref_slice %arg4[%dma_wait3A_200, %dma_wait3A_205, %dma_wait3A_206] : memref<2x2500x128xi32, #tpu.memory_space<hbm>> -> memref<1x79x128xi32, #tpu.memory_space<hbm>>
      %dma_wait3A_208 = tpu.memref_squeeze %dma_wait3A_207 : memref<1x79x128xi32, #tpu.memory_space<hbm>> -> memref<79x128xi32, #tpu.memory_space<hbm>>
      tpu.wait_dma2 semaphore(%arg16 : memref<!tpu.dma_semaphore, #tpu.memory_space<semaphore_mem>>) src(%dma_wait3A_208 : memref<79x128xi32, #tpu.memory_space<hbm>>) dst(%arg9 : memref<79x128xi32, #tpu.memory_space<vmem>>)
      %dma_wait3A_209 = arith.constant 1 : i32
      %dma_wait3A_210 = arith.constant 0 : i32
      %dma_wait3A_211 = arith.constant 0 : i32
      %dma_wait3A_212 = tpu.memref_slice %arg4[%dma_wait3A_209, %dma_wait3A_210, %dma_wait3A_211] : memref<2x2500x128xi32, #tpu.memory_space<hbm>> -> memref<1x79x128xi32, #tpu.memory_space<hbm>>
      %dma_wait3A_213 = tpu.memref_squeeze %dma_wait3A_212 : memref<1x79x128xi32, #tpu.memory_space<hbm>> -> memref<79x128xi32, #tpu.memory_space<hbm>>
      %dma_wait3A_214 = arith.constant 0 : i32
      %dma_wait3A_215 = arith.constant 0 : i32
      %dma_wait3A_216 = tpu.memref_slice %arg4[%dma_wait3A_209, %dma_wait3A_214, %dma_wait3A_215] : memref<2x2500x128xi32, #tpu.memory_space<hbm>> -> memref<1x79x128xi32, #tpu.memory_space<hbm>>
      %dma_wait3A_217 = tpu.memref_squeeze %dma_wait3A_216 : memref<1x79x128xi32, #tpu.memory_space<hbm>> -> memref<79x128xi32, #tpu.memory_space<hbm>>
      tpu.wait_dma2 semaphore(%arg16 : memref<!tpu.dma_semaphore, #tpu.memory_space<semaphore_mem>>) src(%dma_wait3A_217 : memref<79x128xi32, #tpu.memory_space<hbm>>) dst(%arg10 : memref<79x128xi32, #tpu.memory_space<vmem>>)
    } else {
    }
    %not3A_58 = arith.constant true
    %not3A_59 = arith.xori %lt3A_54, %not3A_58 : i1
    %convert_element_type3A_60 = arith.extui %not3A_59 : i1 to i32
    %cond3A_61 = arith.constant 0 : i32
    %cond3A_62 = arith.cmpi ne, %convert_element_type3A_60, %cond3A_61 : i32
    scf.if %cond3A_62 {
      %dma_wait3A_200 = arith.constant 0 : i32
      %dma_wait3A_201 = arith.constant 0 : i32
      %dma_wait3A_202 = arith.constant 0 : i32
      %dma_wait3A_203 = tpu.memref_slice %arg9[%dma_wait3A_201, %dma_wait3A_202] : memref<79x128xi32, #tpu.memory_space<vmem>> -> memref<78x128xi32, #tpu.memory_space<vmem>>
      %dma_wait3A_204 = arith.constant 0 : i32
      %dma_wait3A_205 = arith.constant 0 : i32
      %dma_wait3A_206 = tpu.memref_slice %arg4[%dma_wait3A_200, %dma_wait3A_204, %dma_wait3A_205] : memref<2x2500x128xi32, #tpu.memory_space<hbm>> -> memref<1x78x128xi32, #tpu.memory_space<hbm>>
      %dma_wait3A_207 = tpu.memref_squeeze %dma_wait3A_206 : memref<1x78x128xi32, #tpu.memory_space<hbm>> -> memref<78x128xi32, #tpu.memory_space<hbm>>
      %dma_wait3A_208 = arith.constant 0 : i32
      %dma_wait3A_209 = arith.constant 0 : i32
      %dma_wait3A_210 = tpu.memref_slice %arg9[%dma_wait3A_208, %dma_wait3A_209] : memref<79x128xi32, #tpu.memory_space<vmem>> -> memref<78x128xi32, #tpu.memory_space<vmem>>
      %dma_wait3A_211 = arith.constant 0 : i32
      %dma_wait3A_212 = arith.constant 0 : i32
      %dma_wait3A_213 = tpu.memref_slice %arg4[%dma_wait3A_200, %dma_wait3A_211, %dma_wait3A_212] : memref<2x2500x128xi32, #tpu.memory_space<hbm>> -> memref<1x78x128xi32, #tpu.memory_space<hbm>>
      %dma_wait3A_214 = tpu.memref_squeeze %dma_wait3A_213 : memref<1x78x128xi32, #tpu.memory_space<hbm>> -> memref<78x128xi32, #tpu.memory_space<hbm>>
      tpu.wait_dma2 semaphore(%arg16 : memref<!tpu.dma_semaphore, #tpu.memory_space<semaphore_mem>>) src(%dma_wait3A_214 : memref<78x128xi32, #tpu.memory_space<hbm>>) dst(%dma_wait3A_210 : memref<78x128xi32, #tpu.memory_space<vmem>>)
      %dma_wait3A_215 = arith.constant 1 : i32
      %dma_wait3A_216 = arith.constant 0 : i32
      %dma_wait3A_217 = arith.constant 0 : i32
      %dma_wait3A_218 = tpu.memref_slice %arg10[%dma_wait3A_216, %dma_wait3A_217] : memref<79x128xi32, #tpu.memory_space<vmem>> -> memref<78x128xi32, #tpu.memory_space<vmem>>
      %dma_wait3A_219 = arith.constant 0 : i32
      %dma_wait3A_220 = arith.constant 0 : i32
      %dma_wait3A_221 = tpu.memref_slice %arg4[%dma_wait3A_215, %dma_wait3A_219, %dma_wait3A_220] : memref<2x2500x128xi32, #tpu.memory_space<hbm>> -> memref<1x78x128xi32, #tpu.memory_space<hbm>>
      %dma_wait3A_222 = tpu.memref_squeeze %dma_wait3A_221 : memref<1x78x128xi32, #tpu.memory_space<hbm>> -> memref<78x128xi32, #tpu.memory_space<hbm>>
      %dma_wait3A_223 = arith.constant 0 : i32
      %dma_wait3A_224 = arith.constant 0 : i32
      %dma_wait3A_225 = tpu.memref_slice %arg10[%dma_wait3A_223, %dma_wait3A_224] : memref<79x128xi32, #tpu.memory_space<vmem>> -> memref<78x128xi32, #tpu.memory_space<vmem>>
      %dma_wait3A_226 = arith.constant 0 : i32
      %dma_wait3A_227 = arith.constant 0 : i32
      %dma_wait3A_228 = tpu.memref_slice %arg4[%dma_wait3A_215, %dma_wait3A_226, %dma_wait3A_227] : memref<2x2500x128xi32, #tpu.memory_space<hbm>> -> memref<1x78x128xi32, #tpu.memory_space<hbm>>
      %dma_wait3A_229 = tpu.memref_squeeze %dma_wait3A_228 : memref<1x78x128xi32, #tpu.memory_space<hbm>> -> memref<78x128xi32, #tpu.memory_space<hbm>>
      tpu.wait_dma2 semaphore(%arg16 : memref<!tpu.dma_semaphore, #tpu.memory_space<semaphore_mem>>) src(%dma_wait3A_229 : memref<78x128xi32, #tpu.memory_space<hbm>>) dst(%dma_wait3A_225 : memref<78x128xi32, #tpu.memory_space<vmem>>)
    } else {
    }
    %barrier3A = arith.constant 0 : index
    tpu.barrier barrier_id(%barrier3A)
    %mul3A_63 = arith.constant 2 : i32
    %mul3A_64 = arith.muli %arg1, %mul3A_63 : i32
    %add3A_65 = arith.addi %mul3A_64, %arg0 : i32
    %lt3A_66 = arith.constant 4 : i32
    %lt3A_67 = arith.cmpi slt, %add3A_65, %lt3A_66 : i32
    %dma_start3A_68 = arith.constant 0 : i32
    %dma_start3A_69 = arith.constant 0 : i32
    %dma_start3A_70 = arith.constant 0 : i32
    %dma_start3A_71 = arith.constant 0 : i32
    %dma_start3A_72 = tpu.memref_slice %arg11[%dma_start3A_69, %dma_start3A_70, %dma_start3A_71] : memref<6x128x16xf32, #tpu.memory_space<vmem>> -> memref<1x128x16xf32, #tpu.memory_space<vmem>>
    %dma_start3A_73 = tpu.memref_squeeze %dma_start3A_72 : memref<1x128x16xf32, #tpu.memory_space<vmem>> -> memref<128x16xf32, #tpu.memory_space<vmem>>
    %dma_start3A_74 = arith.constant 0 : i32
    %dma_start3A_75 = tpu.memref_slice %arg9[%dma_start3A_68, %dma_start3A_74] : memref<79x128xi32, #tpu.memory_space<vmem>> -> memref<1x128xi32, #tpu.memory_space<vmem>>
    %dma_start3A_76 = tpu.memref_squeeze %dma_start3A_75 : memref<1x128xi32, #tpu.memory_space<vmem>> -> memref<128xi32, #tpu.memory_space<vmem>>
    %dma_start3A_77 = arith.constant 0 : i32
    %dma_start3A_78 = arith.constant 0 : i32
    %dma_start3A_79 = tpu.memref_slice %arg13[%dma_start3A_77, %dma_start3A_78] : memref<10112x16xf32, #tpu.memory_space<vmem_shared>> -> memref<10112x16xf32, #tpu.memory_space<vmem_shared>>
    tpu.enqueue_indirect_dma source(%dma_start3A_79 : memref<10112x16xf32, #tpu.memory_space<vmem_shared>>) target(%dma_start3A_73 : memref<128x16xf32, #tpu.memory_space<vmem>>) offsets(%dma_start3A_76 : memref<128xi32, #tpu.memory_space<vmem>>) semaphore(%arg17 : memref<!tpu.dma_semaphore, #tpu.memory_space<semaphore_mem>>)
    %dma_start3A_80 = arith.constant 1 : i32
    %dma_start3A_81 = arith.constant 1 : i32
    %dma_start3A_82 = arith.constant 0 : i32
    %dma_start3A_83 = arith.constant 0 : i32
    %dma_start3A_84 = tpu.memref_slice %arg11[%dma_start3A_81, %dma_start3A_82, %dma_start3A_83] : memref<6x128x16xf32, #tpu.memory_space<vmem>> -> memref<1x128x16xf32, #tpu.memory_space<vmem>>
    %dma_start3A_85 = tpu.memref_squeeze %dma_start3A_84 : memref<1x128x16xf32, #tpu.memory_space<vmem>> -> memref<128x16xf32, #tpu.memory_space<vmem>>
    %dma_start3A_86 = arith.constant 0 : i32
    %dma_start3A_87 = tpu.memref_slice %arg9[%dma_start3A_80, %dma_start3A_86] : memref<79x128xi32, #tpu.memory_space<vmem>> -> memref<1x128xi32, #tpu.memory_space<vmem>>
    %dma_start3A_88 = tpu.memref_squeeze %dma_start3A_87 : memref<1x128xi32, #tpu.memory_space<vmem>> -> memref<128xi32, #tpu.memory_space<vmem>>
    %dma_start3A_89 = arith.constant 0 : i32
    %dma_start3A_90 = arith.constant 0 : i32
    %dma_start3A_91 = tpu.memref_slice %arg13[%dma_start3A_89, %dma_start3A_90] : memref<10112x16xf32, #tpu.memory_space<vmem_shared>> -> memref<10112x16xf32, #tpu.memory_space<vmem_shared>>
    tpu.enqueue_indirect_dma source(%dma_start3A_91 : memref<10112x16xf32, #tpu.memory_space<vmem_shared>>) target(%dma_start3A_85 : memref<128x16xf32, #tpu.memory_space<vmem>>) offsets(%dma_start3A_88 : memref<128xi32, #tpu.memory_space<vmem>>) semaphore(%arg18 : memref<!tpu.dma_semaphore, #tpu.memory_space<semaphore_mem>>)
    %dma_start3A_92 = arith.constant 2 : i32
    %dma_start3A_93 = arith.constant 2 : i32
    %dma_start3A_94 = arith.constant 0 : i32
    %dma_start3A_95 = arith.constant 0 : i32
    %dma_start3A_96 = tpu.memref_slice %arg11[%dma_start3A_93, %dma_start3A_94, %dma_start3A_95] : memref<6x128x16xf32, #tpu.memory_space<vmem>> -> memref<1x128x16xf32, #tpu.memory_space<vmem>>
    %dma_start3A_97 = tpu.memref_squeeze %dma_start3A_96 : memref<1x128x16xf32, #tpu.memory_space<vmem>> -> memref<128x16xf32, #tpu.memory_space<vmem>>
    %dma_start3A_98 = arith.constant 0 : i32
    %dma_start3A_99 = tpu.memref_slice %arg9[%dma_start3A_92, %dma_start3A_98] : memref<79x128xi32, #tpu.memory_space<vmem>> -> memref<1x128xi32, #tpu.memory_space<vmem>>
    %dma_start3A_100 = tpu.memref_squeeze %dma_start3A_99 : memref<1x128xi32, #tpu.memory_space<vmem>> -> memref<128xi32, #tpu.memory_space<vmem>>
    %dma_start3A_101 = arith.constant 0 : i32
    %dma_start3A_102 = arith.constant 0 : i32
    %dma_start3A_103 = tpu.memref_slice %arg13[%dma_start3A_101, %dma_start3A_102] : memref<10112x16xf32, #tpu.memory_space<vmem_shared>> -> memref<10112x16xf32, #tpu.memory_space<vmem_shared>>
    tpu.enqueue_indirect_dma source(%dma_start3A_103 : memref<10112x16xf32, #tpu.memory_space<vmem_shared>>) target(%dma_start3A_97 : memref<128x16xf32, #tpu.memory_space<vmem>>) offsets(%dma_start3A_100 : memref<128xi32, #tpu.memory_space<vmem>>) semaphore(%arg19 : memref<!tpu.dma_semaphore, #tpu.memory_space<semaphore_mem>>)
    %dma_start3A_104 = arith.constant 3 : i32
    %dma_start3A_105 = arith.constant 3 : i32
    %dma_start3A_106 = arith.constant 0 : i32
    %dma_start3A_107 = arith.constant 0 : i32
    %dma_start3A_108 = tpu.memref_slice %arg11[%dma_start3A_105, %dma_start3A_106, %dma_start3A_107] : memref<6x128x16xf32, #tpu.memory_space<vmem>> -> memref<1x128x16xf32, #tpu.memory_space<vmem>>
    %dma_start3A_109 = tpu.memref_squeeze %dma_start3A_108 : memref<1x128x16xf32, #tpu.memory_space<vmem>> -> memref<128x16xf32, #tpu.memory_space<vmem>>
    %dma_start3A_110 = arith.constant 0 : i32
    %dma_start3A_111 = tpu.memref_slice %arg9[%dma_start3A_104, %dma_start3A_110] : memref<79x128xi32, #tpu.memory_space<vmem>> -> memref<1x128xi32, #tpu.memory_space<vmem>>
    %dma_start3A_112 = tpu.memref_squeeze %dma_start3A_111 : memref<1x128xi32, #tpu.memory_space<vmem>> -> memref<128xi32, #tpu.memory_space<vmem>>
    %dma_start3A_113 = arith.constant 0 : i32
    %dma_start3A_114 = arith.constant 0 : i32
    %dma_start3A_115 = tpu.memref_slice %arg13[%dma_start3A_113, %dma_start3A_114] : memref<10112x16xf32, #tpu.memory_space<vmem_shared>> -> memref<10112x16xf32, #tpu.memory_space<vmem_shared>>
    tpu.enqueue_indirect_dma source(%dma_start3A_115 : memref<10112x16xf32, #tpu.memory_space<vmem_shared>>) target(%dma_start3A_109 : memref<128x16xf32, #tpu.memory_space<vmem>>) offsets(%dma_start3A_112 : memref<128xi32, #tpu.memory_space<vmem>>) semaphore(%arg20 : memref<!tpu.dma_semaphore, #tpu.memory_space<semaphore_mem>>)
    %scan3A_116 = arith.constant 0 : i32
    %scan3A_117 = arith.constant 0 : i32
    %scan3A_118 = arith.constant 13 : i32
    %scan3A_119 = arith.addi %scan3A_117, %scan3A_118 : i32
    %scan3A_120 = arith.constant 1 : i32
    scf.for %scan3A_200 = %scan3A_117 to %scan3A_119 step %scan3A_120  : i32 {
      %mul3A_201 = arith.constant 6 : i32
      %mul3A_202 = arith.muli %mul3A_201, %scan3A_200 : i32
      %add3A_203 = arith.constant 0 : i32
      %add3A_204 = arith.addi %mul3A_202, %add3A_203 : i32
      %dma_wait3A_205 = arith.constant 0 : i32
      %dma_wait3A_206 = arith.constant 0 : i32
      %dma_wait3A_207 = arith.constant 0 : i32
      %dma_wait3A_208 = tpu.memref_slice %arg11[%dma_wait3A_205, %dma_wait3A_206, %dma_wait3A_207] : memref<6x128x16xf32, #tpu.memory_space<vmem>> -> memref<1x128x16xf32, #tpu.memory_space<vmem>>
      %dma_wait3A_209 = tpu.memref_squeeze %dma_wait3A_208 : memref<1x128x16xf32, #tpu.memory_space<vmem>> -> memref<128x16xf32, #tpu.memory_space<vmem>>
      %dma_wait3A_210 = arith.constant 0 : i32
      %dma_wait3A_211 = tpu.memref_slice %arg9[%add3A_204, %dma_wait3A_210] : memref<79x128xi32, #tpu.memory_space<vmem>> -> memref<1x128xi32, #tpu.memory_space<vmem>>
      %dma_wait3A_212 = tpu.memref_squeeze %dma_wait3A_211 : memref<1x128xi32, #tpu.memory_space<vmem>> -> memref<128xi32, #tpu.memory_space<vmem>>
      %dma_wait3A_213 = arith.constant 0 : i32
      %dma_wait3A_214 = arith.constant 0 : i32
      %dma_wait3A_215 = tpu.memref_slice %arg13[%dma_wait3A_213, %dma_wait3A_214] : memref<10112x16xf32, #tpu.memory_space<vmem_shared>> -> memref<10112x16xf32, #tpu.memory_space<vmem_shared>>
      tpu.wait_indirect_dma semaphore(%arg17 : memref<!tpu.dma_semaphore, #tpu.memory_space<semaphore_mem>>) src(%dma_wait3A_215 : memref<10112x16xf32, #tpu.memory_space<vmem_shared>>) dst(%dma_wait3A_209 : memref<128x16xf32, #tpu.memory_space<vmem>>)
      %dma_start3A_216 = arith.constant 0 : i32
      %dma_start3A_217 = arith.constant 0 : i32
      %dma_start3A_218 = arith.constant 0 : i32
      %dma_start3A_219 = tpu.memref_slice %arg11[%dma_start3A_216, %dma_start3A_217, %dma_start3A_218] : memref<6x128x16xf32, #tpu.memory_space<vmem>> -> memref<1x128x16xf32, #tpu.memory_space<vmem>>
      %dma_start3A_220 = tpu.memref_squeeze %dma_start3A_219 : memref<1x128x16xf32, #tpu.memory_space<vmem>> -> memref<128x16xf32, #tpu.memory_space<vmem>>
      %dma_start3A_221 = arith.constant 0 : i32
      %dma_start3A_222 = tpu.memref_slice %arg10[%add3A_204, %dma_start3A_221] : memref<79x128xi32, #tpu.memory_space<vmem>> -> memref<1x128xi32, #tpu.memory_space<vmem>>
      %dma_start3A_223 = tpu.memref_squeeze %dma_start3A_222 : memref<1x128xi32, #tpu.memory_space<vmem>> -> memref<128xi32, #tpu.memory_space<vmem>>
      %dma_start3A_224 = arith.constant 0 : i32
      %dma_start3A_225 = arith.constant 0 : i32
      %dma_start3A_226 = tpu.memref_slice %arg14[%dma_start3A_224, %dma_start3A_225] : memref<10112x16xf32, #tpu.memory_space<vmem_shared>> -> memref<10112x16xf32, #tpu.memory_space<vmem_shared>>
      tpu.enqueue_indirect_dma source(%dma_start3A_220 : memref<128x16xf32, #tpu.memory_space<vmem>>) target(%dma_start3A_226 : memref<10112x16xf32, #tpu.memory_space<vmem_shared>>) offsets(%dma_start3A_223 : memref<128xi32, #tpu.memory_space<vmem>>) semaphore(%arg23 : memref<!tpu.dma_semaphore, #tpu.memory_space<semaphore_mem>>) {add = true}
      %add3A_227 = arith.constant 4 : i32
      %add3A_228 = arith.addi %add3A_204, %add3A_227 : i32
      %lt3A_229 = arith.constant 78 : i32
      %lt3A_230 = arith.cmpi slt, %add3A_228, %lt3A_229 : i32
      %convert_element_type3A_231 = arith.extui %lt3A_230 : i1 to i32
      %cond3A_232 = arith.constant 0 : i32
      %cond3A_233 = arith.cmpi ne, %convert_element_type3A_231, %cond3A_232 : i32
      scf.if %cond3A_233 {
        %ge3A = arith.constant 2 : i32
        %ge3A_399 = arith.cmpi sge, %add3A_204, %ge3A : i32
        %convert_element_type3A_400 = arith.extui %ge3A_399 : i1 to i32
        %cond3A_401 = arith.constant 0 : i32
        %cond3A_402 = arith.cmpi ne, %convert_element_type3A_400, %cond3A_401 : i32
        scf.if %cond3A_402 {
          %sub3A = arith.constant 2 : i32
          %sub3A_416 = arith.subi %add3A_204, %sub3A : i32
          %dma_wait3A_417 = arith.constant 4 : i32
          %dma_wait3A_418 = arith.constant 0 : i32
          %dma_wait3A_419 = arith.constant 0 : i32
          %dma_wait3A_420 = tpu.memref_slice %arg11[%dma_wait3A_417, %dma_wait3A_418, %dma_wait3A_419] : memref<6x128x16xf32, #tpu.memory_space<vmem>> -> memref<1x128x16xf32, #tpu.memory_space<vmem>>
          %dma_wait3A_421 = tpu.memref_squeeze %dma_wait3A_420 : memref<1x128x16xf32, #tpu.memory_space<vmem>> -> memref<128x16xf32, #tpu.memory_space<vmem>>
          %dma_wait3A_422 = arith.constant 0 : i32
          %dma_wait3A_423 = tpu.memref_slice %arg10[%sub3A_416, %dma_wait3A_422] : memref<79x128xi32, #tpu.memory_space<vmem>> -> memref<1x128xi32, #tpu.memory_space<vmem>>
          %dma_wait3A_424 = tpu.memref_squeeze %dma_wait3A_423 : memref<1x128xi32, #tpu.memory_space<vmem>> -> memref<128xi32, #tpu.memory_space<vmem>>
          %dma_wait3A_425 = arith.constant 0 : i32
          %dma_wait3A_426 = arith.constant 0 : i32
          %dma_wait3A_427 = tpu.memref_slice %arg14[%dma_wait3A_425, %dma_wait3A_426] : memref<10112x16xf32, #tpu.memory_space<vmem_shared>> -> memref<10112x16xf32, #tpu.memory_space<vmem_shared>>
          tpu.wait_indirect_dma semaphore(%arg27 : memref<!tpu.dma_semaphore, #tpu.memory_space<semaphore_mem>>) src(%dma_wait3A_421 : memref<128x16xf32, #tpu.memory_space<vmem>>) dst(%dma_wait3A_427 : memref<10112x16xf32, #tpu.memory_space<vmem_shared>>)
        } else {
        }
        %add3A_403 = arith.constant 4 : i32
        %add3A_404 = arith.addi %add3A_204, %add3A_403 : i32
        %dma_start3A_405 = arith.constant 4 : i32
        %dma_start3A_406 = arith.constant 0 : i32
        %dma_start3A_407 = arith.constant 0 : i32
        %dma_start3A_408 = tpu.memref_slice %arg11[%dma_start3A_405, %dma_start3A_406, %dma_start3A_407] : memref<6x128x16xf32, #tpu.memory_space<vmem>> -> memref<1x128x16xf32, #tpu.memory_space<vmem>>
        %dma_start3A_409 = tpu.memref_squeeze %dma_start3A_408 : memref<1x128x16xf32, #tpu.memory_space<vmem>> -> memref<128x16xf32, #tpu.memory_space<vmem>>
        %dma_start3A_410 = arith.constant 0 : i32
        %dma_start3A_411 = tpu.memref_slice %arg9[%add3A_404, %dma_start3A_410] : memref<79x128xi32, #tpu.memory_space<vmem>> -> memref<1x128xi32, #tpu.memory_space<vmem>>
        %dma_start3A_412 = tpu.memref_squeeze %dma_start3A_411 : memref<1x128xi32, #tpu.memory_space<vmem>> -> memref<128xi32, #tpu.memory_space<vmem>>
        %dma_start3A_413 = arith.constant 0 : i32
        %dma_start3A_414 = arith.constant 0 : i32
        %dma_start3A_415 = tpu.memref_slice %arg13[%dma_start3A_413, %dma_start3A_414] : memref<10112x16xf32, #tpu.memory_space<vmem_shared>> -> memref<10112x16xf32, #tpu.memory_space<vmem_shared>>
        tpu.enqueue_indirect_dma source(%dma_start3A_415 : memref<10112x16xf32, #tpu.memory_space<vmem_shared>>) target(%dma_start3A_409 : memref<128x16xf32, #tpu.memory_space<vmem>>) offsets(%dma_start3A_412 : memref<128xi32, #tpu.memory_space<vmem>>) semaphore(%arg21 : memref<!tpu.dma_semaphore, #tpu.memory_space<semaphore_mem>>)
      } else {
      }
      %mul3A_234 = arith.constant 6 : i32
      %mul3A_235 = arith.muli %mul3A_234, %scan3A_200 : i32
      %add3A_236 = arith.constant 1 : i32
      %add3A_237 = arith.addi %mul3A_235, %add3A_236 : i32
      %dma_wait3A_238 = arith.constant 1 : i32
      %dma_wait3A_239 = arith.constant 0 : i32
      %dma_wait3A_240 = arith.constant 0 : i32
      %dma_wait3A_241 = tpu.memref_slice %arg11[%dma_wait3A_238, %dma_wait3A_239, %dma_wait3A_240] : memref<6x128x16xf32, #tpu.memory_space<vmem>> -> memref<1x128x16xf32, #tpu.memory_space<vmem>>
      %dma_wait3A_242 = tpu.memref_squeeze %dma_wait3A_241 : memref<1x128x16xf32, #tpu.memory_space<vmem>> -> memref<128x16xf32, #tpu.memory_space<vmem>>
      %dma_wait3A_243 = arith.constant 0 : i32
      %dma_wait3A_244 = tpu.memref_slice %arg9[%add3A_237, %dma_wait3A_243] : memref<79x128xi32, #tpu.memory_space<vmem>> -> memref<1x128xi32, #tpu.memory_space<vmem>>
      %dma_wait3A_245 = tpu.memref_squeeze %dma_wait3A_244 : memref<1x128xi32, #tpu.memory_space<vmem>> -> memref<128xi32, #tpu.memory_space<vmem>>
      %dma_wait3A_246 = arith.constant 0 : i32
      %dma_wait3A_247 = arith.constant 0 : i32
      %dma_wait3A_248 = tpu.memref_slice %arg13[%dma_wait3A_246, %dma_wait3A_247] : memref<10112x16xf32, #tpu.memory_space<vmem_shared>> -> memref<10112x16xf32, #tpu.memory_space<vmem_shared>>
      tpu.wait_indirect_dma semaphore(%arg18 : memref<!tpu.dma_semaphore, #tpu.memory_space<semaphore_mem>>) src(%dma_wait3A_248 : memref<10112x16xf32, #tpu.memory_space<vmem_shared>>) dst(%dma_wait3A_242 : memref<128x16xf32, #tpu.memory_space<vmem>>)
      %dma_start3A_249 = arith.constant 1 : i32
      %dma_start3A_250 = arith.constant 0 : i32
      %dma_start3A_251 = arith.constant 0 : i32
      %dma_start3A_252 = tpu.memref_slice %arg11[%dma_start3A_249, %dma_start3A_250, %dma_start3A_251] : memref<6x128x16xf32, #tpu.memory_space<vmem>> -> memref<1x128x16xf32, #tpu.memory_space<vmem>>
      %dma_start3A_253 = tpu.memref_squeeze %dma_start3A_252 : memref<1x128x16xf32, #tpu.memory_space<vmem>> -> memref<128x16xf32, #tpu.memory_space<vmem>>
      %dma_start3A_254 = arith.constant 0 : i32
      %dma_start3A_255 = tpu.memref_slice %arg10[%add3A_237, %dma_start3A_254] : memref<79x128xi32, #tpu.memory_space<vmem>> -> memref<1x128xi32, #tpu.memory_space<vmem>>
      %dma_start3A_256 = tpu.memref_squeeze %dma_start3A_255 : memref<1x128xi32, #tpu.memory_space<vmem>> -> memref<128xi32, #tpu.memory_space<vmem>>
      %dma_start3A_257 = arith.constant 0 : i32
      %dma_start3A_258 = arith.constant 0 : i32
      %dma_start3A_259 = tpu.memref_slice %arg14[%dma_start3A_257, %dma_start3A_258] : memref<10112x16xf32, #tpu.memory_space<vmem_shared>> -> memref<10112x16xf32, #tpu.memory_space<vmem_shared>>
      tpu.enqueue_indirect_dma source(%dma_start3A_253 : memref<128x16xf32, #tpu.memory_space<vmem>>) target(%dma_start3A_259 : memref<10112x16xf32, #tpu.memory_space<vmem_shared>>) offsets(%dma_start3A_256 : memref<128xi32, #tpu.memory_space<vmem>>) semaphore(%arg24 : memref<!tpu.dma_semaphore, #tpu.memory_space<semaphore_mem>>) {add = true}
      %add3A_260 = arith.constant 4 : i32
      %add3A_261 = arith.addi %add3A_237, %add3A_260 : i32
      %lt3A_262 = arith.constant 78 : i32
      %lt3A_263 = arith.cmpi slt, %add3A_261, %lt3A_262 : i32
      %convert_element_type3A_264 = arith.extui %lt3A_263 : i1 to i32
      %cond3A_265 = arith.constant 0 : i32
      %cond3A_266 = arith.cmpi ne, %convert_element_type3A_264, %cond3A_265 : i32
      scf.if %cond3A_266 {
        %ge3A = arith.constant 2 : i32
        %ge3A_399 = arith.cmpi sge, %add3A_237, %ge3A : i32
        %convert_element_type3A_400 = arith.extui %ge3A_399 : i1 to i32
        %cond3A_401 = arith.constant 0 : i32
        %cond3A_402 = arith.cmpi ne, %convert_element_type3A_400, %cond3A_401 : i32
        scf.if %cond3A_402 {
          %sub3A = arith.constant 2 : i32
          %sub3A_416 = arith.subi %add3A_237, %sub3A : i32
          %dma_wait3A_417 = arith.constant 5 : i32
          %dma_wait3A_418 = arith.constant 0 : i32
          %dma_wait3A_419 = arith.constant 0 : i32
          %dma_wait3A_420 = tpu.memref_slice %arg11[%dma_wait3A_417, %dma_wait3A_418, %dma_wait3A_419] : memref<6x128x16xf32, #tpu.memory_space<vmem>> -> memref<1x128x16xf32, #tpu.memory_space<vmem>>
          %dma_wait3A_421 = tpu.memref_squeeze %dma_wait3A_420 : memref<1x128x16xf32, #tpu.memory_space<vmem>> -> memref<128x16xf32, #tpu.memory_space<vmem>>
          %dma_wait3A_422 = arith.constant 0 : i32
          %dma_wait3A_423 = tpu.memref_slice %arg10[%sub3A_416, %dma_wait3A_422] : memref<79x128xi32, #tpu.memory_space<vmem>> -> memref<1x128xi32, #tpu.memory_space<vmem>>
          %dma_wait3A_424 = tpu.memref_squeeze %dma_wait3A_423 : memref<1x128xi32, #tpu.memory_space<vmem>> -> memref<128xi32, #tpu.memory_space<vmem>>
          %dma_wait3A_425 = arith.constant 0 : i32
          %dma_wait3A_426 = arith.constant 0 : i32
          %dma_wait3A_427 = tpu.memref_slice %arg14[%dma_wait3A_425, %dma_wait3A_426] : memref<10112x16xf32, #tpu.memory_space<vmem_shared>> -> memref<10112x16xf32, #tpu.memory_space<vmem_shared>>
          tpu.wait_indirect_dma semaphore(%arg28 : memref<!tpu.dma_semaphore, #tpu.memory_space<semaphore_mem>>) src(%dma_wait3A_421 : memref<128x16xf32, #tpu.memory_space<vmem>>) dst(%dma_wait3A_427 : memref<10112x16xf32, #tpu.memory_space<vmem_shared>>)
        } else {
        }
        %add3A_403 = arith.constant 4 : i32
        %add3A_404 = arith.addi %add3A_237, %add3A_403 : i32
        %dma_start3A_405 = arith.constant 5 : i32
        %dma_start3A_406 = arith.constant 0 : i32
        %dma_start3A_407 = arith.constant 0 : i32
        %dma_start3A_408 = tpu.memref_slice %arg11[%dma_start3A_405, %dma_start3A_406, %dma_start3A_407] : memref<6x128x16xf32, #tpu.memory_space<vmem>> -> memref<1x128x16xf32, #tpu.memory_space<vmem>>
        %dma_start3A_409 = tpu.memref_squeeze %dma_start3A_408 : memref<1x128x16xf32, #tpu.memory_space<vmem>> -> memref<128x16xf32, #tpu.memory_space<vmem>>
        %dma_start3A_410 = arith.constant 0 : i32
        %dma_start3A_411 = tpu.memref_slice %arg9[%add3A_404, %dma_start3A_410] : memref<79x128xi32, #tpu.memory_space<vmem>> -> memref<1x128xi32, #tpu.memory_space<vmem>>
        %dma_start3A_412 = tpu.memref_squeeze %dma_start3A_411 : memref<1x128xi32, #tpu.memory_space<vmem>> -> memref<128xi32, #tpu.memory_space<vmem>>
        %dma_start3A_413 = arith.constant 0 : i32
        %dma_start3A_414 = arith.constant 0 : i32
        %dma_start3A_415 = tpu.memref_slice %arg13[%dma_start3A_413, %dma_start3A_414] : memref<10112x16xf32, #tpu.memory_space<vmem_shared>> -> memref<10112x16xf32, #tpu.memory_space<vmem_shared>>
        tpu.enqueue_indirect_dma source(%dma_start3A_415 : memref<10112x16xf32, #tpu.memory_space<vmem_shared>>) target(%dma_start3A_409 : memref<128x16xf32, #tpu.memory_space<vmem>>) offsets(%dma_start3A_412 : memref<128xi32, #tpu.memory_space<vmem>>) semaphore(%arg22 : memref<!tpu.dma_semaphore, #tpu.memory_space<semaphore_mem>>)
      } else {
      }
      %mul3A_267 = arith.constant 6 : i32
      %mul3A_268 = arith.muli %mul3A_267, %scan3A_200 : i32
      %add3A_269 = arith.constant 2 : i32
      %add3A_270 = arith.addi %mul3A_268, %add3A_269 : i32
      %dma_wait3A_271 = arith.constant 2 : i32
      %dma_wait3A_272 = arith.constant 0 : i32
      %dma_wait3A_273 = arith.constant 0 : i32
      %dma_wait3A_274 = tpu.memref_slice %arg11[%dma_wait3A_271, %dma_wait3A_272, %dma_wait3A_273] : memref<6x128x16xf32, #tpu.memory_space<vmem>> -> memref<1x128x16xf32, #tpu.memory_space<vmem>>
      %dma_wait3A_275 = tpu.memref_squeeze %dma_wait3A_274 : memref<1x128x16xf32, #tpu.memory_space<vmem>> -> memref<128x16xf32, #tpu.memory_space<vmem>>
      %dma_wait3A_276 = arith.constant 0 : i32
      %dma_wait3A_277 = tpu.memref_slice %arg9[%add3A_270, %dma_wait3A_276] : memref<79x128xi32, #tpu.memory_space<vmem>> -> memref<1x128xi32, #tpu.memory_space<vmem>>
      %dma_wait3A_278 = tpu.memref_squeeze %dma_wait3A_277 : memref<1x128xi32, #tpu.memory_space<vmem>> -> memref<128xi32, #tpu.memory_space<vmem>>
      %dma_wait3A_279 = arith.constant 0 : i32
      %dma_wait3A_280 = arith.constant 0 : i32
      %dma_wait3A_281 = tpu.memref_slice %arg13[%dma_wait3A_279, %dma_wait3A_280] : memref<10112x16xf32, #tpu.memory_space<vmem_shared>> -> memref<10112x16xf32, #tpu.memory_space<vmem_shared>>
      tpu.wait_indirect_dma semaphore(%arg19 : memref<!tpu.dma_semaphore, #tpu.memory_space<semaphore_mem>>) src(%dma_wait3A_281 : memref<10112x16xf32, #tpu.memory_space<vmem_shared>>) dst(%dma_wait3A_275 : memref<128x16xf32, #tpu.memory_space<vmem>>)
      %dma_start3A_282 = arith.constant 2 : i32
      %dma_start3A_283 = arith.constant 0 : i32
      %dma_start3A_284 = arith.constant 0 : i32
      %dma_start3A_285 = tpu.memref_slice %arg11[%dma_start3A_282, %dma_start3A_283, %dma_start3A_284] : memref<6x128x16xf32, #tpu.memory_space<vmem>> -> memref<1x128x16xf32, #tpu.memory_space<vmem>>
      %dma_start3A_286 = tpu.memref_squeeze %dma_start3A_285 : memref<1x128x16xf32, #tpu.memory_space<vmem>> -> memref<128x16xf32, #tpu.memory_space<vmem>>
      %dma_start3A_287 = arith.constant 0 : i32
      %dma_start3A_288 = tpu.memref_slice %arg10[%add3A_270, %dma_start3A_287] : memref<79x128xi32, #tpu.memory_space<vmem>> -> memref<1x128xi32, #tpu.memory_space<vmem>>
      %dma_start3A_289 = tpu.memref_squeeze %dma_start3A_288 : memref<1x128xi32, #tpu.memory_space<vmem>> -> memref<128xi32, #tpu.memory_space<vmem>>
      %dma_start3A_290 = arith.constant 0 : i32
      %dma_start3A_291 = arith.constant 0 : i32
      %dma_start3A_292 = tpu.memref_slice %arg14[%dma_start3A_290, %dma_start3A_291] : memref<10112x16xf32, #tpu.memory_space<vmem_shared>> -> memref<10112x16xf32, #tpu.memory_space<vmem_shared>>
      tpu.enqueue_indirect_dma source(%dma_start3A_286 : memref<128x16xf32, #tpu.memory_space<vmem>>) target(%dma_start3A_292 : memref<10112x16xf32, #tpu.memory_space<vmem_shared>>) offsets(%dma_start3A_289 : memref<128xi32, #tpu.memory_space<vmem>>) semaphore(%arg25 : memref<!tpu.dma_semaphore, #tpu.memory_space<semaphore_mem>>) {add = true}
      %add3A_293 = arith.constant 4 : i32
      %add3A_294 = arith.addi %add3A_270, %add3A_293 : i32
      %lt3A_295 = arith.constant 78 : i32
      %lt3A_296 = arith.cmpi slt, %add3A_294, %lt3A_295 : i32
      %convert_element_type3A_297 = arith.extui %lt3A_296 : i1 to i32
      %cond3A_298 = arith.constant 0 : i32
      %cond3A_299 = arith.cmpi ne, %convert_element_type3A_297, %cond3A_298 : i32
      scf.if %cond3A_299 {
        %ge3A = arith.constant 2 : i32
        %ge3A_399 = arith.cmpi sge, %add3A_270, %ge3A : i32
        %convert_element_type3A_400 = arith.extui %ge3A_399 : i1 to i32
        %cond3A_401 = arith.constant 0 : i32
        %cond3A_402 = arith.cmpi ne, %convert_element_type3A_400, %cond3A_401 : i32
        scf.if %cond3A_402 {
          %sub3A = arith.constant 2 : i32
          %sub3A_416 = arith.subi %add3A_270, %sub3A : i32
          %dma_wait3A_417 = arith.constant 0 : i32
          %dma_wait3A_418 = arith.constant 0 : i32
          %dma_wait3A_419 = arith.constant 0 : i32
          %dma_wait3A_420 = tpu.memref_slice %arg11[%dma_wait3A_417, %dma_wait3A_418, %dma_wait3A_419] : memref<6x128x16xf32, #tpu.memory_space<vmem>> -> memref<1x128x16xf32, #tpu.memory_space<vmem>>
          %dma_wait3A_421 = tpu.memref_squeeze %dma_wait3A_420 : memref<1x128x16xf32, #tpu.memory_space<vmem>> -> memref<128x16xf32, #tpu.memory_space<vmem>>
          %dma_wait3A_422 = arith.constant 0 : i32
          %dma_wait3A_423 = tpu.memref_slice %arg10[%sub3A_416, %dma_wait3A_422] : memref<79x128xi32, #tpu.memory_space<vmem>> -> memref<1x128xi32, #tpu.memory_space<vmem>>
          %dma_wait3A_424 = tpu.memref_squeeze %dma_wait3A_423 : memref<1x128xi32, #tpu.memory_space<vmem>> -> memref<128xi32, #tpu.memory_space<vmem>>
          %dma_wait3A_425 = arith.constant 0 : i32
          %dma_wait3A_426 = arith.constant 0 : i32
          %dma_wait3A_427 = tpu.memref_slice %arg14[%dma_wait3A_425, %dma_wait3A_426] : memref<10112x16xf32, #tpu.memory_space<vmem_shared>> -> memref<10112x16xf32, #tpu.memory_space<vmem_shared>>
          tpu.wait_indirect_dma semaphore(%arg23 : memref<!tpu.dma_semaphore, #tpu.memory_space<semaphore_mem>>) src(%dma_wait3A_421 : memref<128x16xf32, #tpu.memory_space<vmem>>) dst(%dma_wait3A_427 : memref<10112x16xf32, #tpu.memory_space<vmem_shared>>)
        } else {
        }
        %add3A_403 = arith.constant 4 : i32
        %add3A_404 = arith.addi %add3A_270, %add3A_403 : i32
        %dma_start3A_405 = arith.constant 0 : i32
        %dma_start3A_406 = arith.constant 0 : i32
        %dma_start3A_407 = arith.constant 0 : i32
        %dma_start3A_408 = tpu.memref_slice %arg11[%dma_start3A_405, %dma_start3A_406, %dma_start3A_407] : memref<6x128x16xf32, #tpu.memory_space<vmem>> -> memref<1x128x16xf32, #tpu.memory_space<vmem>>
        %dma_start3A_409 = tpu.memref_squeeze %dma_start3A_408 : memref<1x128x16xf32, #tpu.memory_space<vmem>> -> memref<128x16xf32, #tpu.memory_space<vmem>>
        %dma_start3A_410 = arith.constant 0 : i32
        %dma_start3A_411 = tpu.memref_slice %arg9[%add3A_404, %dma_start3A_410] : memref<79x128xi32, #tpu.memory_space<vmem>> -> memref<1x128xi32, #tpu.memory_space<vmem>>
        %dma_start3A_412 = tpu.memref_squeeze %dma_start3A_411 : memref<1x128xi32, #tpu.memory_space<vmem>> -> memref<128xi32, #tpu.memory_space<vmem>>
        %dma_start3A_413 = arith.constant 0 : i32
        %dma_start3A_414 = arith.constant 0 : i32
        %dma_start3A_415 = tpu.memref_slice %arg13[%dma_start3A_413, %dma_start3A_414] : memref<10112x16xf32, #tpu.memory_space<vmem_shared>> -> memref<10112x16xf32, #tpu.memory_space<vmem_shared>>
        tpu.enqueue_indirect_dma source(%dma_start3A_415 : memref<10112x16xf32, #tpu.memory_space<vmem_shared>>) target(%dma_start3A_409 : memref<128x16xf32, #tpu.memory_space<vmem>>) offsets(%dma_start3A_412 : memref<128xi32, #tpu.memory_space<vmem>>) semaphore(%arg17 : memref<!tpu.dma_semaphore, #tpu.memory_space<semaphore_mem>>)
      } else {
      }
      %mul3A_300 = arith.constant 6 : i32
      %mul3A_301 = arith.muli %mul3A_300, %scan3A_200 : i32
      %add3A_302 = arith.constant 3 : i32
      %add3A_303 = arith.addi %mul3A_301, %add3A_302 : i32
      %dma_wait3A_304 = arith.constant 3 : i32
      %dma_wait3A_305 = arith.constant 0 : i32
      %dma_wait3A_306 = arith.constant 0 : i32
      %dma_wait3A_307 = tpu.memref_slice %arg11[%dma_wait3A_304, %dma_wait3A_305, %dma_wait3A_306] : memref<6x128x16xf32, #tpu.memory_space<vmem>> -> memref<1x128x16xf32, #tpu.memory_space<vmem>>
      %dma_wait3A_308 = tpu.memref_squeeze %dma_wait3A_307 : memref<1x128x16xf32, #tpu.memory_space<vmem>> -> memref<128x16xf32, #tpu.memory_space<vmem>>
      %dma_wait3A_309 = arith.constant 0 : i32
      %dma_wait3A_310 = tpu.memref_slice %arg9[%add3A_303, %dma_wait3A_309] : memref<79x128xi32, #tpu.memory_space<vmem>> -> memref<1x128xi32, #tpu.memory_space<vmem>>
      %dma_wait3A_311 = tpu.memref_squeeze %dma_wait3A_310 : memref<1x128xi32, #tpu.memory_space<vmem>> -> memref<128xi32, #tpu.memory_space<vmem>>
      %dma_wait3A_312 = arith.constant 0 : i32
      %dma_wait3A_313 = arith.constant 0 : i32
      %dma_wait3A_314 = tpu.memref_slice %arg13[%dma_wait3A_312, %dma_wait3A_313] : memref<10112x16xf32, #tpu.memory_space<vmem_shared>> -> memref<10112x16xf32, #tpu.memory_space<vmem_shared>>
      tpu.wait_indirect_dma semaphore(%arg20 : memref<!tpu.dma_semaphore, #tpu.memory_space<semaphore_mem>>) src(%dma_wait3A_314 : memref<10112x16xf32, #tpu.memory_space<vmem_shared>>) dst(%dma_wait3A_308 : memref<128x16xf32, #tpu.memory_space<vmem>>)
      %dma_start3A_315 = arith.constant 3 : i32
      %dma_start3A_316 = arith.constant 0 : i32
      %dma_start3A_317 = arith.constant 0 : i32
      %dma_start3A_318 = tpu.memref_slice %arg11[%dma_start3A_315, %dma_start3A_316, %dma_start3A_317] : memref<6x128x16xf32, #tpu.memory_space<vmem>> -> memref<1x128x16xf32, #tpu.memory_space<vmem>>
      %dma_start3A_319 = tpu.memref_squeeze %dma_start3A_318 : memref<1x128x16xf32, #tpu.memory_space<vmem>> -> memref<128x16xf32, #tpu.memory_space<vmem>>
      %dma_start3A_320 = arith.constant 0 : i32
      %dma_start3A_321 = tpu.memref_slice %arg10[%add3A_303, %dma_start3A_320] : memref<79x128xi32, #tpu.memory_space<vmem>> -> memref<1x128xi32, #tpu.memory_space<vmem>>
      %dma_start3A_322 = tpu.memref_squeeze %dma_start3A_321 : memref<1x128xi32, #tpu.memory_space<vmem>> -> memref<128xi32, #tpu.memory_space<vmem>>
      %dma_start3A_323 = arith.constant 0 : i32
      %dma_start3A_324 = arith.constant 0 : i32
      %dma_start3A_325 = tpu.memref_slice %arg14[%dma_start3A_323, %dma_start3A_324] : memref<10112x16xf32, #tpu.memory_space<vmem_shared>> -> memref<10112x16xf32, #tpu.memory_space<vmem_shared>>
      tpu.enqueue_indirect_dma source(%dma_start3A_319 : memref<128x16xf32, #tpu.memory_space<vmem>>) target(%dma_start3A_325 : memref<10112x16xf32, #tpu.memory_space<vmem_shared>>) offsets(%dma_start3A_322 : memref<128xi32, #tpu.memory_space<vmem>>) semaphore(%arg26 : memref<!tpu.dma_semaphore, #tpu.memory_space<semaphore_mem>>) {add = true}
      %add3A_326 = arith.constant 4 : i32
      %add3A_327 = arith.addi %add3A_303, %add3A_326 : i32
      %lt3A_328 = arith.constant 78 : i32
      %lt3A_329 = arith.cmpi slt, %add3A_327, %lt3A_328 : i32
      %convert_element_type3A_330 = arith.extui %lt3A_329 : i1 to i32
      %cond3A_331 = arith.constant 0 : i32
      %cond3A_332 = arith.cmpi ne, %convert_element_type3A_330, %cond3A_331 : i32
      scf.if %cond3A_332 {
        %ge3A = arith.constant 2 : i32
        %ge3A_399 = arith.cmpi sge, %add3A_303, %ge3A : i32
        %convert_element_type3A_400 = arith.extui %ge3A_399 : i1 to i32
        %cond3A_401 = arith.constant 0 : i32
        %cond3A_402 = arith.cmpi ne, %convert_element_type3A_400, %cond3A_401 : i32
        scf.if %cond3A_402 {
          %sub3A = arith.constant 2 : i32
          %sub3A_416 = arith.subi %add3A_303, %sub3A : i32
          %dma_wait3A_417 = arith.constant 1 : i32
          %dma_wait3A_418 = arith.constant 0 : i32
          %dma_wait3A_419 = arith.constant 0 : i32
          %dma_wait3A_420 = tpu.memref_slice %arg11[%dma_wait3A_417, %dma_wait3A_418, %dma_wait3A_419] : memref<6x128x16xf32, #tpu.memory_space<vmem>> -> memref<1x128x16xf32, #tpu.memory_space<vmem>>
          %dma_wait3A_421 = tpu.memref_squeeze %dma_wait3A_420 : memref<1x128x16xf32, #tpu.memory_space<vmem>> -> memref<128x16xf32, #tpu.memory_space<vmem>>
          %dma_wait3A_422 = arith.constant 0 : i32
          %dma_wait3A_423 = tpu.memref_slice %arg10[%sub3A_416, %dma_wait3A_422] : memref<79x128xi32, #tpu.memory_space<vmem>> -> memref<1x128xi32, #tpu.memory_space<vmem>>
          %dma_wait3A_424 = tpu.memref_squeeze %dma_wait3A_423 : memref<1x128xi32, #tpu.memory_space<vmem>> -> memref<128xi32, #tpu.memory_space<vmem>>
          %dma_wait3A_425 = arith.constant 0 : i32
          %dma_wait3A_426 = arith.constant 0 : i32
          %dma_wait3A_427 = tpu.memref_slice %arg14[%dma_wait3A_425, %dma_wait3A_426] : memref<10112x16xf32, #tpu.memory_space<vmem_shared>> -> memref<10112x16xf32, #tpu.memory_space<vmem_shared>>
          tpu.wait_indirect_dma semaphore(%arg24 : memref<!tpu.dma_semaphore, #tpu.memory_space<semaphore_mem>>) src(%dma_wait3A_421 : memref<128x16xf32, #tpu.memory_space<vmem>>) dst(%dma_wait3A_427 : memref<10112x16xf32, #tpu.memory_space<vmem_shared>>)
        } else {
        }
        %add3A_403 = arith.constant 4 : i32
        %add3A_404 = arith.addi %add3A_303, %add3A_403 : i32
        %dma_start3A_405 = arith.constant 1 : i32
        %dma_start3A_406 = arith.constant 0 : i32
        %dma_start3A_407 = arith.constant 0 : i32
        %dma_start3A_408 = tpu.memref_slice %arg11[%dma_start3A_405, %dma_start3A_406, %dma_start3A_407] : memref<6x128x16xf32, #tpu.memory_space<vmem>> -> memref<1x128x16xf32, #tpu.memory_space<vmem>>
        %dma_start3A_409 = tpu.memref_squeeze %dma_start3A_408 : memref<1x128x16xf32, #tpu.memory_space<vmem>> -> memref<128x16xf32, #tpu.memory_space<vmem>>
        %dma_start3A_410 = arith.constant 0 : i32
        %dma_start3A_411 = tpu.memref_slice %arg9[%add3A_404, %dma_start3A_410] : memref<79x128xi32, #tpu.memory_space<vmem>> -> memref<1x128xi32, #tpu.memory_space<vmem>>
        %dma_start3A_412 = tpu.memref_squeeze %dma_start3A_411 : memref<1x128xi32, #tpu.memory_space<vmem>> -> memref<128xi32, #tpu.memory_space<vmem>>
        %dma_start3A_413 = arith.constant 0 : i32
        %dma_start3A_414 = arith.constant 0 : i32
        %dma_start3A_415 = tpu.memref_slice %arg13[%dma_start3A_413, %dma_start3A_414] : memref<10112x16xf32, #tpu.memory_space<vmem_shared>> -> memref<10112x16xf32, #tpu.memory_space<vmem_shared>>
        tpu.enqueue_indirect_dma source(%dma_start3A_415 : memref<10112x16xf32, #tpu.memory_space<vmem_shared>>) target(%dma_start3A_409 : memref<128x16xf32, #tpu.memory_space<vmem>>) offsets(%dma_start3A_412 : memref<128xi32, #tpu.memory_space<vmem>>) semaphore(%arg18 : memref<!tpu.dma_semaphore, #tpu.memory_space<semaphore_mem>>)
      } else {
      }
      %mul3A_333 = arith.constant 6 : i32
      %mul3A_334 = arith.muli %mul3A_333, %scan3A_200 : i32
      %add3A_335 = arith.constant 4 : i32
      %add3A_336 = arith.addi %mul3A_334, %add3A_335 : i32
      %dma_wait3A_337 = arith.constant 4 : i32
      %dma_wait3A_338 = arith.constant 0 : i32
      %dma_wait3A_339 = arith.constant 0 : i32
      %dma_wait3A_340 = tpu.memref_slice %arg11[%dma_wait3A_337, %dma_wait3A_338, %dma_wait3A_339] : memref<6x128x16xf32, #tpu.memory_space<vmem>> -> memref<1x128x16xf32, #tpu.memory_space<vmem>>
      %dma_wait3A_341 = tpu.memref_squeeze %dma_wait3A_340 : memref<1x128x16xf32, #tpu.memory_space<vmem>> -> memref<128x16xf32, #tpu.memory_space<vmem>>
      %dma_wait3A_342 = arith.constant 0 : i32
      %dma_wait3A_343 = tpu.memref_slice %arg9[%add3A_336, %dma_wait3A_342] : memref<79x128xi32, #tpu.memory_space<vmem>> -> memref<1x128xi32, #tpu.memory_space<vmem>>
      %dma_wait3A_344 = tpu.memref_squeeze %dma_wait3A_343 : memref<1x128xi32, #tpu.memory_space<vmem>> -> memref<128xi32, #tpu.memory_space<vmem>>
      %dma_wait3A_345 = arith.constant 0 : i32
      %dma_wait3A_346 = arith.constant 0 : i32
      %dma_wait3A_347 = tpu.memref_slice %arg13[%dma_wait3A_345, %dma_wait3A_346] : memref<10112x16xf32, #tpu.memory_space<vmem_shared>> -> memref<10112x16xf32, #tpu.memory_space<vmem_shared>>
      tpu.wait_indirect_dma semaphore(%arg21 : memref<!tpu.dma_semaphore, #tpu.memory_space<semaphore_mem>>) src(%dma_wait3A_347 : memref<10112x16xf32, #tpu.memory_space<vmem_shared>>) dst(%dma_wait3A_341 : memref<128x16xf32, #tpu.memory_space<vmem>>)
      %dma_start3A_348 = arith.constant 4 : i32
      %dma_start3A_349 = arith.constant 0 : i32
      %dma_start3A_350 = arith.constant 0 : i32
      %dma_start3A_351 = tpu.memref_slice %arg11[%dma_start3A_348, %dma_start3A_349, %dma_start3A_350] : memref<6x128x16xf32, #tpu.memory_space<vmem>> -> memref<1x128x16xf32, #tpu.memory_space<vmem>>
      %dma_start3A_352 = tpu.memref_squeeze %dma_start3A_351 : memref<1x128x16xf32, #tpu.memory_space<vmem>> -> memref<128x16xf32, #tpu.memory_space<vmem>>
      %dma_start3A_353 = arith.constant 0 : i32
      %dma_start3A_354 = tpu.memref_slice %arg10[%add3A_336, %dma_start3A_353] : memref<79x128xi32, #tpu.memory_space<vmem>> -> memref<1x128xi32, #tpu.memory_space<vmem>>
      %dma_start3A_355 = tpu.memref_squeeze %dma_start3A_354 : memref<1x128xi32, #tpu.memory_space<vmem>> -> memref<128xi32, #tpu.memory_space<vmem>>
      %dma_start3A_356 = arith.constant 0 : i32
      %dma_start3A_357 = arith.constant 0 : i32
      %dma_start3A_358 = tpu.memref_slice %arg14[%dma_start3A_356, %dma_start3A_357] : memref<10112x16xf32, #tpu.memory_space<vmem_shared>> -> memref<10112x16xf32, #tpu.memory_space<vmem_shared>>
      tpu.enqueue_indirect_dma source(%dma_start3A_352 : memref<128x16xf32, #tpu.memory_space<vmem>>) target(%dma_start3A_358 : memref<10112x16xf32, #tpu.memory_space<vmem_shared>>) offsets(%dma_start3A_355 : memref<128xi32, #tpu.memory_space<vmem>>) semaphore(%arg27 : memref<!tpu.dma_semaphore, #tpu.memory_space<semaphore_mem>>) {add = true}
      %add3A_359 = arith.constant 4 : i32
      %add3A_360 = arith.addi %add3A_336, %add3A_359 : i32
      %lt3A_361 = arith.constant 78 : i32
      %lt3A_362 = arith.cmpi slt, %add3A_360, %lt3A_361 : i32
      %convert_element_type3A_363 = arith.extui %lt3A_362 : i1 to i32
      %cond3A_364 = arith.constant 0 : i32
      %cond3A_365 = arith.cmpi ne, %convert_element_type3A_363, %cond3A_364 : i32
      scf.if %cond3A_365 {
        %ge3A = arith.constant 2 : i32
        %ge3A_399 = arith.cmpi sge, %add3A_336, %ge3A : i32
        %convert_element_type3A_400 = arith.extui %ge3A_399 : i1 to i32
        %cond3A_401 = arith.constant 0 : i32
        %cond3A_402 = arith.cmpi ne, %convert_element_type3A_400, %cond3A_401 : i32
        scf.if %cond3A_402 {
          %sub3A = arith.constant 2 : i32
          %sub3A_416 = arith.subi %add3A_336, %sub3A : i32
          %dma_wait3A_417 = arith.constant 2 : i32
          %dma_wait3A_418 = arith.constant 0 : i32
          %dma_wait3A_419 = arith.constant 0 : i32
          %dma_wait3A_420 = tpu.memref_slice %arg11[%dma_wait3A_417, %dma_wait3A_418, %dma_wait3A_419] : memref<6x128x16xf32, #tpu.memory_space<vmem>> -> memref<1x128x16xf32, #tpu.memory_space<vmem>>
          %dma_wait3A_421 = tpu.memref_squeeze %dma_wait3A_420 : memref<1x128x16xf32, #tpu.memory_space<vmem>> -> memref<128x16xf32, #tpu.memory_space<vmem>>
          %dma_wait3A_422 = arith.constant 0 : i32
          %dma_wait3A_423 = tpu.memref_slice %arg10[%sub3A_416, %dma_wait3A_422] : memref<79x128xi32, #tpu.memory_space<vmem>> -> memref<1x128xi32, #tpu.memory_space<vmem>>
          %dma_wait3A_424 = tpu.memref_squeeze %dma_wait3A_423 : memref<1x128xi32, #tpu.memory_space<vmem>> -> memref<128xi32, #tpu.memory_space<vmem>>
          %dma_wait3A_425 = arith.constant 0 : i32
          %dma_wait3A_426 = arith.constant 0 : i32
          %dma_wait3A_427 = tpu.memref_slice %arg14[%dma_wait3A_425, %dma_wait3A_426] : memref<10112x16xf32, #tpu.memory_space<vmem_shared>> -> memref<10112x16xf32, #tpu.memory_space<vmem_shared>>
          tpu.wait_indirect_dma semaphore(%arg25 : memref<!tpu.dma_semaphore, #tpu.memory_space<semaphore_mem>>) src(%dma_wait3A_421 : memref<128x16xf32, #tpu.memory_space<vmem>>) dst(%dma_wait3A_427 : memref<10112x16xf32, #tpu.memory_space<vmem_shared>>)
        } else {
        }
        %add3A_403 = arith.constant 4 : i32
        %add3A_404 = arith.addi %add3A_336, %add3A_403 : i32
        %dma_start3A_405 = arith.constant 2 : i32
        %dma_start3A_406 = arith.constant 0 : i32
        %dma_start3A_407 = arith.constant 0 : i32
        %dma_start3A_408 = tpu.memref_slice %arg11[%dma_start3A_405, %dma_start3A_406, %dma_start3A_407] : memref<6x128x16xf32, #tpu.memory_space<vmem>> -> memref<1x128x16xf32, #tpu.memory_space<vmem>>
        %dma_start3A_409 = tpu.memref_squeeze %dma_start3A_408 : memref<1x128x16xf32, #tpu.memory_space<vmem>> -> memref<128x16xf32, #tpu.memory_space<vmem>>
        %dma_start3A_410 = arith.constant 0 : i32
        %dma_start3A_411 = tpu.memref_slice %arg9[%add3A_404, %dma_start3A_410] : memref<79x128xi32, #tpu.memory_space<vmem>> -> memref<1x128xi32, #tpu.memory_space<vmem>>
        %dma_start3A_412 = tpu.memref_squeeze %dma_start3A_411 : memref<1x128xi32, #tpu.memory_space<vmem>> -> memref<128xi32, #tpu.memory_space<vmem>>
        %dma_start3A_413 = arith.constant 0 : i32
        %dma_start3A_414 = arith.constant 0 : i32
        %dma_start3A_415 = tpu.memref_slice %arg13[%dma_start3A_413, %dma_start3A_414] : memref<10112x16xf32, #tpu.memory_space<vmem_shared>> -> memref<10112x16xf32, #tpu.memory_space<vmem_shared>>
        tpu.enqueue_indirect_dma source(%dma_start3A_415 : memref<10112x16xf32, #tpu.memory_space<vmem_shared>>) target(%dma_start3A_409 : memref<128x16xf32, #tpu.memory_space<vmem>>) offsets(%dma_start3A_412 : memref<128xi32, #tpu.memory_space<vmem>>) semaphore(%arg19 : memref<!tpu.dma_semaphore, #tpu.memory_space<semaphore_mem>>)
      } else {
      }
      %mul3A_366 = arith.constant 6 : i32
      %mul3A_367 = arith.muli %mul3A_366, %scan3A_200 : i32
      %add3A_368 = arith.constant 5 : i32
      %add3A_369 = arith.addi %mul3A_367, %add3A_368 : i32
      %dma_wait3A_370 = arith.constant 5 : i32
      %dma_wait3A_371 = arith.constant 0 : i32
      %dma_wait3A_372 = arith.constant 0 : i32
      %dma_wait3A_373 = tpu.memref_slice %arg11[%dma_wait3A_370, %dma_wait3A_371, %dma_wait3A_372] : memref<6x128x16xf32, #tpu.memory_space<vmem>> -> memref<1x128x16xf32, #tpu.memory_space<vmem>>
      %dma_wait3A_374 = tpu.memref_squeeze %dma_wait3A_373 : memref<1x128x16xf32, #tpu.memory_space<vmem>> -> memref<128x16xf32, #tpu.memory_space<vmem>>
      %dma_wait3A_375 = arith.constant 0 : i32
      %dma_wait3A_376 = tpu.memref_slice %arg9[%add3A_369, %dma_wait3A_375] : memref<79x128xi32, #tpu.memory_space<vmem>> -> memref<1x128xi32, #tpu.memory_space<vmem>>
      %dma_wait3A_377 = tpu.memref_squeeze %dma_wait3A_376 : memref<1x128xi32, #tpu.memory_space<vmem>> -> memref<128xi32, #tpu.memory_space<vmem>>
      %dma_wait3A_378 = arith.constant 0 : i32
      %dma_wait3A_379 = arith.constant 0 : i32
      %dma_wait3A_380 = tpu.memref_slice %arg13[%dma_wait3A_378, %dma_wait3A_379] : memref<10112x16xf32, #tpu.memory_space<vmem_shared>> -> memref<10112x16xf32, #tpu.memory_space<vmem_shared>>
      tpu.wait_indirect_dma semaphore(%arg22 : memref<!tpu.dma_semaphore, #tpu.memory_space<semaphore_mem>>) src(%dma_wait3A_380 : memref<10112x16xf32, #tpu.memory_space<vmem_shared>>) dst(%dma_wait3A_374 : memref<128x16xf32, #tpu.memory_space<vmem>>)
      %dma_start3A_381 = arith.constant 5 : i32
      %dma_start3A_382 = arith.constant 0 : i32
      %dma_start3A_383 = arith.constant 0 : i32
      %dma_start3A_384 = tpu.memref_slice %arg11[%dma_start3A_381, %dma_start3A_382, %dma_start3A_383] : memref<6x128x16xf32, #tpu.memory_space<vmem>> -> memref<1x128x16xf32, #tpu.memory_space<vmem>>
      %dma_start3A_385 = tpu.memref_squeeze %dma_start3A_384 : memref<1x128x16xf32, #tpu.memory_space<vmem>> -> memref<128x16xf32, #tpu.memory_space<vmem>>
      %dma_start3A_386 = arith.constant 0 : i32
      %dma_start3A_387 = tpu.memref_slice %arg10[%add3A_369, %dma_start3A_386] : memref<79x128xi32, #tpu.memory_space<vmem>> -> memref<1x128xi32, #tpu.memory_space<vmem>>
      %dma_start3A_388 = tpu.memref_squeeze %dma_start3A_387 : memref<1x128xi32, #tpu.memory_space<vmem>> -> memref<128xi32, #tpu.memory_space<vmem>>
      %dma_start3A_389 = arith.constant 0 : i32
      %dma_start3A_390 = arith.constant 0 : i32
      %dma_start3A_391 = tpu.memref_slice %arg14[%dma_start3A_389, %dma_start3A_390] : memref<10112x16xf32, #tpu.memory_space<vmem_shared>> -> memref<10112x16xf32, #tpu.memory_space<vmem_shared>>
      tpu.enqueue_indirect_dma source(%dma_start3A_385 : memref<128x16xf32, #tpu.memory_space<vmem>>) target(%dma_start3A_391 : memref<10112x16xf32, #tpu.memory_space<vmem_shared>>) offsets(%dma_start3A_388 : memref<128xi32, #tpu.memory_space<vmem>>) semaphore(%arg28 : memref<!tpu.dma_semaphore, #tpu.memory_space<semaphore_mem>>) {add = true}
      %add3A_392 = arith.constant 4 : i32
      %add3A_393 = arith.addi %add3A_369, %add3A_392 : i32
      %lt3A_394 = arith.constant 78 : i32
      %lt3A_395 = arith.cmpi slt, %add3A_393, %lt3A_394 : i32
      %convert_element_type3A_396 = arith.extui %lt3A_395 : i1 to i32
      %cond3A_397 = arith.constant 0 : i32
      %cond3A_398 = arith.cmpi ne, %convert_element_type3A_396, %cond3A_397 : i32
      scf.if %cond3A_398 {
        %ge3A = arith.constant 2 : i32
        %ge3A_399 = arith.cmpi sge, %add3A_369, %ge3A : i32
        %convert_element_type3A_400 = arith.extui %ge3A_399 : i1 to i32
        %cond3A_401 = arith.constant 0 : i32
        %cond3A_402 = arith.cmpi ne, %convert_element_type3A_400, %cond3A_401 : i32
        scf.if %cond3A_402 {
          %sub3A = arith.constant 2 : i32
          %sub3A_416 = arith.subi %add3A_369, %sub3A : i32
          %dma_wait3A_417 = arith.constant 3 : i32
          %dma_wait3A_418 = arith.constant 0 : i32
          %dma_wait3A_419 = arith.constant 0 : i32
          %dma_wait3A_420 = tpu.memref_slice %arg11[%dma_wait3A_417, %dma_wait3A_418, %dma_wait3A_419] : memref<6x128x16xf32, #tpu.memory_space<vmem>> -> memref<1x128x16xf32, #tpu.memory_space<vmem>>
          %dma_wait3A_421 = tpu.memref_squeeze %dma_wait3A_420 : memref<1x128x16xf32, #tpu.memory_space<vmem>> -> memref<128x16xf32, #tpu.memory_space<vmem>>
          %dma_wait3A_422 = arith.constant 0 : i32
          %dma_wait3A_423 = tpu.memref_slice %arg10[%sub3A_416, %dma_wait3A_422] : memref<79x128xi32, #tpu.memory_space<vmem>> -> memref<1x128xi32, #tpu.memory_space<vmem>>
          %dma_wait3A_424 = tpu.memref_squeeze %dma_wait3A_423 : memref<1x128xi32, #tpu.memory_space<vmem>> -> memref<128xi32, #tpu.memory_space<vmem>>
          %dma_wait3A_425 = arith.constant 0 : i32
          %dma_wait3A_426 = arith.constant 0 : i32
          %dma_wait3A_427 = tpu.memref_slice %arg14[%dma_wait3A_425, %dma_wait3A_426] : memref<10112x16xf32, #tpu.memory_space<vmem_shared>> -> memref<10112x16xf32, #tpu.memory_space<vmem_shared>>
          tpu.wait_indirect_dma semaphore(%arg26 : memref<!tpu.dma_semaphore, #tpu.memory_space<semaphore_mem>>) src(%dma_wait3A_421 : memref<128x16xf32, #tpu.memory_space<vmem>>) dst(%dma_wait3A_427 : memref<10112x16xf32, #tpu.memory_space<vmem_shared>>)
        } else {
        }
        %add3A_403 = arith.constant 4 : i32
        %add3A_404 = arith.addi %add3A_369, %add3A_403 : i32
        %dma_start3A_405 = arith.constant 3 : i32
        %dma_start3A_406 = arith.constant 0 : i32
        %dma_start3A_407 = arith.constant 0 : i32
        %dma_start3A_408 = tpu.memref_slice %arg11[%dma_start3A_405, %dma_start3A_406, %dma_start3A_407] : memref<6x128x16xf32, #tpu.memory_space<vmem>> -> memref<1x128x16xf32, #tpu.memory_space<vmem>>
        %dma_start3A_409 = tpu.memref_squeeze %dma_start3A_408 : memref<1x128x16xf32, #tpu.memory_space<vmem>> -> memref<128x16xf32, #tpu.memory_space<vmem>>
        %dma_start3A_410 = arith.constant 0 : i32
        %dma_start3A_411 = tpu.memref_slice %arg9[%add3A_404, %dma_start3A_410] : memref<79x128xi32, #tpu.memory_space<vmem>> -> memref<1x128xi32, #tpu.memory_space<vmem>>
        %dma_start3A_412 = tpu.memref_squeeze %dma_start3A_411 : memref<1x128xi32, #tpu.memory_space<vmem>> -> memref<128xi32, #tpu.memory_space<vmem>>
        %dma_start3A_413 = arith.constant 0 : i32
        %dma_start3A_414 = arith.constant 0 : i32
        %dma_start3A_415 = tpu.memref_slice %arg13[%dma_start3A_413, %dma_start3A_414] : memref<10112x16xf32, #tpu.memory_space<vmem_shared>> -> memref<10112x16xf32, #tpu.memory_space<vmem_shared>>
        tpu.enqueue_indirect_dma source(%dma_start3A_415 : memref<10112x16xf32, #tpu.memory_space<vmem_shared>>) target(%dma_start3A_409 : memref<128x16xf32, #tpu.memory_space<vmem>>) offsets(%dma_start3A_412 : memref<128xi32, #tpu.memory_space<vmem>>) semaphore(%arg20 : memref<!tpu.dma_semaphore, #tpu.memory_space<semaphore_mem>>)
      } else {
      }
    }
    %scan3A_121 = arith.constant 13 : i32
    %dma_wait3A_122 = arith.constant 0 : i32
    %dma_wait3A_123 = arith.constant 72 : i32
    %dma_wait3A_124 = arith.constant 0 : i32
    %dma_wait3A_125 = arith.constant 0 : i32
    %dma_wait3A_126 = tpu.memref_slice %arg11[%dma_wait3A_122, %dma_wait3A_124, %dma_wait3A_125] : memref<6x128x16xf32, #tpu.memory_space<vmem>> -> memref<1x128x16xf32, #tpu.memory_space<vmem>>
    %dma_wait3A_127 = tpu.memref_squeeze %dma_wait3A_126 : memref<1x128x16xf32, #tpu.memory_space<vmem>> -> memref<128x16xf32, #tpu.memory_space<vmem>>
    %dma_wait3A_128 = arith.constant 0 : i32
    %dma_wait3A_129 = tpu.memref_slice %arg10[%dma_wait3A_123, %dma_wait3A_128] : memref<79x128xi32, #tpu.memory_space<vmem>> -> memref<1x128xi32, #tpu.memory_space<vmem>>
    %dma_wait3A_130 = tpu.memref_squeeze %dma_wait3A_129 : memref<1x128xi32, #tpu.memory_space<vmem>> -> memref<128xi32, #tpu.memory_space<vmem>>
    %dma_wait3A_131 = arith.constant 0 : i32
    %dma_wait3A_132 = arith.constant 0 : i32
    %dma_wait3A_133 = tpu.memref_slice %arg14[%dma_wait3A_131, %dma_wait3A_132] : memref<10112x16xf32, #tpu.memory_space<vmem_shared>> -> memref<10112x16xf32, #tpu.memory_space<vmem_shared>>
    tpu.wait_indirect_dma semaphore(%arg23 : memref<!tpu.dma_semaphore, #tpu.memory_space<semaphore_mem>>) src(%dma_wait3A_127 : memref<128x16xf32, #tpu.memory_space<vmem>>) dst(%dma_wait3A_133 : memref<10112x16xf32, #tpu.memory_space<vmem_shared>>)
    %convert_element_type3A_134 = arith.extui %lt3A_67 : i1 to i32
    %cond3A_135 = arith.constant 0 : i32
    %cond3A_136 = arith.cmpi ne, %convert_element_type3A_134, %cond3A_135 : i32
    scf.if %cond3A_136 {
      %dma_start3A_200 = arith.constant 78 : i32
      %dma_start3A_201 = arith.constant 0 : i32
      %dma_start3A_202 = arith.constant 0 : i32
      %dma_start3A_203 = arith.constant 0 : i32
      %dma_start3A_204 = tpu.memref_slice %arg11[%dma_start3A_201, %dma_start3A_202, %dma_start3A_203] : memref<6x128x16xf32, #tpu.memory_space<vmem>> -> memref<1x128x16xf32, #tpu.memory_space<vmem>>
      %dma_start3A_205 = tpu.memref_squeeze %dma_start3A_204 : memref<1x128x16xf32, #tpu.memory_space<vmem>> -> memref<128x16xf32, #tpu.memory_space<vmem>>
      %dma_start3A_206 = arith.constant 0 : i32
      %dma_start3A_207 = tpu.memref_slice %arg9[%dma_start3A_200, %dma_start3A_206] : memref<79x128xi32, #tpu.memory_space<vmem>> -> memref<1x128xi32, #tpu.memory_space<vmem>>
      %dma_start3A_208 = tpu.memref_squeeze %dma_start3A_207 : memref<1x128xi32, #tpu.memory_space<vmem>> -> memref<128xi32, #tpu.memory_space<vmem>>
      %dma_start3A_209 = arith.constant 0 : i32
      %dma_start3A_210 = arith.constant 0 : i32
      %dma_start3A_211 = tpu.memref_slice %arg13[%dma_start3A_209, %dma_start3A_210] : memref<10112x16xf32, #tpu.memory_space<vmem_shared>> -> memref<10112x16xf32, #tpu.memory_space<vmem_shared>>
      tpu.enqueue_indirect_dma source(%dma_start3A_211 : memref<10112x16xf32, #tpu.memory_space<vmem_shared>>) target(%dma_start3A_205 : memref<128x16xf32, #tpu.memory_space<vmem>>) offsets(%dma_start3A_208 : memref<128xi32, #tpu.memory_space<vmem>>) semaphore(%arg17 : memref<!tpu.dma_semaphore, #tpu.memory_space<semaphore_mem>>)
      %dma_wait3A_212 = arith.constant 78 : i32
      %dma_wait3A_213 = arith.constant 0 : i32
      %dma_wait3A_214 = arith.constant 0 : i32
      %dma_wait3A_215 = arith.constant 0 : i32
      %dma_wait3A_216 = tpu.memref_slice %arg11[%dma_wait3A_213, %dma_wait3A_214, %dma_wait3A_215] : memref<6x128x16xf32, #tpu.memory_space<vmem>> -> memref<1x128x16xf32, #tpu.memory_space<vmem>>
      %dma_wait3A_217 = tpu.memref_squeeze %dma_wait3A_216 : memref<1x128x16xf32, #tpu.memory_space<vmem>> -> memref<128x16xf32, #tpu.memory_space<vmem>>
      %dma_wait3A_218 = arith.constant 0 : i32
      %dma_wait3A_219 = tpu.memref_slice %arg9[%dma_wait3A_212, %dma_wait3A_218] : memref<79x128xi32, #tpu.memory_space<vmem>> -> memref<1x128xi32, #tpu.memory_space<vmem>>
      %dma_wait3A_220 = tpu.memref_squeeze %dma_wait3A_219 : memref<1x128xi32, #tpu.memory_space<vmem>> -> memref<128xi32, #tpu.memory_space<vmem>>
      %dma_wait3A_221 = arith.constant 0 : i32
      %dma_wait3A_222 = arith.constant 0 : i32
      %dma_wait3A_223 = tpu.memref_slice %arg13[%dma_wait3A_221, %dma_wait3A_222] : memref<10112x16xf32, #tpu.memory_space<vmem_shared>> -> memref<10112x16xf32, #tpu.memory_space<vmem_shared>>
      tpu.wait_indirect_dma semaphore(%arg17 : memref<!tpu.dma_semaphore, #tpu.memory_space<semaphore_mem>>) src(%dma_wait3A_223 : memref<10112x16xf32, #tpu.memory_space<vmem_shared>>) dst(%dma_wait3A_217 : memref<128x16xf32, #tpu.memory_space<vmem>>)
      %dma_start3A_224 = arith.constant 0 : i32
      %dma_start3A_225 = arith.constant 78 : i32
      %dma_start3A_226 = arith.constant 0 : i32
      %dma_start3A_227 = arith.constant 0 : i32
      %dma_start3A_228 = tpu.memref_slice %arg11[%dma_start3A_224, %dma_start3A_226, %dma_start3A_227] : memref<6x128x16xf32, #tpu.memory_space<vmem>> -> memref<1x128x16xf32, #tpu.memory_space<vmem>>
      %dma_start3A_229 = tpu.memref_squeeze %dma_start3A_228 : memref<1x128x16xf32, #tpu.memory_space<vmem>> -> memref<128x16xf32, #tpu.memory_space<vmem>>
      %dma_start3A_230 = arith.constant 0 : i32
      %dma_start3A_231 = tpu.memref_slice %arg10[%dma_start3A_225, %dma_start3A_230] : memref<79x128xi32, #tpu.memory_space<vmem>> -> memref<1x128xi32, #tpu.memory_space<vmem>>
      %dma_start3A_232 = tpu.memref_squeeze %dma_start3A_231 : memref<1x128xi32, #tpu.memory_space<vmem>> -> memref<128xi32, #tpu.memory_space<vmem>>
      %dma_start3A_233 = arith.constant 0 : i32
      %dma_start3A_234 = arith.constant 0 : i32
      %dma_start3A_235 = tpu.memref_slice %arg14[%dma_start3A_233, %dma_start3A_234] : memref<10112x16xf32, #tpu.memory_space<vmem_shared>> -> memref<10112x16xf32, #tpu.memory_space<vmem_shared>>
      tpu.enqueue_indirect_dma source(%dma_start3A_229 : memref<128x16xf32, #tpu.memory_space<vmem>>) target(%dma_start3A_235 : memref<10112x16xf32, #tpu.memory_space<vmem_shared>>) offsets(%dma_start3A_232 : memref<128xi32, #tpu.memory_space<vmem>>) semaphore(%arg23 : memref<!tpu.dma_semaphore, #tpu.memory_space<semaphore_mem>>) {add = true}
      %dma_wait3A_236 = arith.constant 0 : i32
      %dma_wait3A_237 = arith.constant 78 : i32
      %dma_wait3A_238 = arith.constant 0 : i32
      %dma_wait3A_239 = arith.constant 0 : i32
      %dma_wait3A_240 = tpu.memref_slice %arg11[%dma_wait3A_236, %dma_wait3A_238, %dma_wait3A_239] : memref<6x128x16xf32, #tpu.memory_space<vmem>> -> memref<1x128x16xf32, #tpu.memory_space<vmem>>
      %dma_wait3A_241 = tpu.memref_squeeze %dma_wait3A_240 : memref<1x128x16xf32, #tpu.memory_space<vmem>> -> memref<128x16xf32, #tpu.memory_space<vmem>>
      %dma_wait3A_242 = arith.constant 0 : i32
      %dma_wait3A_243 = tpu.memref_slice %arg10[%dma_wait3A_237, %dma_wait3A_242] : memref<79x128xi32, #tpu.memory_space<vmem>> -> memref<1x128xi32, #tpu.memory_space<vmem>>
      %dma_wait3A_244 = tpu.memref_squeeze %dma_wait3A_243 : memref<1x128xi32, #tpu.memory_space<vmem>> -> memref<128xi32, #tpu.memory_space<vmem>>
      %dma_wait3A_245 = arith.constant 0 : i32
      %dma_wait3A_246 = arith.constant 0 : i32
      %dma_wait3A_247 = tpu.memref_slice %arg14[%dma_wait3A_245, %dma_wait3A_246] : memref<10112x16xf32, #tpu.memory_space<vmem_shared>> -> memref<10112x16xf32, #tpu.memory_space<vmem_shared>>
      tpu.wait_indirect_dma semaphore(%arg23 : memref<!tpu.dma_semaphore, #tpu.memory_space<semaphore_mem>>) src(%dma_wait3A_241 : memref<128x16xf32, #tpu.memory_space<vmem>>) dst(%dma_wait3A_247 : memref<10112x16xf32, #tpu.memory_space<vmem_shared>>)
    } else {
    }
    %dma_wait3A_137 = arith.constant 1 : i32
    %dma_wait3A_138 = arith.constant 73 : i32
    %dma_wait3A_139 = arith.constant 0 : i32
    %dma_wait3A_140 = arith.constant 0 : i32
    %dma_wait3A_141 = tpu.memref_slice %arg11[%dma_wait3A_137, %dma_wait3A_139, %dma_wait3A_140] : memref<6x128x16xf32, #tpu.memory_space<vmem>> -> memref<1x128x16xf32, #tpu.memory_space<vmem>>
    %dma_wait3A_142 = tpu.memref_squeeze %dma_wait3A_141 : memref<1x128x16xf32, #tpu.memory_space<vmem>> -> memref<128x16xf32, #tpu.memory_space<vmem>>
    %dma_wait3A_143 = arith.constant 0 : i32
    %dma_wait3A_144 = tpu.memref_slice %arg10[%dma_wait3A_138, %dma_wait3A_143] : memref<79x128xi32, #tpu.memory_space<vmem>> -> memref<1x128xi32, #tpu.memory_space<vmem>>
    %dma_wait3A_145 = tpu.memref_squeeze %dma_wait3A_144 : memref<1x128xi32, #tpu.memory_space<vmem>> -> memref<128xi32, #tpu.memory_space<vmem>>
    %dma_wait3A_146 = arith.constant 0 : i32
    %dma_wait3A_147 = arith.constant 0 : i32
    %dma_wait3A_148 = tpu.memref_slice %arg14[%dma_wait3A_146, %dma_wait3A_147] : memref<10112x16xf32, #tpu.memory_space<vmem_shared>> -> memref<10112x16xf32, #tpu.memory_space<vmem_shared>>
    tpu.wait_indirect_dma semaphore(%arg24 : memref<!tpu.dma_semaphore, #tpu.memory_space<semaphore_mem>>) src(%dma_wait3A_142 : memref<128x16xf32, #tpu.memory_space<vmem>>) dst(%dma_wait3A_148 : memref<10112x16xf32, #tpu.memory_space<vmem_shared>>)
    %dma_wait3A_149 = arith.constant 2 : i32
    %dma_wait3A_150 = arith.constant 74 : i32
    %dma_wait3A_151 = arith.constant 0 : i32
    %dma_wait3A_152 = arith.constant 0 : i32
    %dma_wait3A_153 = tpu.memref_slice %arg11[%dma_wait3A_149, %dma_wait3A_151, %dma_wait3A_152] : memref<6x128x16xf32, #tpu.memory_space<vmem>> -> memref<1x128x16xf32, #tpu.memory_space<vmem>>
    %dma_wait3A_154 = tpu.memref_squeeze %dma_wait3A_153 : memref<1x128x16xf32, #tpu.memory_space<vmem>> -> memref<128x16xf32, #tpu.memory_space<vmem>>
    %dma_wait3A_155 = arith.constant 0 : i32
    %dma_wait3A_156 = tpu.memref_slice %arg10[%dma_wait3A_150, %dma_wait3A_155] : memref<79x128xi32, #tpu.memory_space<vmem>> -> memref<1x128xi32, #tpu.memory_space<vmem>>
    %dma_wait3A_157 = tpu.memref_squeeze %dma_wait3A_156 : memref<1x128xi32, #tpu.memory_space<vmem>> -> memref<128xi32, #tpu.memory_space<vmem>>
    %dma_wait3A_158 = arith.constant 0 : i32
    %dma_wait3A_159 = arith.constant 0 : i32
    %dma_wait3A_160 = tpu.memref_slice %arg14[%dma_wait3A_158, %dma_wait3A_159] : memref<10112x16xf32, #tpu.memory_space<vmem_shared>> -> memref<10112x16xf32, #tpu.memory_space<vmem_shared>>
    tpu.wait_indirect_dma semaphore(%arg25 : memref<!tpu.dma_semaphore, #tpu.memory_space<semaphore_mem>>) src(%dma_wait3A_154 : memref<128x16xf32, #tpu.memory_space<vmem>>) dst(%dma_wait3A_160 : memref<10112x16xf32, #tpu.memory_space<vmem_shared>>)
    %dma_wait3A_161 = arith.constant 3 : i32
    %dma_wait3A_162 = arith.constant 75 : i32
    %dma_wait3A_163 = arith.constant 0 : i32
    %dma_wait3A_164 = arith.constant 0 : i32
    %dma_wait3A_165 = tpu.memref_slice %arg11[%dma_wait3A_161, %dma_wait3A_163, %dma_wait3A_164] : memref<6x128x16xf32, #tpu.memory_space<vmem>> -> memref<1x128x16xf32, #tpu.memory_space<vmem>>
    %dma_wait3A_166 = tpu.memref_squeeze %dma_wait3A_165 : memref<1x128x16xf32, #tpu.memory_space<vmem>> -> memref<128x16xf32, #tpu.memory_space<vmem>>
    %dma_wait3A_167 = arith.constant 0 : i32
    %dma_wait3A_168 = tpu.memref_slice %arg10[%dma_wait3A_162, %dma_wait3A_167] : memref<79x128xi32, #tpu.memory_space<vmem>> -> memref<1x128xi32, #tpu.memory_space<vmem>>
    %dma_wait3A_169 = tpu.memref_squeeze %dma_wait3A_168 : memref<1x128xi32, #tpu.memory_space<vmem>> -> memref<128xi32, #tpu.memory_space<vmem>>
    %dma_wait3A_170 = arith.constant 0 : i32
    %dma_wait3A_171 = arith.constant 0 : i32
    %dma_wait3A_172 = tpu.memref_slice %arg14[%dma_wait3A_170, %dma_wait3A_171] : memref<10112x16xf32, #tpu.memory_space<vmem_shared>> -> memref<10112x16xf32, #tpu.memory_space<vmem_shared>>
    tpu.wait_indirect_dma semaphore(%arg26 : memref<!tpu.dma_semaphore, #tpu.memory_space<semaphore_mem>>) src(%dma_wait3A_166 : memref<128x16xf32, #tpu.memory_space<vmem>>) dst(%dma_wait3A_172 : memref<10112x16xf32, #tpu.memory_space<vmem_shared>>)
    %dma_wait3A_173 = arith.constant 4 : i32
    %dma_wait3A_174 = arith.constant 76 : i32
    %dma_wait3A_175 = arith.constant 0 : i32
    %dma_wait3A_176 = arith.constant 0 : i32
    %dma_wait3A_177 = tpu.memref_slice %arg11[%dma_wait3A_173, %dma_wait3A_175, %dma_wait3A_176] : memref<6x128x16xf32, #tpu.memory_space<vmem>> -> memref<1x128x16xf32, #tpu.memory_space<vmem>>
    %dma_wait3A_178 = tpu.memref_squeeze %dma_wait3A_177 : memref<1x128x16xf32, #tpu.memory_space<vmem>> -> memref<128x16xf32, #tpu.memory_space<vmem>>
    %dma_wait3A_179 = arith.constant 0 : i32
    %dma_wait3A_180 = tpu.memref_slice %arg10[%dma_wait3A_174, %dma_wait3A_179] : memref<79x128xi32, #tpu.memory_space<vmem>> -> memref<1x128xi32, #tpu.memory_space<vmem>>
    %dma_wait3A_181 = tpu.memref_squeeze %dma_wait3A_180 : memref<1x128xi32, #tpu.memory_space<vmem>> -> memref<128xi32, #tpu.memory_space<vmem>>
    %dma_wait3A_182 = arith.constant 0 : i32
    %dma_wait3A_183 = arith.constant 0 : i32
    %dma_wait3A_184 = tpu.memref_slice %arg14[%dma_wait3A_182, %dma_wait3A_183] : memref<10112x16xf32, #tpu.memory_space<vmem_shared>> -> memref<10112x16xf32, #tpu.memory_space<vmem_shared>>
    tpu.wait_indirect_dma semaphore(%arg27 : memref<!tpu.dma_semaphore, #tpu.memory_space<semaphore_mem>>) src(%dma_wait3A_178 : memref<128x16xf32, #tpu.memory_space<vmem>>) dst(%dma_wait3A_184 : memref<10112x16xf32, #tpu.memory_space<vmem_shared>>)
    %dma_wait3A_185 = arith.constant 5 : i32
    %dma_wait3A_186 = arith.constant 77 : i32
    %dma_wait3A_187 = arith.constant 0 : i32
    %dma_wait3A_188 = arith.constant 0 : i32
    %dma_wait3A_189 = tpu.memref_slice %arg11[%dma_wait3A_185, %dma_wait3A_187, %dma_wait3A_188] : memref<6x128x16xf32, #tpu.memory_space<vmem>> -> memref<1x128x16xf32, #tpu.memory_space<vmem>>
    %dma_wait3A_190 = tpu.memref_squeeze %dma_wait3A_189 : memref<1x128x16xf32, #tpu.memory_space<vmem>> -> memref<128x16xf32, #tpu.memory_space<vmem>>
    %dma_wait3A_191 = arith.constant 0 : i32
    %dma_wait3A_192 = tpu.memref_slice %arg10[%dma_wait3A_186, %dma_wait3A_191] : memref<79x128xi32, #tpu.memory_space<vmem>> -> memref<1x128xi32, #tpu.memory_space<vmem>>
    %dma_wait3A_193 = tpu.memref_squeeze %dma_wait3A_192 : memref<1x128xi32, #tpu.memory_space<vmem>> -> memref<128xi32, #tpu.memory_space<vmem>>
    %dma_wait3A_194 = arith.constant 0 : i32
    %dma_wait3A_195 = arith.constant 0 : i32
    %dma_wait3A_196 = tpu.memref_slice %arg14[%dma_wait3A_194, %dma_wait3A_195] : memref<10112x16xf32, #tpu.memory_space<vmem_shared>> -> memref<10112x16xf32, #tpu.memory_space<vmem_shared>>
    tpu.wait_indirect_dma semaphore(%arg28 : memref<!tpu.dma_semaphore, #tpu.memory_space<semaphore_mem>>) src(%dma_wait3A_190 : memref<128x16xf32, #tpu.memory_space<vmem>>) dst(%dma_wait3A_196 : memref<10112x16xf32, #tpu.memory_space<vmem_shared>>)
    %barrier3A_197 = arith.constant 0 : index
    tpu.barrier barrier_id(%barrier3A_197)
    %mul3A_198 = arith.constant 632 : i32
    %mul3A_199 = arith.muli %arg1, %mul3A_198 : i32
    "tpu.region"() ({
      %run_scoped3A = tpu.sem_alloc : memref<!tpu.dma_semaphore, #tpu.memory_space<semaphore_mem>>
      %dma_start3A_200 = arith.constant 0 : i32
      %dma_start3A_201 = tpu.memref_slice %arg5[%arg0, %mul3A_199, %dma_start3A_200] : memref<2x10112x16xf32, #tpu.memory_space<hbm>> -> memref<1x632x16xf32, #tpu.memory_space<hbm>>
      %dma_start3A_202 = tpu.memref_squeeze %dma_start3A_201 : memref<1x632x16xf32, #tpu.memory_space<hbm>> -> memref<632x16xf32, #tpu.memory_space<hbm>>
      %dma_start3A_203 = arith.constant 0 : i32
      %dma_start3A_204 = tpu.memref_slice %arg14[%mul3A_199, %dma_start3A_203] : memref<10112x16xf32, #tpu.memory_space<vmem_shared>> -> memref<632x16xf32, #tpu.memory_space<vmem_shared>>
      tpu.enqueue_dma source(%dma_start3A_204 : memref<632x16xf32, #tpu.memory_space<vmem_shared>>) target(%dma_start3A_202 : memref<632x16xf32, #tpu.memory_space<hbm>>) target_semaphore(%run_scoped3A : memref<!tpu.dma_semaphore, #tpu.memory_space<semaphore_mem>>)
      %dma_wait3A_205 = arith.constant 0 : i32
      %dma_wait3A_206 = tpu.memref_slice %arg5[%arg0, %mul3A_199, %dma_wait3A_205] : memref<2x10112x16xf32, #tpu.memory_space<hbm>> -> memref<1x632x16xf32, #tpu.memory_space<hbm>>
      %dma_wait3A_207 = tpu.memref_squeeze %dma_wait3A_206 : memref<1x632x16xf32, #tpu.memory_space<hbm>> -> memref<632x16xf32, #tpu.memory_space<hbm>>
      %dma_wait3A_208 = arith.constant 0 : i32
      %dma_wait3A_209 = tpu.memref_slice %arg14[%mul3A_199, %dma_wait3A_208] : memref<10112x16xf32, #tpu.memory_space<vmem_shared>> -> memref<632x16xf32, #tpu.memory_space<vmem_shared>>
      tpu.wait_dma2 semaphore(%run_scoped3A : memref<!tpu.dma_semaphore, #tpu.memory_space<semaphore_mem>>) src(%dma_wait3A_209 : memref<632x16xf32, #tpu.memory_space<vmem_shared>>) dst(%dma_wait3A_207 : memref<632x16xf32, #tpu.memory_space<hbm>>)
      tpu.yield
    }) : () -> ()
    return
  }
}

module attributes {stable_mosaic.version = 14 : i64} {
  func.func @_tc_mm1(%arg0: memref<10000x128xf32, #tpu.memory_space<vmem>>, %arg1: memref<128x16xf32, #tpu.memory_space<vmem>>, %arg2: memref<10000x16xf32, #tpu.memory_space<vmem>>) attributes {dimension_semantics = [], scalar_prefetch = 0 : i64, scratch_operands = 0 : i64, tpu.core_type = #tpu.core_type<tc>} {
    %get3A = arith.constant 0 : index
    %get3A_0 = arith.constant 0 : index
    %get3A_1 = vector.load %arg0[%get3A, %get3A_0] : memref<10000x128xf32, #tpu.memory_space<vmem>>, vector<10000x128xf32>
    %get3A_2 = arith.constant 0 : index
    %get3A_3 = arith.constant 0 : index
    %get3A_4 = vector.load %arg1[%get3A_2, %get3A_3] : memref<128x16xf32, #tpu.memory_space<vmem>>, vector<128x16xf32>
    %dot_general3A = arith.constant dense<0.000000e+00> : vector<10000x16xf32>
    %dot_general3A_5 = tpu.matmul %get3A_1, %get3A_4, %dot_general3A {dimension_numbers = #tpu.dot_dimension_numbers<[1], [0], [0], [1], [0, 0, 1, 1], [], []>, transpose_lhs_hint = false} : vector<10000x128xf32>, vector<128x16xf32>, vector<10000x16xf32> -> vector<10000x16xf32>
    %swap3A = arith.constant 0 : index
    %swap3A_6 = arith.constant 0 : index
    %swap3A_7 = vector.load %arg2[%swap3A, %swap3A_6] : memref<10000x16xf32, #tpu.memory_space<vmem>>, vector<10000x16xf32>
    tpu.vector_store %arg2[%swap3A, %swap3A_6], %dot_general3A_5 {strides = array<i32>} : memref<10000x16xf32, #tpu.memory_space<vmem>>, vector<10000x16xf32>,
    return
  }
}

module attributes {stable_mosaic.version = 14 : i64} {
  func.func @_tc_final(%arg0: memref<2x632x256xf32, #tpu.memory_space<vmem>>, %arg1: memref<256x640xf32, #tpu.memory_space<vmem>>, %arg2: memref<1x640xf32, #tpu.memory_space<vmem>>, %arg3: memref<625x640xf32, #tpu.memory_space<vmem>>) attributes {dimension_semantics = [], scalar_prefetch = 0 : i64, scratch_operands = 0 : i64, tpu.core_type = #tpu.core_type<tc>} {
    %get3A = arith.constant 0 : index
    %get3A_0 = arith.constant 0 : index
    %get3A_1 = arith.constant 0 : index
    %get3A_2 = vector.load %arg0[%get3A, %get3A_0, %get3A_1] : memref<2x632x256xf32, #tpu.memory_space<vmem>>, vector<1x625x256xf32>
    %get3A_3 = vector.shape_cast %get3A_2 : vector<1x625x256xf32> to vector<625x256xf32>
    %get3A_4 = arith.constant 1 : index
    %get3A_5 = arith.constant 0 : index
    %get3A_6 = arith.constant 0 : index
    %get3A_7 = vector.load %arg0[%get3A_4, %get3A_5, %get3A_6] : memref<2x632x256xf32, #tpu.memory_space<vmem>>, vector<1x625x256xf32>
    %get3A_8 = vector.shape_cast %get3A_7 : vector<1x625x256xf32> to vector<625x256xf32>
    %add3A = arith.addf %get3A_3, %get3A_8 : vector<625x256xf32>
    %get3A_9 = arith.constant 0 : index
    %get3A_10 = arith.constant 0 : index
    %get3A_11 = vector.load %arg1[%get3A_9, %get3A_10] : memref<256x640xf32, #tpu.memory_space<vmem>>, vector<256x640xf32>
    %dot_general3A = arith.constant dense<0.000000e+00> : vector<625x640xf32>
    %dot_general3A_12 = tpu.matmul %add3A, %get3A_11, %dot_general3A {dimension_numbers = #tpu.dot_dimension_numbers<[1], [0], [0], [1], [0, 0, 1, 1], [], []>, transpose_lhs_hint = false} : vector<625x256xf32>, vector<256x640xf32>, vector<625x640xf32> -> vector<625x640xf32>
    %get3A_13 = arith.constant 0 : index
    %get3A_14 = arith.constant 0 : index
    %get3A_15 = vector.load %arg2[%get3A_13, %get3A_14] : memref<1x640xf32, #tpu.memory_space<vmem>>, vector<1x640xf32>
    %add3A_16 = vector.broadcast %get3A_15 : vector<1x640xf32> to vector<625x640xf32>
    %add3A_17 = arith.addf %dot_general3A_12, %add3A_16 : vector<625x640xf32>
    %slice3A = vector.extract_strided_slice %add3A_17 {offsets = [0, 0], sizes = [625, 40], strides = [1, 1]} : vector<625x640xf32> to vector<625x40xf32>
    %reduce_max3A = arith.constant dense<0xFF800000> : vector<625xf32>
    %reduce_max3A_18 = vector.multi_reduction <maximumf>, %slice3A, %reduce_max3A [1] : vector<625x40xf32> to vector<625xf32>
    %broadcast_in_dim3A = vector.shape_cast %reduce_max3A_18 : vector<625xf32> to vector<625x1xf32>
    %sub3A = vector.broadcast %broadcast_in_dim3A : vector<625x1xf32> to vector<625x40xf32>
    %sub3A_19 = arith.subf %slice3A, %sub3A : vector<625x40xf32>
    %exp3A = math.exp %sub3A_19 : vector<625x40xf32>
    %reduce_sum3A = arith.constant dense<0.000000e+00> : vector<625xf32>
    %reduce_sum3A_20 = vector.multi_reduction <add>, %exp3A, %reduce_sum3A [1] : vector<625x40xf32> to vector<625xf32>
    %broadcast_in_dim3A_21 = vector.shape_cast %reduce_sum3A_20 : vector<625xf32> to vector<625x1xf32>
    %log3A = math.log %broadcast_in_dim3A_21 : vector<625x1xf32>
    %sub3A_22 = vector.broadcast %broadcast_in_dim3A : vector<625x1xf32> to vector<625x40xf32>
    %sub3A_23 = arith.subf %slice3A, %sub3A_22 : vector<625x40xf32>
    %sub3A_24 = vector.broadcast %log3A : vector<625x1xf32> to vector<625x40xf32>
    %sub3A_25 = arith.subf %sub3A_23, %sub3A_24 : vector<625x40xf32>
    %slice3A_26 = vector.extract_strided_slice %add3A_17 {offsets = [0, 40], sizes = [625, 40], strides = [1, 1]} : vector<625x640xf32> to vector<625x40xf32>
    %reduce_max3A_27 = arith.constant dense<0xFF800000> : vector<625xf32>
    %reduce_max3A_28 = vector.multi_reduction <maximumf>, %slice3A_26, %reduce_max3A_27 [1] : vector<625x40xf32> to vector<625xf32>
    %broadcast_in_dim3A_29 = vector.shape_cast %reduce_max3A_28 : vector<625xf32> to vector<625x1xf32>
    %sub3A_30 = vector.broadcast %broadcast_in_dim3A_29 : vector<625x1xf32> to vector<625x40xf32>
    %sub3A_31 = arith.subf %slice3A_26, %sub3A_30 : vector<625x40xf32>
    %exp3A_32 = math.exp %sub3A_31 : vector<625x40xf32>
    %reduce_sum3A_33 = arith.constant dense<0.000000e+00> : vector<625xf32>
    %reduce_sum3A_34 = vector.multi_reduction <add>, %exp3A_32, %reduce_sum3A_33 [1] : vector<625x40xf32> to vector<625xf32>
    %broadcast_in_dim3A_35 = vector.shape_cast %reduce_sum3A_34 : vector<625xf32> to vector<625x1xf32>
    %log3A_36 = math.log %broadcast_in_dim3A_35 : vector<625x1xf32>
    %sub3A_37 = vector.broadcast %broadcast_in_dim3A_29 : vector<625x1xf32> to vector<625x40xf32>
    %sub3A_38 = arith.subf %slice3A_26, %sub3A_37 : vector<625x40xf32>
    %sub3A_39 = vector.broadcast %log3A_36 : vector<625x1xf32> to vector<625x40xf32>
    %sub3A_40 = arith.subf %sub3A_38, %sub3A_39 : vector<625x40xf32>
    %slice3A_41 = vector.extract_strided_slice %add3A_17 {offsets = [0, 80], sizes = [625, 40], strides = [1, 1]} : vector<625x640xf32> to vector<625x40xf32>
    %reduce_max3A_42 = arith.constant dense<0xFF800000> : vector<625xf32>
    %reduce_max3A_43 = vector.multi_reduction <maximumf>, %slice3A_41, %reduce_max3A_42 [1] : vector<625x40xf32> to vector<625xf32>
    %broadcast_in_dim3A_44 = vector.shape_cast %reduce_max3A_43 : vector<625xf32> to vector<625x1xf32>
    %sub3A_45 = vector.broadcast %broadcast_in_dim3A_44 : vector<625x1xf32> to vector<625x40xf32>
    %sub3A_46 = arith.subf %slice3A_41, %sub3A_45 : vector<625x40xf32>
    %exp3A_47 = math.exp %sub3A_46 : vector<625x40xf32>
    %reduce_sum3A_48 = arith.constant dense<0.000000e+00> : vector<625xf32>
    %reduce_sum3A_49 = vector.multi_reduction <add>, %exp3A_47, %reduce_sum3A_48 [1] : vector<625x40xf32> to vector<625xf32>
    %broadcast_in_dim3A_50 = vector.shape_cast %reduce_sum3A_49 : vector<625xf32> to vector<625x1xf32>
    %log3A_51 = math.log %broadcast_in_dim3A_50 : vector<625x1xf32>
    %sub3A_52 = vector.broadcast %broadcast_in_dim3A_44 : vector<625x1xf32> to vector<625x40xf32>
    %sub3A_53 = arith.subf %slice3A_41, %sub3A_52 : vector<625x40xf32>
    %sub3A_54 = vector.broadcast %log3A_51 : vector<625x1xf32> to vector<625x40xf32>
    %sub3A_55 = arith.subf %sub3A_53, %sub3A_54 : vector<625x40xf32>
    %slice3A_56 = vector.extract_strided_slice %add3A_17 {offsets = [0, 120], sizes = [625, 40], strides = [1, 1]} : vector<625x640xf32> to vector<625x40xf32>
    %reduce_max3A_57 = arith.constant dense<0xFF800000> : vector<625xf32>
    %reduce_max3A_58 = vector.multi_reduction <maximumf>, %slice3A_56, %reduce_max3A_57 [1] : vector<625x40xf32> to vector<625xf32>
    %broadcast_in_dim3A_59 = vector.shape_cast %reduce_max3A_58 : vector<625xf32> to vector<625x1xf32>
    %sub3A_60 = vector.broadcast %broadcast_in_dim3A_59 : vector<625x1xf32> to vector<625x40xf32>
    %sub3A_61 = arith.subf %slice3A_56, %sub3A_60 : vector<625x40xf32>
    %exp3A_62 = math.exp %sub3A_61 : vector<625x40xf32>
    %reduce_sum3A_63 = arith.constant dense<0.000000e+00> : vector<625xf32>
    %reduce_sum3A_64 = vector.multi_reduction <add>, %exp3A_62, %reduce_sum3A_63 [1] : vector<625x40xf32> to vector<625xf32>
    %broadcast_in_dim3A_65 = vector.shape_cast %reduce_sum3A_64 : vector<625xf32> to vector<625x1xf32>
    %log3A_66 = math.log %broadcast_in_dim3A_65 : vector<625x1xf32>
    %sub3A_67 = vector.broadcast %broadcast_in_dim3A_59 : vector<625x1xf32> to vector<625x40xf32>
    %sub3A_68 = arith.subf %slice3A_56, %sub3A_67 : vector<625x40xf32>
    %sub3A_69 = vector.broadcast %log3A_66 : vector<625x1xf32> to vector<625x40xf32>
    %sub3A_70 = arith.subf %sub3A_68, %sub3A_69 : vector<625x40xf32>
    %slice3A_71 = vector.extract_strided_slice %add3A_17 {offsets = [0, 160], sizes = [625, 40], strides = [1, 1]} : vector<625x640xf32> to vector<625x40xf32>
    %reduce_max3A_72 = arith.constant dense<0xFF800000> : vector<625xf32>
    %reduce_max3A_73 = vector.multi_reduction <maximumf>, %slice3A_71, %reduce_max3A_72 [1] : vector<625x40xf32> to vector<625xf32>
    %broadcast_in_dim3A_74 = vector.shape_cast %reduce_max3A_73 : vector<625xf32> to vector<625x1xf32>
    %sub3A_75 = vector.broadcast %broadcast_in_dim3A_74 : vector<625x1xf32> to vector<625x40xf32>
    %sub3A_76 = arith.subf %slice3A_71, %sub3A_75 : vector<625x40xf32>
    %exp3A_77 = math.exp %sub3A_76 : vector<625x40xf32>
    %reduce_sum3A_78 = arith.constant dense<0.000000e+00> : vector<625xf32>
    %reduce_sum3A_79 = vector.multi_reduction <add>, %exp3A_77, %reduce_sum3A_78 [1] : vector<625x40xf32> to vector<625xf32>
    %broadcast_in_dim3A_80 = vector.shape_cast %reduce_sum3A_79 : vector<625xf32> to vector<625x1xf32>
    %log3A_81 = math.log %broadcast_in_dim3A_80 : vector<625x1xf32>
    %sub3A_82 = vector.broadcast %broadcast_in_dim3A_74 : vector<625x1xf32> to vector<625x40xf32>
    %sub3A_83 = arith.subf %slice3A_71, %sub3A_82 : vector<625x40xf32>
    %sub3A_84 = vector.broadcast %log3A_81 : vector<625x1xf32> to vector<625x40xf32>
    %sub3A_85 = arith.subf %sub3A_83, %sub3A_84 : vector<625x40xf32>
    %slice3A_86 = vector.extract_strided_slice %add3A_17 {offsets = [0, 200], sizes = [625, 40], strides = [1, 1]} : vector<625x640xf32> to vector<625x40xf32>
    %reduce_max3A_87 = arith.constant dense<0xFF800000> : vector<625xf32>
    %reduce_max3A_88 = vector.multi_reduction <maximumf>, %slice3A_86, %reduce_max3A_87 [1] : vector<625x40xf32> to vector<625xf32>
    %broadcast_in_dim3A_89 = vector.shape_cast %reduce_max3A_88 : vector<625xf32> to vector<625x1xf32>
    %sub3A_90 = vector.broadcast %broadcast_in_dim3A_89 : vector<625x1xf32> to vector<625x40xf32>
    %sub3A_91 = arith.subf %slice3A_86, %sub3A_90 : vector<625x40xf32>
    %exp3A_92 = math.exp %sub3A_91 : vector<625x40xf32>
    %reduce_sum3A_93 = arith.constant dense<0.000000e+00> : vector<625xf32>
    %reduce_sum3A_94 = vector.multi_reduction <add>, %exp3A_92, %reduce_sum3A_93 [1] : vector<625x40xf32> to vector<625xf32>
    %broadcast_in_dim3A_95 = vector.shape_cast %reduce_sum3A_94 : vector<625xf32> to vector<625x1xf32>
    %log3A_96 = math.log %broadcast_in_dim3A_95 : vector<625x1xf32>
    %sub3A_97 = vector.broadcast %broadcast_in_dim3A_89 : vector<625x1xf32> to vector<625x40xf32>
    %sub3A_98 = arith.subf %slice3A_86, %sub3A_97 : vector<625x40xf32>
    %sub3A_99 = vector.broadcast %log3A_96 : vector<625x1xf32> to vector<625x40xf32>
    %sub3A_100 = arith.subf %sub3A_98, %sub3A_99 : vector<625x40xf32>
    %slice3A_101 = vector.extract_strided_slice %add3A_17 {offsets = [0, 240], sizes = [625, 40], strides = [1, 1]} : vector<625x640xf32> to vector<625x40xf32>
    %reduce_max3A_102 = arith.constant dense<0xFF800000> : vector<625xf32>
    %reduce_max3A_103 = vector.multi_reduction <maximumf>, %slice3A_101, %reduce_max3A_102 [1] : vector<625x40xf32> to vector<625xf32>
    %broadcast_in_dim3A_104 = vector.shape_cast %reduce_max3A_103 : vector<625xf32> to vector<625x1xf32>
    %sub3A_105 = vector.broadcast %broadcast_in_dim3A_104 : vector<625x1xf32> to vector<625x40xf32>
    %sub3A_106 = arith.subf %slice3A_101, %sub3A_105 : vector<625x40xf32>
    %exp3A_107 = math.exp %sub3A_106 : vector<625x40xf32>
    %reduce_sum3A_108 = arith.constant dense<0.000000e+00> : vector<625xf32>
    %reduce_sum3A_109 = vector.multi_reduction <add>, %exp3A_107, %reduce_sum3A_108 [1] : vector<625x40xf32> to vector<625xf32>
    %broadcast_in_dim3A_110 = vector.shape_cast %reduce_sum3A_109 : vector<625xf32> to vector<625x1xf32>
    %log3A_111 = math.log %broadcast_in_dim3A_110 : vector<625x1xf32>
    %sub3A_112 = vector.broadcast %broadcast_in_dim3A_104 : vector<625x1xf32> to vector<625x40xf32>
    %sub3A_113 = arith.subf %slice3A_101, %sub3A_112 : vector<625x40xf32>
    %sub3A_114 = vector.broadcast %log3A_111 : vector<625x1xf32> to vector<625x40xf32>
    %sub3A_115 = arith.subf %sub3A_113, %sub3A_114 : vector<625x40xf32>
    %slice3A_116 = vector.extract_strided_slice %add3A_17 {offsets = [0, 280], sizes = [625, 40], strides = [1, 1]} : vector<625x640xf32> to vector<625x40xf32>
    %reduce_max3A_117 = arith.constant dense<0xFF800000> : vector<625xf32>
    %reduce_max3A_118 = vector.multi_reduction <maximumf>, %slice3A_116, %reduce_max3A_117 [1] : vector<625x40xf32> to vector<625xf32>
    %broadcast_in_dim3A_119 = vector.shape_cast %reduce_max3A_118 : vector<625xf32> to vector<625x1xf32>
    %sub3A_120 = vector.broadcast %broadcast_in_dim3A_119 : vector<625x1xf32> to vector<625x40xf32>
    %sub3A_121 = arith.subf %slice3A_116, %sub3A_120 : vector<625x40xf32>
    %exp3A_122 = math.exp %sub3A_121 : vector<625x40xf32>
    %reduce_sum3A_123 = arith.constant dense<0.000000e+00> : vector<625xf32>
    %reduce_sum3A_124 = vector.multi_reduction <add>, %exp3A_122, %reduce_sum3A_123 [1] : vector<625x40xf32> to vector<625xf32>
    %broadcast_in_dim3A_125 = vector.shape_cast %reduce_sum3A_124 : vector<625xf32> to vector<625x1xf32>
    %log3A_126 = math.log %broadcast_in_dim3A_125 : vector<625x1xf32>
    %sub3A_127 = vector.broadcast %broadcast_in_dim3A_119 : vector<625x1xf32> to vector<625x40xf32>
    %sub3A_128 = arith.subf %slice3A_116, %sub3A_127 : vector<625x40xf32>
    %sub3A_129 = vector.broadcast %log3A_126 : vector<625x1xf32> to vector<625x40xf32>
    %sub3A_130 = arith.subf %sub3A_128, %sub3A_129 : vector<625x40xf32>
    %slice3A_131 = vector.extract_strided_slice %add3A_17 {offsets = [0, 320], sizes = [625, 40], strides = [1, 1]} : vector<625x640xf32> to vector<625x40xf32>
    %reduce_max3A_132 = arith.constant dense<0xFF800000> : vector<625xf32>
    %reduce_max3A_133 = vector.multi_reduction <maximumf>, %slice3A_131, %reduce_max3A_132 [1] : vector<625x40xf32> to vector<625xf32>
    %broadcast_in_dim3A_134 = vector.shape_cast %reduce_max3A_133 : vector<625xf32> to vector<625x1xf32>
    %sub3A_135 = vector.broadcast %broadcast_in_dim3A_134 : vector<625x1xf32> to vector<625x40xf32>
    %sub3A_136 = arith.subf %slice3A_131, %sub3A_135 : vector<625x40xf32>
    %exp3A_137 = math.exp %sub3A_136 : vector<625x40xf32>
    %reduce_sum3A_138 = arith.constant dense<0.000000e+00> : vector<625xf32>
    %reduce_sum3A_139 = vector.multi_reduction <add>, %exp3A_137, %reduce_sum3A_138 [1] : vector<625x40xf32> to vector<625xf32>
    %broadcast_in_dim3A_140 = vector.shape_cast %reduce_sum3A_139 : vector<625xf32> to vector<625x1xf32>
    %log3A_141 = math.log %broadcast_in_dim3A_140 : vector<625x1xf32>
    %sub3A_142 = vector.broadcast %broadcast_in_dim3A_134 : vector<625x1xf32> to vector<625x40xf32>
    %sub3A_143 = arith.subf %slice3A_131, %sub3A_142 : vector<625x40xf32>
    %sub3A_144 = vector.broadcast %log3A_141 : vector<625x1xf32> to vector<625x40xf32>
    %sub3A_145 = arith.subf %sub3A_143, %sub3A_144 : vector<625x40xf32>
    %slice3A_146 = vector.extract_strided_slice %add3A_17 {offsets = [0, 360], sizes = [625, 40], strides = [1, 1]} : vector<625x640xf32> to vector<625x40xf32>
    %reduce_max3A_147 = arith.constant dense<0xFF800000> : vector<625xf32>
    %reduce_max3A_148 = vector.multi_reduction <maximumf>, %slice3A_146, %reduce_max3A_147 [1] : vector<625x40xf32> to vector<625xf32>
    %broadcast_in_dim3A_149 = vector.shape_cast %reduce_max3A_148 : vector<625xf32> to vector<625x1xf32>
    %sub3A_150 = vector.broadcast %broadcast_in_dim3A_149 : vector<625x1xf32> to vector<625x40xf32>
    %sub3A_151 = arith.subf %slice3A_146, %sub3A_150 : vector<625x40xf32>
    %exp3A_152 = math.exp %sub3A_151 : vector<625x40xf32>
    %reduce_sum3A_153 = arith.constant dense<0.000000e+00> : vector<625xf32>
    %reduce_sum3A_154 = vector.multi_reduction <add>, %exp3A_152, %reduce_sum3A_153 [1] : vector<625x40xf32> to vector<625xf32>
    %broadcast_in_dim3A_155 = vector.shape_cast %reduce_sum3A_154 : vector<625xf32> to vector<625x1xf32>
    %log3A_156 = math.log %broadcast_in_dim3A_155 : vector<625x1xf32>
    %sub3A_157 = vector.broadcast %broadcast_in_dim3A_149 : vector<625x1xf32> to vector<625x40xf32>
    %sub3A_158 = arith.subf %slice3A_146, %sub3A_157 : vector<625x40xf32>
    %sub3A_159 = vector.broadcast %log3A_156 : vector<625x1xf32> to vector<625x40xf32>
    %sub3A_160 = arith.subf %sub3A_158, %sub3A_159 : vector<625x40xf32>
    %slice3A_161 = vector.extract_strided_slice %add3A_17 {offsets = [0, 400], sizes = [625, 40], strides = [1, 1]} : vector<625x640xf32> to vector<625x40xf32>
    %reduce_max3A_162 = arith.constant dense<0xFF800000> : vector<625xf32>
    %reduce_max3A_163 = vector.multi_reduction <maximumf>, %slice3A_161, %reduce_max3A_162 [1] : vector<625x40xf32> to vector<625xf32>
    %broadcast_in_dim3A_164 = vector.shape_cast %reduce_max3A_163 : vector<625xf32> to vector<625x1xf32>
    %sub3A_165 = vector.broadcast %broadcast_in_dim3A_164 : vector<625x1xf32> to vector<625x40xf32>
    %sub3A_166 = arith.subf %slice3A_161, %sub3A_165 : vector<625x40xf32>
    %exp3A_167 = math.exp %sub3A_166 : vector<625x40xf32>
    %reduce_sum3A_168 = arith.constant dense<0.000000e+00> : vector<625xf32>
    %reduce_sum3A_169 = vector.multi_reduction <add>, %exp3A_167, %reduce_sum3A_168 [1] : vector<625x40xf32> to vector<625xf32>
    %broadcast_in_dim3A_170 = vector.shape_cast %reduce_sum3A_169 : vector<625xf32> to vector<625x1xf32>
    %log3A_171 = math.log %broadcast_in_dim3A_170 : vector<625x1xf32>
    %sub3A_172 = vector.broadcast %broadcast_in_dim3A_164 : vector<625x1xf32> to vector<625x40xf32>
    %sub3A_173 = arith.subf %slice3A_161, %sub3A_172 : vector<625x40xf32>
    %sub3A_174 = vector.broadcast %log3A_171 : vector<625x1xf32> to vector<625x40xf32>
    %sub3A_175 = arith.subf %sub3A_173, %sub3A_174 : vector<625x40xf32>
    %slice3A_176 = vector.extract_strided_slice %add3A_17 {offsets = [0, 440], sizes = [625, 40], strides = [1, 1]} : vector<625x640xf32> to vector<625x40xf32>
    %reduce_max3A_177 = arith.constant dense<0xFF800000> : vector<625xf32>
    %reduce_max3A_178 = vector.multi_reduction <maximumf>, %slice3A_176, %reduce_max3A_177 [1] : vector<625x40xf32> to vector<625xf32>
    %broadcast_in_dim3A_179 = vector.shape_cast %reduce_max3A_178 : vector<625xf32> to vector<625x1xf32>
    %sub3A_180 = vector.broadcast %broadcast_in_dim3A_179 : vector<625x1xf32> to vector<625x40xf32>
    %sub3A_181 = arith.subf %slice3A_176, %sub3A_180 : vector<625x40xf32>
    %exp3A_182 = math.exp %sub3A_181 : vector<625x40xf32>
    %reduce_sum3A_183 = arith.constant dense<0.000000e+00> : vector<625xf32>
    %reduce_sum3A_184 = vector.multi_reduction <add>, %exp3A_182, %reduce_sum3A_183 [1] : vector<625x40xf32> to vector<625xf32>
    %broadcast_in_dim3A_185 = vector.shape_cast %reduce_sum3A_184 : vector<625xf32> to vector<625x1xf32>
    %log3A_186 = math.log %broadcast_in_dim3A_185 : vector<625x1xf32>
    %sub3A_187 = vector.broadcast %broadcast_in_dim3A_179 : vector<625x1xf32> to vector<625x40xf32>
    %sub3A_188 = arith.subf %slice3A_176, %sub3A_187 : vector<625x40xf32>
    %sub3A_189 = vector.broadcast %log3A_186 : vector<625x1xf32> to vector<625x40xf32>
    %sub3A_190 = arith.subf %sub3A_188, %sub3A_189 : vector<625x40xf32>
    %slice3A_191 = vector.extract_strided_slice %add3A_17 {offsets = [0, 480], sizes = [625, 40], strides = [1, 1]} : vector<625x640xf32> to vector<625x40xf32>
    %reduce_max3A_192 = arith.constant dense<0xFF800000> : vector<625xf32>
    %reduce_max3A_193 = vector.multi_reduction <maximumf>, %slice3A_191, %reduce_max3A_192 [1] : vector<625x40xf32> to vector<625xf32>
    %broadcast_in_dim3A_194 = vector.shape_cast %reduce_max3A_193 : vector<625xf32> to vector<625x1xf32>
    %sub3A_195 = vector.broadcast %broadcast_in_dim3A_194 : vector<625x1xf32> to vector<625x40xf32>
    %sub3A_196 = arith.subf %slice3A_191, %sub3A_195 : vector<625x40xf32>
    %exp3A_197 = math.exp %sub3A_196 : vector<625x40xf32>
    %reduce_sum3A_198 = arith.constant dense<0.000000e+00> : vector<625xf32>
    %reduce_sum3A_199 = vector.multi_reduction <add>, %exp3A_197, %reduce_sum3A_198 [1] : vector<625x40xf32> to vector<625xf32>
    %broadcast_in_dim3A_200 = vector.shape_cast %reduce_sum3A_199 : vector<625xf32> to vector<625x1xf32>
    %log3A_201 = math.log %broadcast_in_dim3A_200 : vector<625x1xf32>
    %sub3A_202 = vector.broadcast %broadcast_in_dim3A_194 : vector<625x1xf32> to vector<625x40xf32>
    %sub3A_203 = arith.subf %slice3A_191, %sub3A_202 : vector<625x40xf32>
    %sub3A_204 = vector.broadcast %log3A_201 : vector<625x1xf32> to vector<625x40xf32>
    %sub3A_205 = arith.subf %sub3A_203, %sub3A_204 : vector<625x40xf32>
    %slice3A_206 = vector.extract_strided_slice %add3A_17 {offsets = [0, 520], sizes = [625, 40], strides = [1, 1]} : vector<625x640xf32> to vector<625x40xf32>
    %reduce_max3A_207 = arith.constant dense<0xFF800000> : vector<625xf32>
    %reduce_max3A_208 = vector.multi_reduction <maximumf>, %slice3A_206, %reduce_max3A_207 [1] : vector<625x40xf32> to vector<625xf32>
    %broadcast_in_dim3A_209 = vector.shape_cast %reduce_max3A_208 : vector<625xf32> to vector<625x1xf32>
    %sub3A_210 = vector.broadcast %broadcast_in_dim3A_209 : vector<625x1xf32> to vector<625x40xf32>
    %sub3A_211 = arith.subf %slice3A_206, %sub3A_210 : vector<625x40xf32>
    %exp3A_212 = math.exp %sub3A_211 : vector<625x40xf32>
    %reduce_sum3A_213 = arith.constant dense<0.000000e+00> : vector<625xf32>
    %reduce_sum3A_214 = vector.multi_reduction <add>, %exp3A_212, %reduce_sum3A_213 [1] : vector<625x40xf32> to vector<625xf32>
    %broadcast_in_dim3A_215 = vector.shape_cast %reduce_sum3A_214 : vector<625xf32> to vector<625x1xf32>
    %log3A_216 = math.log %broadcast_in_dim3A_215 : vector<625x1xf32>
    %sub3A_217 = vector.broadcast %broadcast_in_dim3A_209 : vector<625x1xf32> to vector<625x40xf32>
    %sub3A_218 = arith.subf %slice3A_206, %sub3A_217 : vector<625x40xf32>
    %sub3A_219 = vector.broadcast %log3A_216 : vector<625x1xf32> to vector<625x40xf32>
    %sub3A_220 = arith.subf %sub3A_218, %sub3A_219 : vector<625x40xf32>
    %slice3A_221 = vector.extract_strided_slice %add3A_17 {offsets = [0, 560], sizes = [625, 40], strides = [1, 1]} : vector<625x640xf32> to vector<625x40xf32>
    %reduce_max3A_222 = arith.constant dense<0xFF800000> : vector<625xf32>
    %reduce_max3A_223 = vector.multi_reduction <maximumf>, %slice3A_221, %reduce_max3A_222 [1] : vector<625x40xf32> to vector<625xf32>
    %broadcast_in_dim3A_224 = vector.shape_cast %reduce_max3A_223 : vector<625xf32> to vector<625x1xf32>
    %sub3A_225 = vector.broadcast %broadcast_in_dim3A_224 : vector<625x1xf32> to vector<625x40xf32>
    %sub3A_226 = arith.subf %slice3A_221, %sub3A_225 : vector<625x40xf32>
    %exp3A_227 = math.exp %sub3A_226 : vector<625x40xf32>
    %reduce_sum3A_228 = arith.constant dense<0.000000e+00> : vector<625xf32>
    %reduce_sum3A_229 = vector.multi_reduction <add>, %exp3A_227, %reduce_sum3A_228 [1] : vector<625x40xf32> to vector<625xf32>
    %broadcast_in_dim3A_230 = vector.shape_cast %reduce_sum3A_229 : vector<625xf32> to vector<625x1xf32>
    %log3A_231 = math.log %broadcast_in_dim3A_230 : vector<625x1xf32>
    %sub3A_232 = vector.broadcast %broadcast_in_dim3A_224 : vector<625x1xf32> to vector<625x40xf32>
    %sub3A_233 = arith.subf %slice3A_221, %sub3A_232 : vector<625x40xf32>
    %sub3A_234 = vector.broadcast %log3A_231 : vector<625x1xf32> to vector<625x40xf32>
    %sub3A_235 = arith.subf %sub3A_233, %sub3A_234 : vector<625x40xf32>
    %slice3A_236 = vector.extract_strided_slice %add3A_17 {offsets = [0, 600], sizes = [625, 40], strides = [1, 1]} : vector<625x640xf32> to vector<625x40xf32>
    %reduce_max3A_237 = arith.constant dense<0xFF800000> : vector<625xf32>
    %reduce_max3A_238 = vector.multi_reduction <maximumf>, %slice3A_236, %reduce_max3A_237 [1] : vector<625x40xf32> to vector<625xf32>
    %broadcast_in_dim3A_239 = vector.shape_cast %reduce_max3A_238 : vector<625xf32> to vector<625x1xf32>
    %sub3A_240 = vector.broadcast %broadcast_in_dim3A_239 : vector<625x1xf32> to vector<625x40xf32>
    %sub3A_241 = arith.subf %slice3A_236, %sub3A_240 : vector<625x40xf32>
    %exp3A_242 = math.exp %sub3A_241 : vector<625x40xf32>
    %reduce_sum3A_243 = arith.constant dense<0.000000e+00> : vector<625xf32>
    %reduce_sum3A_244 = vector.multi_reduction <add>, %exp3A_242, %reduce_sum3A_243 [1] : vector<625x40xf32> to vector<625xf32>
    %broadcast_in_dim3A_245 = vector.shape_cast %reduce_sum3A_244 : vector<625xf32> to vector<625x1xf32>
    %log3A_246 = math.log %broadcast_in_dim3A_245 : vector<625x1xf32>
    %sub3A_247 = vector.broadcast %broadcast_in_dim3A_239 : vector<625x1xf32> to vector<625x40xf32>
    %sub3A_248 = arith.subf %slice3A_236, %sub3A_247 : vector<625x40xf32>
    %sub3A_249 = vector.broadcast %log3A_246 : vector<625x1xf32> to vector<625x40xf32>
    %sub3A_250 = arith.subf %sub3A_248, %sub3A_249 : vector<625x40xf32>
    %concatenate3A = tpu.concatenate %sub3A_25, %sub3A_40, %sub3A_55, %sub3A_70, %sub3A_85, %sub3A_100, %sub3A_115, %sub3A_130, %sub3A_145, %sub3A_160, %sub3A_175, %sub3A_190, %sub3A_205, %sub3A_220, %sub3A_235, %sub3A_250 in 1 : vector<625x40xf32>, vector<625x40xf32>, vector<625x40xf32>, vector<625x40xf32>, vector<625x40xf32>, vector<625x40xf32>, vector<625x40xf32>, vector<625x40xf32>, vector<625x40xf32>, vector<625x40xf32>, vector<625x40xf32>, vector<625x40xf32>, vector<625x40xf32>, vector<625x40xf32>, vector<625x40xf32>, vector<625x40xf32> -> vector<625x640xf32>
    %swap3A = arith.constant 0 : index
    %swap3A_251 = arith.constant 0 : index
    %swap3A_252 = vector.load %arg3[%swap3A, %swap3A_251] : memref<625x640xf32, #tpu.memory_space<vmem>>, vector<625x640xf32>
    tpu.vector_store %arg3[%swap3A, %swap3A_251], %concatenate3A {strides = array<i32>} : memref<625x640xf32, #tpu.memory_space<vmem>>, vector<625x640xf32>,
    return
  }
}

</mosaic_0001>

<sc_bundles>
// kernel: kernel.6.cloned.1.call-start
scs
__scs_entry_jumppad:
0x0: {  	(pc) =	sbr.rel $0x88, $3  }
0x1: {  	(tag) =	ssettag $0x0;
	lr =	simm.s32 $0x1  }
0x2: {  	[smem:$0x3F9B] =	sst lr;
	_ =	strace $0xD0000000  }
0x3: {  	_ = 	snop  }
0x4: {  	_ = 	snop  }
0x5: {  	_ = 	snop  }
0x6: {  	_ = 	snop  }
0x7: {  	_ = 	snop  }
__scs_overlays_trampoline_lowered:
0x8: {  	[smem:$0x3FAA] =	sst s0  }
0x9: {  	[smem:$0x3FAB] =	sst s1  }
0xa: {  	[smem:$0x3FAC] =	sst s2  }
0xb: {  	[smem:$0x3FAD] =	sst s3  }
0xc: {  	[smem:$0x3FAE] =	sst s4  }
0xd: {  	[smem:$0x3FAF] =	sst s5  }
0xe: {  	[smem:$0x3FB0] =	sst s6  }
0xf: {  	[smem:$0x3FB1] =	sst s7  }
0x10: {  	[smem:$0x3FB2] =	sst s8  }
0x11: {  	[smem:$0x3FB3] =	sst s9;
	s0 =	simm.s32 @!p0 $0x0  }
0x12: {  	s1 =	sld [smem:$0x3F99];
	s0 =	simm.s32 @p0 $0x1  }
0x13: {  	[smem:$0x3FB4] =	sst s0;
	s0 =	simm.s32 @!p1 $0x0  }
0x14: {  	s2 =	sld [smem:$0x3F98];
	s0 =	simm.s32 @p1 $0x1  }
0x15: {  	[smem:$0x3FB5] =	sst s0;
	s0 =	simm.s32 @!p2 $0x0  }
0x16: {  	s3 =	sld [smem:$0x3FDB];
	s0 =	simm.s32 @p2 $0x1  }
0x17: {  	s4 =	simm.s32 $0x1BF5;
	[smem:$0x3FB7] =	sst s0  }
0x18: {  	s0 =	sld [smem:$0x3F9A];
	_ =	swait.ge [sflag:s4], $0x0  }
0x19: {  	s7 =	sld [smem:$0x3F9B]  }
0x1a: {  	s8 =	sadd.s32 $0xFFFFE003, lr  }
0x1b: {  	s9 =	sadd.s32 $0xFFFFFEF7, lr;
	s5 =	simm.s32 $0xFFFFFFFF;
	p2 =	slt.u32 s8, $0xFFFFF086  }
0x1c: {  	p1 =	slt.u32 s9, $0xF7A;
	s5 =	simm.s32 @!p2 $0x0  }
0x1d: {  	s5 =	simm.s32 @p1 $0x1;
	p0 =	seq.s32 s7, s2  }
0x1e: {  	s7 =	smul.u32 @!p0 $0xF7A, s2;
	p2 =	seq.s32 @!p0 s5, $0x0  }
0x1f: {  	s9 =	smul.u32 $0xF7A, s1;
	s8 =	simm.s32 @!p0 $0x1BF5;
	p2 =	por !p2, p0  }
0x20: {  	[sflag:s8] =	ssyncset.s32 @!p0 $0xFFFFF086;
	s6 =	sadd.s32 @!p0 s3, s7;
	s7 =	simm.s32 @!p0 $0x108  }
0x21: {  	s3 =	sadd.s32 s3, s9;
	s6 =	sadd.s32 @!p0 $0x88, s6;
	s7 =	simm.s32 @p2 $0x1082  }
0x22: {  	[simem:s7], [sflag:s8] =	dma.local @!p0 [hbm:s6], $0xF7A  }
0x23: {  	s9 =	sor.u32 $0xD0000000, s2;
	s6 =	simm.s32 $0x108;
	_ =	swait.ge @!p0 [sflag:s8], $0x0  }
0x24: {  	s3 =	sadd.s32 $0x88, s3;
	s6 =	simm.s32 @!p1 $0x1082;
	[sflag:s4] =	ssyncset.s32 $0xFFFFF086  }
0x25: {  	[simem:s6], [sflag:s4] =	dma.local [hbm:s3], $0xF7A  }
0x26: {  	[smem:$0x3F9B] =	sst s1;
	(tag) =	ssettag s2;
	_ =	strace s9  }
0x27: {  	s1 =	sld [smem:$0x3FAB]  }
0x28: {  	s2 =	sld [smem:$0x3FAC]  }
0x29: {  	s4 =	sld [smem:$0x3FAE]  }
0x2a: {  	p0 =	seq.s32 s5, $0x0;
	s5 =	sld [smem:$0x3FAF]  }
0x2b: {  	s6 =	sld [smem:$0x3FB0]  }
0x2c: {  	s7 =	sld [smem:$0x3FB1]  }
0x2d: {  	s3 =	simm.s32 $0x108;
	s8 =	sld [smem:$0x3FB2]  }
0x2e: {  	s3 =	simm.s32 @!p0 $0x1082;
	s9 =	sld [smem:$0x3FB3]  }
0x2f: {  	lr =	sadd.s32 s0, s3;
	s0 =	sld [smem:$0x3FAA]  }
0x30: {  	s3 =	sld [smem:$0x3FAD]  }
0x31: {  	[smem:$0x3FB6] =	sst s10  }
0x32: {  	s10 =	sld [smem:$0x3FB4];
	_ =	sdelay $0x3  }
0x33: {  	p0 =	seq.s32 s10, $0x1;
	s10 =	sld [smem:$0x3FB6];
	_ =	sdelay $0x3  }
0x34: {  	[smem:$0x3FB6] =	sst s10  }
0x35: {  	s10 =	sld [smem:$0x3FB5];
	_ =	sdelay $0x3  }
0x36: {  	p1 =	seq.s32 s10, $0x1;
	s10 =	sld [smem:$0x3FB6];
	_ =	sdelay $0x3  }
0x37: {  	[smem:$0x3FB6] =	sst s10  }
0x38: {  	s10 =	sld [smem:$0x3FB7]  }
0x39: {  	_ = 	snop;
	(pc) =	sbr.ind lr, $3  }
0x3a: {  	_ = 	snop  }
0x3b: {  	_ = 	snop  }
0x3c: {  	p2 =	seq.s32 s10, $0x1;
	s10 =	sld [smem:$0x3FB6]  }
0x3d: {  	_ =	shalt  }
0x3e: {  	_ =	shalt  }
0x3f: {  	_ =	shalt  }
0x40: {  	_ =	shalt  }
0x41: {  	_ =	shalt  }
0x42: {  	_ =	shalt  }
0x43: {  	_ =	shalt  }
0x44: {  	_ =	shalt  }
0x45: {  	_ =	shalt  }
0x46: {  	_ =	shalt  }
0x47: {  	_ =	shalt  }
0x48: {  	_ =	shalt  }
0x49: {  	_ =	shalt  }
0x4a: {  	_ =	shalt  }
0x4b: {  	_ =	shalt  }
0x4c: {  	_ =	shalt  }
0x4d: {  	_ =	shalt  }
0x4e: {  	_ =	shalt  }
0x4f: {  	_ =	shalt  }
0x50: {  	_ =	shalt  }
0x51: {  	_ =	shalt  }
0x52: {  	_ =	shalt  }
0x53: {  	_ =	shalt  }
0x54: {  	_ =	shalt  }
0x55: {  	_ =	shalt  }
0x56: {  	_ =	shalt  }
0x57: {  	_ =	shalt  }
0x58: {  	_ =	shalt  }
0x59: {  	_ =	shalt  }
0x5a: {  	_ =	shalt  }
0x5b: {  	_ =	shalt  }
0x5c: {  	_ =	shalt  }
0x5d: {  	_ =	shalt  }
0x5e: {  	_ =	shalt  }
0x5f: {  	_ =	shalt  }
0x60: {  	_ =	shalt  }
0x61: {  	_ =	shalt  }
0x62: {  	_ =	shalt  }
0x63: {  	_ =	shalt  }
0x64: {  	_ =	shalt  }
0x65: {  	_ =	shalt  }
0x66: {  	_ =	shalt  }
0x67: {  	_ =	shalt  }
0x68: {  	_ =	shalt  }
0x69: {  	_ =	shalt  }
0x6a: {  	_ =	shalt  }
0x6b: {  	_ =	shalt  }
0x6c: {  	_ =	shalt  }
0x6d: {  	_ =	shalt  }
0x6e: {  	_ =	shalt  }
0x6f: {  	_ =	shalt  }
0x70: {  	_ =	shalt  }
0x71: {  	_ =	shalt  }
0x72: {  	_ =	shalt  }
0x73: {  	_ =	shalt  }
0x74: {  	_ =	shalt  }
0x75: {  	_ =	shalt  }
0x76: {  	_ =	shalt  }
0x77: {  	_ =	shalt  }
0x78: {  	_ =	shalt  }
0x79: {  	_ =	shalt  }
0x7a: {  	_ =	shalt  }
0x7b: {  	_ =	shalt  }
0x7c: {  	_ =	shalt  }
0x7d: {  	_ =	shalt  }
0x7e: {  	_ =	shalt  }
0x7f: {  	_ =	shalt  }
0x80: {  	_ =	shalt  }
0x81: {  	_ =	shalt  }
0x82: {  	_ =	shalt  }
0x83: {  	_ =	shalt  }
0x84: {  	_ =	shalt  }
0x85: {  	_ =	shalt  }
0x86: {  	_ =	shalt  }
0x87: {  	_ =	shalt  }
.Lfunc_end0:
.L_simem_size_0:
called_computation_lowered:
.L_overlay_start_0:
0x88: {  	s2 =	sld [smem:$0x3FD9]  }
0x89: {  	s3 =	sld [smem:$0x3FFE];
	_ =	sdelay $0x1  }
0x8a: {  	s1 =	srdreg.scid  }
0x8b: {  	s0 =	sand.u32 $0x1, s1  }
0x8c: {  	s17 =	sshll.u32 s0, $0xA;
	s2 =	sadd.s32 s3, s2  }
0x8d: {  	s2 =	sadd.s32 s2, s17  }
0x8e: {  	[smem:$0x3FC2] =	sst s2  }
0x8f: {  	_ = 	snop  }
0x90: {  	s2 =	sld [smem:$0x3FD0];
	(tm) =	ssettm $0x1  }
0x91: {  	s18 =	sld [smem:$0x3FFB];
	_ =	sdelay $0x3  }
0x92: {  	_ =	strace s18  }
0x93: {  	s3 =	sld [smem:$0x3FFC];
	_ =	sdelay $0x3  }
0x94: {  	_ =	strace s3  }
0x95: {  	s3 =	sld [smem:$0x3FFD];
	_ =	sdelay $0x3  }
0x96: {  	_ =	strace s3  }
0x97: {  	_ =	strace $0x8FFFFFFF  }
0x98: {  	s19 =	sld [smem:$0x3FDB];
	_ =	sdelay $0x1  }
0x99: {  	s4 =	simm.s32 $_scs_section_size  }
0x9a: {  	s5 =	simm.s32 $_size__tile_overlayer_lowered;
	s6 =	simm.s32 $_tile_overlayer_lowered  }
0x9b: {  	s22 =	simm.s32 $0x1BFF;
	s21 =	sshll.u32 s6, $0x1;
	s3 =	sadd.s32 s4, s19  }
0x9c: {  	s7 =	simm.s32 $0x0;
	s20 =	sshll.u32 s5, $0x1;
	s5 =	sadd.s32 s21, s3  }
0x9d: {  	[timem:s7], [sflag:s22] =	dma.local [hbm:s5], s20  }
0x9e: {  	_ =	swait.ge [sflag:s22], s20  }
0x9f: {  	s4 =	ssub.s32 $0x0, s20;
	[sflag:s22] =	ssyncset.done $0x0  }
0xa0: {  	[sflag:s22] =	ssyncadd.s32 s4;
	_ =	sdelay $0x1  }
0xa1: {  	s23 =	simm.s32 $0x1B8B  }
0xa2: {  	_ =	swait.ge [sflag:s23], $0x1  }
0xa3: {  	[sflag:s23] =	ssyncset.done $0x0  }
0xa4: {  	s25 =	simm.s32 $0x1B8E;
	s24 =	sld [smem:$0x3FFE];
	[sflag:s23] =	ssyncadd.s32 $0xFFFFFFFF  }
0xa5: {  	s26 =	simm.s32 $execute0_lowered;
	[smem:$0x3FD2] =	sst s25  }
0xa6: {  	s5 =	sshll.u32 s26, $0x1;
	_ =	strace $0x80000046;
	[dreg:$0x1] =	wrdreg $0xFFFFFFFF  }
0xa7: {  	s28 =	simm.s32 $_size_execute0_lowered;
	s3 =	sadd.s32 s3, s5;
	[dreg:$0x0] =	wrdreg $0x0  }
0xa8: {  	s5 =	sshll.u32 s28, $0x1;
	[dreg:$0x2] =	wrdreg s3  }
0xa9: {  	[dreg:$0x3] =	wrdreg s5  }
0xaa: {  	[dreg:$0x4] =	wrdreg $0xC0  }
0xab: {  	_ =	task [dreg:s7], $0x5FFFF  }
0xac: {  	[dreg:$0x1] =	wrdreg $0xFFFFFFFF  }
0xad: {  	[dreg:$0x0] =	wrdreg $0x60  }
0xae: {  	[dreg:$0x2] =	wrdreg s2  }
0xaf: {  	[dreg:$0x3] =	wrdreg s24  }
0xb0: {  	[dreg:$0x4] =	wrdreg $0xA6800  }
0xb1: {  	[dreg:$0x5] =	wrdreg $0xCE000  }
0xb2: {  	[dreg:$0x6] =	wrdreg $0x9  }
0xb3: {  	_ =	task.clear_ibuf [dreg:s7], $0x7FFFF;
	_ =	strace $0x90000046  }
0xb4: {  	s29 =	simm.s32 $0x9;
	_ =	strace $0x80000048  }
0xb5: {  	_ =	swait.ge [sflag:s29], $0x1  }
0xb6: {  	[sflag:s29] =	ssyncadd.s32 $0xFFFFFFFF  }
0xb7: {  	_ =	strace $0x90000048  }
0xb8: {  	_ =	sfence  }
0xb9: {  	s30 =	sld [smem:$0x0];
	_ =	sdelay $0x2  }
0xba: {  	s31 =	sshll.u32 s1, $0xD;
	s1 =	sshrl.u32 s1, $0x2  }
0xbb: {  	s3 =	sand.u32 $0x4000, s31;
	s1 =	sadd.s32 s1, s30  }
0xbc: {  	s0 =	sor.u32 s3, s0;
	s1 =	sshll.u32 s1, $0x11  }
0xbd: {  	s0 =	sor.u32 s1, s0  }
0xbe: {  	s0 =	sadd.s32 $0x8F2B, s0  }
0xbf: {  	[sflag:s0] =	ssyncadd.remote.s32 $0x1  }
0xc0: {  	_ =	sfence.sel $0xFFFF  }
0xc1: {  	[dreg:$0x0] =	wrdreg $0xFFFFFFFF;
	(pc) =	sbr.abs _section_cstart, $3  }
0xc2: {  	[dreg:$0x1] =	wrdreg $0xFFFFFFFF  }
0xc3: {  	_ =	task.clear_ibuf [dreg:s7], $0x2FFFF;
	_ =	strace $0x9FFFFFFF  }
0xc4: {  	(tm) =	ssettm $0x7FFFFFFF  }
0xc5: {  	_ =	shalt  }
tec
execute0_lowered:
.L_overlay_start_1:
0x0: {  	(tag) =	ssettag $0x1  }
0x1: {  	s0 =	rddreg [dreg:$0x0];
	s1 =	srdreg.scid  }
0x2: {  	s11 =	stileid.u32;
	s5 =	rddreg [dreg:$0x1]  }
0x3: {  	s2 =	rddreg [dreg:$0x2];
	s4 =	simm.s32 $0x0;
	s15 =	simm.s32 $0xF  }
0x4: {  	s17 =	simm.s32 $0x80;
	s18 =	simm.s32 $0x4F00;
	s19 =	simm.s32 $0x5700  }
0x5: {  	s28 =	simm.s32 $0x6F00;
	s29 =	simm.s32 $0x4;
	s30 =	simm.s32 $0xA  }
0x6: {  	s14 =	simm.s32 $0x7;
	s31 =	simm.s32 $0xC;
	s1 =	sand.u32 $0x1, s1  }
0x7: {  	s3 =	sshll.u32 s11, $0x1;
	s8 =	smul.u32 $0x2780, s11;
	[smem:$0x7FF] =	sst s4  }
0x8: {  	s10 =	smul.u32 $0x2710, s11;
	s25 =	sshll.u32 s11, $0x6;
	p0 =	sgt.u32 s11, $0x1  }
0x9: {  	s6 =	sor.u32 s1, s3;
	s3 =	rddreg [dreg:$0x3];
	s9 =	smul.u32 $0x27800, s1  }
0xa: {  	_ =	strace $0x80000047;
	s1 =	ssub.s32 $0x2, s1;
	[dreg:$0x8] =	wrdreg s25  }
0xb: {  	s7 =	smul.u32 $0x4E, s6;
	s6 =	smin.u32 s6, $0x4;
	s21 =	sshrl.u32 s1, $0x1  }
0xc: {  	s22 =	sshrl.u32 s10, $0x3;
	s10 =	sadd.s32 s10, s2;
	s20 =	sadd.s32 s8, s9  }
0xd: {  	s1 =	ssub.s32 s1, s21;
	s0 =	sadd.s32 s0, s22;
	s8 =	sadd.s32 s8, s3  }
0xe: {  	s26 =	sshrl.u32 s10, $0x3;
	s21 =	simm.s32 $0x5F00;
	s22 =	simm.s32 $0x8  }
0xf: {  	s9 =	simm.s32 $0xE;
	s6 =	sadd.s32 s6, s7;
	s7 =	sshrl.u32 s20, $0x3  }
0x10: {  	[dreg:$0x5] =	wrdreg s0;
	s24 =	smax.u32 s1, $0x1;
	s0 =	sor.u32 $0x1C01, s25  }
0x11: {  	[dreg:$0xa] =	wrdreg s26;
	s1 =	simm.s32 $0x7700;
	s20 =	simm.s32 $0x9  }
.Ltmp0:
0x12: {  	s26 =	simm.s32 $0xB;
	[dreg:$0x7] =	wrdreg s24;
	(pc) =	sbr.rel .LBB2_1-.Ltmp0, $4  }
0x13: {  	s6 =	sshll.u32 s6, $0x4;
	s7 =	sadd.s32 s7, s5;
	[dreg:$0x9] =	wrdreg s0  }
0x14: {  	s24 =	simm.s32 $0x3;
	s0 =	simm.s32 $0x5;
	s6 =	sadd.s32 s6, s5  }
0x15: {  	s23 =	sadd.s32 $0x14A00, s7;
	s7 =	simm.s32 $0xD;
	s5 =	sadd.s32 $0x1000, s6  }
0x16: {  	v0 =	vimm.f32 $0.0e+00;
	s6 =	sadd.s32 $0xAC40, s6;
	[dreg:$0x6] =	wrdreg s23;
	s23 =	simm.s32 $0x6700  }
.LBB2_6:
0x17: {  	_ =	swait.ge [sflag:s22], $0x800  }
0x18: {  	[sflag:s22] =	ssyncset.done $0x0  }
0x19: {  	[sflag:s22] =	ssyncadd.s32 $0xFFFFF800  }
0x1a: {  	[spmem:s3] =	stream.indirect.scatter.add.f32 [tilespmem:s1], [sflag:$0xE], $0x10, s13, s17, $0xb8;
	[tilespmem:$0xF580] =	vst v63  }
0x1b: {  	_ =	swait.ge [sflag:s20], $0x800  }
0x1c: {  	s10 =	simm.s32 @!p0 $0x80;
	[sflag:s20] =	ssyncset.done $0x0  }
0x1d: {  	s11 =	simm.s32 @!p0 $0x2700;
	s12 =	simm.s32 @!p0 $0x4F00;
	[sflag:s20] =	ssyncadd.s32 $0xFFFFF800  }
0x1e: {  	[tilespmem:s12], [sflag:$0x3] =	stream.indirect.gather @!p0 [spmem:s2], $0x10, s11, s10, $0xb8;
	[tilespmem:$0xF580] =	vst v63  }
0x1f: {  	s11 =	simm.s32 @!p0 $0x3  }
0x20: {  	_ =	swait.ge @!p0 [sflag:s11], $0x800  }
0x21: {  	[sflag:s11] =	ssyncset.done @!p0 $0x0  }
0x22: {  	[sflag:s11] =	ssyncadd.s32 @!p0 $0xFFFFF800;
	s11 =	simm.s32 @!p0 $0x4E80  }
0x23: {  	[spmem:s3] =	stream.indirect.scatter.add.f32 @!p0 [tilespmem:s12], [sflag:$0x9], $0x10, s11, s10, $0xb8;
	[tilespmem:$0xF580] =	vst v63  }
0x24: {  	s10 =	simm.s32 @!p0 $0x9  }
0x25: {  	_ =	swait.ge @!p0 [sflag:s10], $0x800  }
0x26: {  	[sflag:s10] =	ssyncset.done @!p0 $0x0  }
0x27: {  	[sflag:s10] =	ssyncadd.s32 @!p0 $0xFFFFF800  }
0x28: {  	_ =	swait.ge [sflag:s30], $0x800  }
0x29: {  	[sflag:s30] =	ssyncset.done $0x0  }
0x2a: {  	[sflag:s30] =	ssyncadd.s32 $0xFFFFF800  }
0x2b: {  	_ =	swait.ge [sflag:s26], $0x800  }
0x2c: {  	[sflag:s26] =	ssyncset.done $0x0  }
0x2d: {  	[sflag:s26] =	ssyncadd.s32 $0xFFFFF800  }
0x2e: {  	_ =	swait.ge [sflag:s31], $0x800  }
0x2f: {  	[sflag:s31] =	ssyncset.done $0x0  }
0x30: {  	[sflag:s31] =	ssyncadd.s32 $0xFFFFF800  }
0x31: {  	_ =	swait.ge [sflag:s7], $0x800  }
0x32: {  	[sflag:s7] =	ssyncset.done $0x0  }
0x33: {  	[sflag:s7] =	ssyncadd.s32 $0xFFFFF800  }
0x34: {  	_ =	swait.ge [sflag:s9], $0x800  }
0x35: {  	[sflag:s9] =	ssyncset.done $0x0  }
0x36: {  	[sflag:s9] =	ssyncadd.s32 $0xFFFFF800  }
0x37: {  	[bflag:$0x0] =	sbarrier.arrive $0xFFFF  }
0x38: {  	s12 =	rddreg [dreg:$0x8]  }
0x39: {  	s13 =	sshrl.u32 s8, $0x3;
	s16 =	rddreg [dreg:$0x6];
	s10 =	sor.u32 $0x1C0F, s12  }
0x3a: {  	[hbm:s16], [sflag:s10] =	dma.local [spmem:s13], $0x4F0  }
0x3b: {  	_ =	swait.ge [sflag:s15], $0x4F0  }
0x3c: {  	s4 =	sadd.s32 $0x1, s4;
	s25 =	rddreg [dreg:$0x7]  }
0x3d: {  	p1 =	sne.s32 s4, s25  }
.Ltmp1:
0x3e: {  	_ = 	snop;
	(pc) =	sbr.rel @!p1 .LBB2_7-.Ltmp1, $3  }
0x3f: {  	_ =	sdelay $0x1  }
0x40: {  	[sflag:s15] =	ssyncset.done $0x0  }
0x41: {  	[sflag:s15] =	ssyncadd.s32 $0xFFFFFB10  }
.LBB2_1:
0x42: {  	s10 =	simm.s32 @p0 $0x0  }
0x43: {  	[tilespmem:s10], [sflag:$0x2] =	stream.linear.gather @p0 [hbm4b:s5+s10], $0x2700, $0x38;
	[tilespmem:$0xF580] =	vst v63  }
0x44: {  	s12 =	simm.s32 @p0 $0x2780  }
0x45: {  	[tilespmem:s12], [sflag:$0x2] =	stream.linear.gather @p0 [hbm4b:s6+s10], $0x2700, $0x38;
	[tilespmem:$0xF580] =	vst v63  }
0x46: {  	s16 =	rddreg [dreg:$0x5];
	s10 =	simm.s32 @!p0 $0x0  }
0x47: {  	[tilespmem:s10], [sflag:$0x2] =	stream.linear.gather @!p0 [hbm4b:s5+s10], $0x2780, $0x38;
	[tilespmem:$0xF580] =	vst v63  }
0x48: {  	s11 =	rddreg [dreg:$0x9];
	s12 =	simm.s32 @!p0 $0x2780  }
0x49: {  	[tilespmem:s12], [sflag:$0x2] =	stream.linear.gather @!p0 [hbm4b:s6+s10], $0x2780, $0x38;
	[tilespmem:$0xF580] =	vst v63  }
0x4a: {  	s25 =	rddreg [dreg:$0xa];
	s10 =	simm.s32 $0x0;
	s12 =	simm.s32 $0x200  }
0x4b: {  	[spmem:s25], [sflag:s11] =	dma.local [hbm:s16], $0x4E2  }
.LBB2_2:
0x4c: {  	p1 =	sne.s32 s12, $0x9C00;
	[tilespmem:s10+$0x7F70] =	vst v0  }
0x4d: {  	[tilespmem:s10+$0x7F00] =	vst v0  }
0x4e: {  	[tilespmem:s10+$0x7F10] =	vst v0  }
.Ltmp2:
0x4f: {  	[tilespmem:s10+$0x7F20] =	vst v0;
	(pc) =	sbr.rel @p1 .LBB2_2-.Ltmp2, $4  }
0x50: {  	[tilespmem:s10+$0x7F30] =	vst v0  }
0x51: {  	[tilespmem:s10+$0x7F40] =	vst v0  }
0x52: {  	[tilespmem:s10+$0x7F50] =	vst v0  }
0x53: {  	[tilespmem:s10+$0x7F60] =	vst v0;
	s10 =	sshra.s32 s12, $0x2;
	s12 =	sadd.s32 $0x200, s12  }
0x54: {  	[tilespmem:s10+$0x7F70] =	vst v0  }
0x55: {  	[tilespmem:s10+$0x7F00] =	vst v0  }
0x56: {  	[tilespmem:s10+$0x7F10] =	vst v0  }
0x57: {  	[tilespmem:s10+$0x7F20] =	vst v0  }
0x58: {  	[tilespmem:s10+$0x7F30] =	vst v0  }
0x59: {  	[tilespmem:s10+$0x7F40] =	vst v0  }
0x5a: {  	[tilespmem:s10+$0x7F50] =	vst v0  }
0x5b: {  	[tilespmem:s10+$0x7F60] =	vst v0;
	s12 =	simm.s32 $0x7F00  }
0x5c: {  	[spmem:s8] =	stream.linear.scatter [tilespmem:s12], [sflag:$0xF], $0x2780, $0x38;
	[tilespmem:$0xF580] =	vst v63  }
0x5d: {  	_ =	swait.ge [sflag:s15], $0x2780  }
0x5e: {  	[sflag:s15] =	ssyncset.done $0x0  }
0x5f: {  	s13 =	simm.s32 $0x1;
	[sflag:s15] =	ssyncadd.s32 $0xFFFFD880  }
0x60: {  	_ =	swait.ge [sflag:s13], $0x4E2  }
0x61: {  	[sflag:s13] =	ssyncset.done $0x0  }
0x62: {  	s10 =	simm.s32 @p0 $0x2;
	[sflag:s13] =	ssyncadd.s32 $0xFFFFFB1E  }
0x63: {  	_ =	swait.ge @p0 [sflag:s10], $0x2700  }
0x64: {  	[sflag:s10] =	ssyncset.done @p0 $0x0  }
0x65: {  	[sflag:s10] =	ssyncadd.s32 @p0 $0xFFFFD900  }
0x66: {  	_ =	swait.ge @p0 [sflag:s10], $0x2700  }
0x67: {  	[sflag:s10] =	ssyncset.done @p0 $0x0  }
0x68: {  	[sflag:s10] =	ssyncadd.s32 @p0 $0xFFFFD900;
	s10 =	simm.s32 @!p0 $0x2  }
0x69: {  	_ =	swait.ge @!p0 [sflag:s10], $0x2780  }
0x6a: {  	[sflag:s10] =	ssyncset.done @!p0 $0x0  }
0x6b: {  	[sflag:s10] =	ssyncadd.s32 @!p0 $0xFFFFD880  }
0x6c: {  	_ =	swait.ge @!p0 [sflag:s10], $0x2780  }
0x6d: {  	[sflag:s10] =	ssyncset.done @!p0 $0x0  }
0x6e: {  	[sflag:s10] =	ssyncadd.s32 @!p0 $0xFFFFD880  }
0x6f: {  	s10 =	simm.s32 $0x0;
	[bflag:$0x0] =	sbarrier.arrive $0xFFFF  }
0x70: {  	[tilespmem:s18], [sflag:$0x3] =	stream.indirect.gather [spmem:s2], $0x10, s10, s17, $0xb8;
	[tilespmem:$0xF580] =	vst v63  }
0x71: {  	_ = 	snop  }
0x72: {  	[tilespmem:s19], [sflag:$0x4] =	stream.indirect.gather [spmem:s2], $0x10, s17, s17, $0xb8;
	[tilespmem:$0xF580] =	vst v63  }
0x73: {  	s11 =	simm.s32 $0x100  }
0x74: {  	[tilespmem:s21], [sflag:$0x5] =	stream.indirect.gather [spmem:s2], $0x10, s11, s17, $0xb8;
	[tilespmem:$0xF580] =	vst v63  }
0x75: {  	s16 =	simm.s32 $0x180  }
0x76: {  	[tilespmem:s23], [sflag:$0x6] =	stream.indirect.gather [spmem:s2], $0x10, s16, s17, $0xb8;
	[tilespmem:$0xF580] =	vst v63  }
0x77: {  	_ =	swait.ge [sflag:s24], $0x800  }
0x78: {  	[sflag:s24] =	ssyncset.done $0x0  }
0x79: {  	s25 =	simm.s32 $0x2780;
	[sflag:s24] =	ssyncadd.s32 $0xFFFFF800  }
0x7a: {  	[spmem:s3] =	stream.indirect.scatter.add.f32 [tilespmem:s18], [sflag:$0x9], $0x10, s25, s17, $0xb8;
	[tilespmem:$0xF580] =	vst v63  }
0x7b: {  	s12 =	simm.s32 $0x200  }
0x7c: {  	[tilespmem:s28], [sflag:$0x7] =	stream.indirect.gather [spmem:s2], $0x10, s12, s17, $0xb8;
	[tilespmem:$0xF580] =	vst v63  }
0x7d: {  	_ =	swait.ge [sflag:s29], $0x800  }
0x7e: {  	[sflag:s29] =	ssyncset.done $0x0  }
0x7f: {  	s13 =	simm.s32 $0x2800;
	[sflag:s29] =	ssyncadd.s32 $0xFFFFF800  }
0x80: {  	[spmem:s3] =	stream.indirect.scatter.add.f32 [tilespmem:s19], [sflag:$0xA], $0x10, s13, s17, $0xb8;
	[tilespmem:$0xF580] =	vst v63  }
0x81: {  	s16 =	simm.s32 $0x280  }
0x82: {  	[tilespmem:s1], [sflag:$0x8] =	stream.indirect.gather [spmem:s2], $0x10, s16, s17, $0xb8;
	[tilespmem:$0xF580] =	vst v63  }
0x83: {  	_ =	swait.ge [sflag:s0], $0x800  }
0x84: {  	[sflag:s0] =	ssyncset.done $0x0  }
0x85: {  	s25 =	simm.s32 $0x2880;
	[sflag:s0] =	ssyncadd.s32 $0xFFFFF800  }
0x86: {  	[spmem:s3] =	stream.indirect.scatter.add.f32 [tilespmem:s21], [sflag:$0xB], $0x10, s25, s17, $0xb8;
	[tilespmem:$0xF580] =	vst v63  }
0x87: {  	_ =	swait.ge [sflag:s20], $0x800  }
0x88: {  	[sflag:s20] =	ssyncset.done $0x0  }
0x89: {  	s12 =	simm.s32 $0x300;
	s13 =	simm.s32 $0x6;
	[sflag:s20] =	ssyncadd.s32 $0xFFFFF800  }
0x8a: {  	[tilespmem:s18], [sflag:$0x3] =	stream.indirect.gather [spmem:s2], $0x10, s12, s17, $0xb8;
	[tilespmem:$0xF580] =	vst v63  }
0x8b: {  	_ =	swait.ge [sflag:s13], $0x800  }
0x8c: {  	[sflag:s13] =	ssyncset.done $0x0  }
0x8d: {  	s16 =	simm.s32 $0x2900;
	[sflag:s13] =	ssyncadd.s32 $0xFFFFF800  }
0x8e: {  	[spmem:s3] =	stream.indirect.scatter.add.f32 [tilespmem:s23], [sflag:$0xC], $0x10, s16, s17, $0xb8;
	[tilespmem:$0xF580] =	vst v63  }
0x8f: {  	_ =	swait.ge [sflag:s30], $0x800  }
0x90: {  	[sflag:s30] =	ssyncset.done $0x0  }
0x91: {  	s25 =	simm.s32 $0x380;
	[sflag:s30] =	ssyncadd.s32 $0xFFFFF800  }
0x92: {  	[tilespmem:s19], [sflag:$0x4] =	stream.indirect.gather [spmem:s2], $0x10, s25, s17, $0xb8;
	[tilespmem:$0xF580] =	vst v63  }
0x93: {  	_ =	swait.ge [sflag:s14], $0x800  }
0x94: {  	[sflag:s14] =	ssyncset.done $0x0  }
0x95: {  	s12 =	simm.s32 $0x2980;
	[sflag:s14] =	ssyncadd.s32 $0xFFFFF800  }
0x96: {  	[spmem:s3] =	stream.indirect.scatter.add.f32 [tilespmem:s28], [sflag:$0xD], $0x10, s12, s17, $0xb8;
	[tilespmem:$0xF580] =	vst v63  }
0x97: {  	_ =	swait.ge [sflag:s26], $0x800  }
0x98: {  	[sflag:s26] =	ssyncset.done $0x0  }
0x99: {  	s13 =	simm.s32 $0x400;
	[sflag:s26] =	ssyncadd.s32 $0xFFFFF800  }
0x9a: {  	[tilespmem:s21], [sflag:$0x5] =	stream.indirect.gather [spmem:s2], $0x10, s13, s17, $0xb8;
	[tilespmem:$0xF580] =	vst v63  }
0x9b: {  	_ =	swait.ge [sflag:s22], $0x800  }
0x9c: {  	[sflag:s22] =	ssyncset.done $0x0  }
0x9d: {  	s16 =	simm.s32 $0x2A00;
	[sflag:s22] =	ssyncadd.s32 $0xFFFFF800  }
0x9e: {  	[spmem:s3] =	stream.indirect.scatter.add.f32 [tilespmem:s1], [sflag:$0xE], $0x10, s16, s17, $0xb8;
	[tilespmem:$0xF580] =	vst v63  }
0x9f: {  	_ =	swait.ge [sflag:s31], $0x800  }
0xa0: {  	[sflag:s31] =	ssyncset.done $0x0  }
0xa1: {  	s25 =	simm.s32 $0x480;
	[sflag:s31] =	ssyncadd.s32 $0xFFFFF800  }
0xa2: {  	[tilespmem:s23], [sflag:$0x6] =	stream.indirect.gather [spmem:s2], $0x10, s25, s17, $0xb8;
	[tilespmem:$0xF580] =	vst v63  }
.LBB2_4:
0xa3: {  	_ =	swait.ge [sflag:s24], $0x800  }
0xa4: {  	s12 =	sshra.s32 s10, $0x2;
	[sflag:s24] =	ssyncset.done $0x0  }
0xa5: {  	s13 =	sadd.s32 $0x2A80, s12;
	[sflag:s24] =	ssyncadd.s32 $0xFFFFF800  }
0xa6: {  	[spmem:s3] =	stream.indirect.scatter.add.f32 [tilespmem:s18], [sflag:$0x9], $0x10, s13, s17, $0xb8;
	[tilespmem:$0xF580] =	vst v63  }
0xa7: {  	_ =	swait.ge [sflag:s7], $0x800  }
0xa8: {  	[sflag:s7] =	ssyncset.done $0x0  }
0xa9: {  	s16 =	sadd.s32 $0x500, s12;
	[sflag:s7] =	ssyncadd.s32 $0xFFFFF800  }
0xaa: {  	[tilespmem:s28], [sflag:$0x7] =	stream.indirect.gather [spmem:s2], $0x10, s16, s17, $0xb8;
	[tilespmem:$0xF580] =	vst v63  }
0xab: {  	_ =	swait.ge [sflag:s29], $0x800  }
0xac: {  	[sflag:s29] =	ssyncset.done $0x0  }
0xad: {  	s25 =	sadd.s32 $0x2B00, s12;
	[sflag:s29] =	ssyncadd.s32 $0xFFFFF800  }
0xae: {  	[spmem:s3] =	stream.indirect.scatter.add.f32 [tilespmem:s19], [sflag:$0xA], $0x10, s25, s17, $0xb8;
	[tilespmem:$0xF580] =	vst v63  }
0xaf: {  	_ =	swait.ge [sflag:s9], $0x800  }
0xb0: {  	[sflag:s9] =	ssyncset.done $0x0  }
0xb1: {  	s11 =	sadd.s32 $0x580, s12;
	[sflag:s9] =	ssyncadd.s32 $0xFFFFF800  }
0xb2: {  	[tilespmem:s1], [sflag:$0x8] =	stream.indirect.gather [spmem:s2], $0x10, s11, s17, $0xb8;
	[tilespmem:$0xF580] =	vst v63  }
0xb3: {  	_ =	swait.ge [sflag:s0], $0x800  }
0xb4: {  	p1 =	seq.s32 s10, $0x8400;
	[sflag:s0] =	ssyncset.done $0x0  }
0xb5: {  	s13 =	simm.s32 @p1 $0x6;
	s16 =	sadd.s32 $0x2B80, s12;
	[sflag:s0] =	ssyncadd.s32 $0xFFFFF800  }
0xb6: {  	[spmem:s3] =	stream.indirect.scatter.add.f32 [tilespmem:s21], [sflag:$0xB], $0x10, s16, s17, $0xb8;
	[tilespmem:$0xF580] =	vst v63  }
0xb7: {  	_ =	swait.ge @p1 [sflag:s13], $0x800  }
0xb8: {  	[sflag:s13] =	ssyncset.done @p1 $0x0  }
0xb9: {  	[sflag:s13] =	ssyncadd.s32 @p1 $0xFFFFF800;
	s13 =	sshra.s32 @p1 s10, $0x2  }
0xba: {  	s11 =	simm.s32 @p1 $0x80;
	s16 =	simm.s32 @p1 $0x6700;
	s13 =	sadd.s32 @p1 $0x2C00, s13  }
0xbb: {  	[spmem:s3] =	stream.indirect.scatter.add.f32 @p1 [tilespmem:s16], [sflag:$0xC], $0x10, s13, s11, $0xb8;
	[tilespmem:$0xF580] =	vst v63  }
0xbc: {  	s11 =	simm.s32 @!p1 $0x9  }
0xbd: {  	_ =	swait.ge @!p1 [sflag:s11], $0x800  }
0xbe: {  	[sflag:s11] =	ssyncset.done @!p1 $0x0  }
0xbf: {  	[sflag:s11] =	ssyncadd.s32 @!p1 $0xFFFFF800;
	s11 =	sshra.s32 @!p1 s10, $0x2  }
0xc0: {  	s25 =	simm.s32 @!p1 $0x4F00;
	s16 =	simm.s32 @!p1 $0x80;
	s13 =	sadd.s32 @!p1 $0x600, s11  }
0xc1: {  	[tilespmem:s25], [sflag:$0x3] =	stream.indirect.gather @!p1 [spmem:s2], $0x10, s13, s16, $0xb8;
	[tilespmem:$0xF580] =	vst v63  }
0xc2: {  	s13 =	simm.s32 @!p1 $0x6  }
0xc3: {  	_ =	swait.ge @!p1 [sflag:s13], $0x800  }
0xc4: {  	[sflag:s13] =	ssyncset.done @!p1 $0x0  }
0xc5: {  	s25 =	simm.s32 @!p1 $0x6700;
	[sflag:s13] =	ssyncadd.s32 @!p1 $0xFFFFF800;
	s13 =	sadd.s32 @!p1 $0x2C00, s11  }
0xc6: {  	[spmem:s3] =	stream.indirect.scatter.add.f32 @!p1 [tilespmem:s25], [sflag:$0xC], $0x10, s13, s16, $0xb8;
	[tilespmem:$0xF580] =	vst v63  }
0xc7: {  	s13 =	simm.s32 @!p1 $0xA  }
0xc8: {  	_ =	swait.ge @!p1 [sflag:s13], $0x800  }
0xc9: {  	[sflag:s13] =	ssyncset.done @!p1 $0x0  }
0xca: {  	s11 =	sadd.s32 @!p1 $0x680, s11;
	[sflag:s13] =	ssyncadd.s32 @!p1 $0xFFFFF800;
	s13 =	simm.s32 @!p1 $0x5700  }
0xcb: {  	[tilespmem:s13], [sflag:$0x4] =	stream.indirect.gather @!p1 [spmem:s2], $0x10, s11, s16, $0xb8;
	[tilespmem:$0xF580] =	vst v63  }
.Ltmp3:
0xcc: {  	_ = 	snop;
	(pc) =	sbr.rel @p1 .LBB2_6-.Ltmp3, $4  }
0xcd: {  	_ =	swait.ge [sflag:s14], $0x800  }
0xce: {  	[sflag:s14] =	ssyncset.done $0x0  }
0xcf: {  	s25 =	sadd.s32 $0x2C80, s12;
	s13 =	sadd.s32 $0x2D00, s12;
	[sflag:s14] =	ssyncadd.s32 $0xFFFFF800  }
0xd0: {  	[spmem:s3] =	stream.indirect.scatter.add.f32 [tilespmem:s28], [sflag:$0xD], $0x10, s25, s17, $0xb8;
	[tilespmem:$0xF580] =	vst v63  }
0xd1: {  	_ =	swait.ge [sflag:s26], $0x800  }
0xd2: {  	[sflag:s26] =	ssyncset.done $0x0  }
0xd3: {  	s11 =	sadd.s32 $0x700, s12;
	[sflag:s26] =	ssyncadd.s32 $0xFFFFF800  }
0xd4: {  	[tilespmem:s21], [sflag:$0x5] =	stream.indirect.gather [spmem:s2], $0x10, s11, s17, $0xb8;
	[tilespmem:$0xF580] =	vst v63  }
0xd5: {  	_ =	swait.ge [sflag:s22], $0x800  }
0xd6: {  	[sflag:s22] =	ssyncset.done $0x0  }
0xd7: {  	[sflag:s22] =	ssyncadd.s32 $0xFFFFF800  }
0xd8: {  	[spmem:s3] =	stream.indirect.scatter.add.f32 [tilespmem:s1], [sflag:$0xE], $0x10, s13, s17, $0xb8;
	[tilespmem:$0xF580] =	vst v63  }
.Ltmp4:
0xd9: {  	_ = 	snop;
	(pc) =	sbr.rel .LBB2_4-.Ltmp4, $4  }
0xda: {  	_ =	swait.ge [sflag:s31], $0x800  }
0xdb: {  	[sflag:s31] =	ssyncset.done $0x0  }
0xdc: {  	s25 =	sadd.s32 $0x780, s12;
	s10 =	sadd.s32 $0xC00, s10;
	[sflag:s31] =	ssyncadd.s32 $0xFFFFF800  }
0xdd: {  	[tilespmem:s23], [sflag:$0x6] =	stream.indirect.gather [spmem:s2], $0x10, s25, s17, $0xb8;
	[tilespmem:$0xF580] =	vst v63  }
.LBB2_7:
0xde: {  	_ =	sfence.sel $0x180000  }
0xdf: {  	[bflag:$0x0] =	sbarrier.arrive $0xFFFF  }
0xe0: {  	_ =	strace $0x90000047  }
0xe1: {  	s0 =	stileid.u32;
	[bflag:$0x2] =	sbarrier.arrive $0xFFFF  }
0xe2: {  	p0 =	sne.s32 s0, $0x0;
	s0 =	rddreg [dreg:$0x4]  }
0xe3: {  	s0 =	sadd.s32 @!p0 $0x100000, s0  }
0xe4: {  	[sflag:s0] =	ssyncadd.tile.s32 @!p0 $0x1;
	_ =	shalt  }
.Lfunc_end2:
_tile_overlayer_lowered:
.L_overlay_start_2:
0xe5: {  	(tag) =	ssettag $0x2  }
0xe6: {  	s0 =	rddreg [dreg:$0x0];
	s2 =	stileid.u32  }
0xe7: {  	s1 =	rddreg [dreg:$0x1];
	p0 =	sne.s32 s2, $0x0  }
0xe8: {  	s3 =	rddreg [dreg:$0x2];
	[bflag:$0x3] =	sbarrier.arrive $0xFFFF;
	s2 =	simm.s32 @!p0 $0x1C0F  }
0xe9: {  	[timem:s3], [sflag:s2] =	dma.local @!p0 [hbm:s0], s1  }
0xea: {  	s0 =	simm.s32 @!p0 $0xF  }
0xeb: {  	_ =	swait.ge @!p0 [sflag:s0], s1  }
0xec: {  	s1 =	ssub.s32 @!p0 $0x0, s1;
	[sflag:s0] =	ssyncset.done @!p0 $0x0  }
0xed: {  	[sflag:s0] =	ssyncadd.s32 @!p0 s1  }
0xee: {  	[bflag:$0x3] =	sbarrier.arrive $0xFFFF  }
0xef: {  	_ =	shalt  }

// kernel: kernel.9.cloned.1.call-start
scs
__scs_entry_jumppad:
0x0: {  	(pc) =	sbr.rel $0x88, $3  }
0x1: {  	(tag) =	ssettag $0x0;
	lr =	simm.s32 $0x1  }
0x2: {  	[smem:$0x3F9B] =	sst lr;
	_ =	strace $0xD0000000  }
0x3: {  	_ = 	snop  }
0x4: {  	_ = 	snop  }
0x5: {  	_ = 	snop  }
0x6: {  	_ = 	snop  }
0x7: {  	_ = 	snop  }
__scs_overlays_trampoline_lowered:
0x8: {  	[smem:$0x3FAA] =	sst s0  }
0x9: {  	[smem:$0x3FAB] =	sst s1  }
0xa: {  	[smem:$0x3FAC] =	sst s2  }
0xb: {  	[smem:$0x3FAD] =	sst s3  }
0xc: {  	[smem:$0x3FAE] =	sst s4  }
0xd: {  	[smem:$0x3FAF] =	sst s5  }
0xe: {  	[smem:$0x3FB0] =	sst s6  }
0xf: {  	[smem:$0x3FB1] =	sst s7  }
0x10: {  	[smem:$0x3FB2] =	sst s8  }
0x11: {  	[smem:$0x3FB3] =	sst s9;
	s0 =	simm.s32 @!p0 $0x0  }
0x12: {  	s1 =	sld [smem:$0x3F99];
	s0 =	simm.s32 @p0 $0x1  }
0x13: {  	[smem:$0x3FB4] =	sst s0;
	s0 =	simm.s32 @!p1 $0x0  }
0x14: {  	s2 =	sld [smem:$0x3F98];
	s0 =	simm.s32 @p1 $0x1  }
0x15: {  	[smem:$0x3FB5] =	sst s0;
	s0 =	simm.s32 @!p2 $0x0  }
0x16: {  	s3 =	sld [smem:$0x3FDB];
	s0 =	simm.s32 @p2 $0x1  }
0x17: {  	s4 =	simm.s32 $0x1BF5;
	[smem:$0x3FB7] =	sst s0  }
0x18: {  	s0 =	sld [smem:$0x3F9A];
	_ =	swait.ge [sflag:s4], $0x0  }
0x19: {  	s7 =	sld [smem:$0x3F9B]  }
0x1a: {  	s8 =	sadd.s32 $0xFFFFE003, lr  }
0x1b: {  	s9 =	sadd.s32 $0xFFFFFEF7, lr;
	s5 =	simm.s32 $0xFFFFFFFF;
	p2 =	slt.u32 s8, $0xFFFFF086  }
0x1c: {  	p1 =	slt.u32 s9, $0xF7A;
	s5 =	simm.s32 @!p2 $0x0  }
0x1d: {  	s5 =	simm.s32 @p1 $0x1;
	p0 =	seq.s32 s7, s2  }
0x1e: {  	s7 =	smul.u32 @!p0 $0xF7A, s2;
	p2 =	seq.s32 @!p0 s5, $0x0  }
0x1f: {  	s9 =	smul.u32 $0xF7A, s1;
	s8 =	simm.s32 @!p0 $0x1BF5;
	p2 =	por !p2, p0  }
0x20: {  	[sflag:s8] =	ssyncset.s32 @!p0 $0xFFFFF086;
	s6 =	sadd.s32 @!p0 s3, s7;
	s7 =	simm.s32 @!p0 $0x108  }
0x21: {  	s3 =	sadd.s32 s3, s9;
	s6 =	sadd.s32 @!p0 $0x88, s6;
	s7 =	simm.s32 @p2 $0x1082  }
0x22: {  	[simem:s7], [sflag:s8] =	dma.local @!p0 [hbm:s6], $0xF7A  }
0x23: {  	s9 =	sor.u32 $0xD0000000, s2;
	s6 =	simm.s32 $0x108;
	_ =	swait.ge @!p0 [sflag:s8], $0x0  }
0x24: {  	s3 =	sadd.s32 $0x88, s3;
	s6 =	simm.s32 @!p1 $0x1082;
	[sflag:s4] =	ssyncset.s32 $0xFFFFF086  }
0x25: {  	[simem:s6], [sflag:s4] =	dma.local [hbm:s3], $0xF7A  }
0x26: {  	[smem:$0x3F9B] =	sst s1;
	(tag) =	ssettag s2;
	_ =	strace s9  }
0x27: {  	s1 =	sld [smem:$0x3FAB]  }
0x28: {  	s2 =	sld [smem:$0x3FAC]  }
0x29: {  	s4 =	sld [smem:$0x3FAE]  }
0x2a: {  	p0 =	seq.s32 s5, $0x0;
	s5 =	sld [smem:$0x3FAF]  }
0x2b: {  	s6 =	sld [smem:$0x3FB0]  }
0x2c: {  	s7 =	sld [smem:$0x3FB1]  }
0x2d: {  	s3 =	simm.s32 $0x108;
	s8 =	sld [smem:$0x3FB2]  }
0x2e: {  	s3 =	simm.s32 @!p0 $0x1082;
	s9 =	sld [smem:$0x3FB3]  }
0x2f: {  	lr =	sadd.s32 s0, s3;
	s0 =	sld [smem:$0x3FAA]  }
0x30: {  	s3 =	sld [smem:$0x3FAD]  }
0x31: {  	[smem:$0x3FB6] =	sst s10  }
0x32: {  	s10 =	sld [smem:$0x3FB4];
	_ =	sdelay $0x3  }
0x33: {  	p0 =	seq.s32 s10, $0x1;
	s10 =	sld [smem:$0x3FB6];
	_ =	sdelay $0x3  }
0x34: {  	[smem:$0x3FB6] =	sst s10  }
0x35: {  	s10 =	sld [smem:$0x3FB5];
	_ =	sdelay $0x3  }
0x36: {  	p1 =	seq.s32 s10, $0x1;
	s10 =	sld [smem:$0x3FB6];
	_ =	sdelay $0x3  }
0x37: {  	[smem:$0x3FB6] =	sst s10  }
0x38: {  	s10 =	sld [smem:$0x3FB7]  }
0x39: {  	_ = 	snop;
	(pc) =	sbr.ind lr, $3  }
0x3a: {  	_ = 	snop  }
0x3b: {  	_ = 	snop  }
0x3c: {  	p2 =	seq.s32 s10, $0x1;
	s10 =	sld [smem:$0x3FB6]  }
0x3d: {  	_ =	shalt  }
0x3e: {  	_ =	shalt  }
0x3f: {  	_ =	shalt  }
0x40: {  	_ =	shalt  }
0x41: {  	_ =	shalt  }
0x42: {  	_ =	shalt  }
0x43: {  	_ =	shalt  }
0x44: {  	_ =	shalt  }
0x45: {  	_ =	shalt  }
0x46: {  	_ =	shalt  }
0x47: {  	_ =	shalt  }
0x48: {  	_ =	shalt  }
0x49: {  	_ =	shalt  }
0x4a: {  	_ =	shalt  }
0x4b: {  	_ =	shalt  }
0x4c: {  	_ =	shalt  }
0x4d: {  	_ =	shalt  }
0x4e: {  	_ =	shalt  }
0x4f: {  	_ =	shalt  }
0x50: {  	_ =	shalt  }
0x51: {  	_ =	shalt  }
0x52: {  	_ =	shalt  }
0x53: {  	_ =	shalt  }
0x54: {  	_ =	shalt  }
0x55: {  	_ =	shalt  }
0x56: {  	_ =	shalt  }
0x57: {  	_ =	shalt  }
0x58: {  	_ =	shalt  }
0x59: {  	_ =	shalt  }
0x5a: {  	_ =	shalt  }
0x5b: {  	_ =	shalt  }
0x5c: {  	_ =	shalt  }
0x5d: {  	_ =	shalt  }
0x5e: {  	_ =	shalt  }
0x5f: {  	_ =	shalt  }
0x60: {  	_ =	shalt  }
0x61: {  	_ =	shalt  }
0x62: {  	_ =	shalt  }
0x63: {  	_ =	shalt  }
0x64: {  	_ =	shalt  }
0x65: {  	_ =	shalt  }
0x66: {  	_ =	shalt  }
0x67: {  	_ =	shalt  }
0x68: {  	_ =	shalt  }
0x69: {  	_ =	shalt  }
0x6a: {  	_ =	shalt  }
0x6b: {  	_ =	shalt  }
0x6c: {  	_ =	shalt  }
0x6d: {  	_ =	shalt  }
0x6e: {  	_ =	shalt  }
0x6f: {  	_ =	shalt  }
0x70: {  	_ =	shalt  }
0x71: {  	_ =	shalt  }
0x72: {  	_ =	shalt  }
0x73: {  	_ =	shalt  }
0x74: {  	_ =	shalt  }
0x75: {  	_ =	shalt  }
0x76: {  	_ =	shalt  }
0x77: {  	_ =	shalt  }
0x78: {  	_ =	shalt  }
0x79: {  	_ =	shalt  }
0x7a: {  	_ =	shalt  }
0x7b: {  	_ =	shalt  }
0x7c: {  	_ =	shalt  }
0x7d: {  	_ =	shalt  }
0x7e: {  	_ =	shalt  }
0x7f: {  	_ =	shalt  }
0x80: {  	_ =	shalt  }
0x81: {  	_ =	shalt  }
0x82: {  	_ =	shalt  }
0x83: {  	_ =	shalt  }
0x84: {  	_ =	shalt  }
0x85: {  	_ =	shalt  }
0x86: {  	_ =	shalt  }
0x87: {  	_ =	shalt  }
.Lfunc_end0:
.L_simem_size_0:
called_computation.1_lowered:
.L_overlay_start_0:
0x88: {  	s2 =	sld [smem:$0x3FD9]  }
0x89: {  	s3 =	sld [smem:$0x3FFE];
	_ =	sdelay $0x1  }
0x8a: {  	s1 =	srdreg.scid  }
0x8b: {  	s0 =	sand.u32 $0x1, s1  }
0x8c: {  	s17 =	sshll.u32 s0, $0xA;
	s2 =	sadd.s32 s3, s2  }
0x8d: {  	s2 =	sadd.s32 s2, s17  }
0x8e: {  	[smem:$0x3FC2] =	sst s2  }
0x8f: {  	_ = 	snop  }
0x90: {  	s2 =	sld [smem:$0x3FC6]  }
0x91: {  	s18 =	sld [smem:$0x3FD0];
	(tm) =	ssettm $0x1  }
0x92: {  	s4 =	sld [smem:$0x3FFB];
	_ =	sdelay $0x3  }
0x93: {  	_ =	strace s4  }
0x94: {  	s4 =	sld [smem:$0x3FFC];
	_ =	sdelay $0x3  }
0x95: {  	_ =	strace s4  }
0x96: {  	s4 =	sld [smem:$0x3FFD];
	_ =	sdelay $0x3  }
0x97: {  	_ =	strace s4  }
0x98: {  	_ =	strace $0x8FFFFFFF  }
0x99: {  	s19 =	sld [smem:$0x3FDB];
	_ =	sdelay $0x1  }
0x9a: {  	s5 =	simm.s32 $_scs_section_size  }
0x9b: {  	s6 =	simm.s32 $_size__tile_overlayer_lowered;
	s7 =	simm.s32 $_tile_overlayer_lowered  }
0x9c: {  	s22 =	simm.s32 $0x1BFF;
	s21 =	sshll.u32 s7, $0x1;
	s4 =	sadd.s32 s5, s19  }
0x9d: {  	s8 =	simm.s32 $0x0;
	s20 =	sshll.u32 s6, $0x1;
	s6 =	sadd.s32 s21, s4  }
0x9e: {  	[timem:s8], [sflag:s22] =	dma.local [hbm:s6], s20  }
0x9f: {  	_ =	swait.ge [sflag:s22], s20  }
0xa0: {  	s5 =	ssub.s32 $0x0, s20;
	[sflag:s22] =	ssyncset.done $0x0  }
0xa1: {  	[sflag:s22] =	ssyncadd.s32 s5;
	_ =	sdelay $0x1  }
0xa2: {  	s23 =	simm.s32 $0x1B8B  }
0xa3: {  	_ =	swait.ge [sflag:s23], $0x1  }
0xa4: {  	[sflag:s23] =	ssyncset.done $0x0  }
0xa5: {  	s25 =	simm.s32 $0x1B8E;
	s24 =	sld [smem:$0x3FFE];
	[sflag:s23] =	ssyncadd.s32 $0xFFFFFFFF  }
0xa6: {  	s26 =	simm.s32 $execute0_lowered;
	[smem:$0x3FD2] =	sst s25  }
0xa7: {  	s6 =	sshll.u32 s26, $0x1;
	_ =	strace $0x80000049;
	[dreg:$0x1] =	wrdreg $0xFFFFFFFF  }
0xa8: {  	s28 =	simm.s32 $_size_execute0_lowered;
	s4 =	sadd.s32 s4, s6;
	[dreg:$0x0] =	wrdreg $0x0  }
0xa9: {  	s6 =	sshll.u32 s28, $0x1;
	[dreg:$0x2] =	wrdreg s4  }
0xaa: {  	[dreg:$0x3] =	wrdreg s6  }
0xab: {  	[dreg:$0x4] =	wrdreg $0xC0  }
0xac: {  	_ =	task [dreg:s8], $0x5FFFF  }
0xad: {  	[dreg:$0x1] =	wrdreg $0xFFFFFFFF  }
0xae: {  	[dreg:$0x0] =	wrdreg $0x60  }
0xaf: {  	[dreg:$0x2] =	wrdreg s24  }
0xb0: {  	[dreg:$0x3] =	wrdreg s2  }
0xb1: {  	[dreg:$0x4] =	wrdreg s18  }
0xb2: {  	[dreg:$0x5] =	wrdreg $0x11D100  }
0xb3: {  	[dreg:$0x6] =	wrdreg $0xF5900  }
0xb4: {  	[dreg:$0x7] =	wrdreg $0x9  }
0xb5: {  	_ =	task.clear_ibuf [dreg:s8], $0x8FFFF;
	_ =	strace $0x90000049  }
0xb6: {  	s29 =	simm.s32 $0x9;
	_ =	strace $0x8000004B  }
0xb7: {  	_ =	swait.ge [sflag:s29], $0x1  }
0xb8: {  	[sflag:s29] =	ssyncadd.s32 $0xFFFFFFFF  }
0xb9: {  	_ =	strace $0x9000004B  }
0xba: {  	_ =	sfence  }
0xbb: {  	s30 =	sld [smem:$0x0];
	_ =	sdelay $0x2  }
0xbc: {  	s31 =	sshll.u32 s1, $0xD;
	s1 =	sshrl.u32 s1, $0x2  }
0xbd: {  	s3 =	sand.u32 $0x4000, s31;
	s1 =	sadd.s32 s1, s30  }
0xbe: {  	s0 =	sor.u32 s3, s0;
	s1 =	sshll.u32 s1, $0x11  }
0xbf: {  	s0 =	sor.u32 s1, s0  }
0xc0: {  	s0 =	sadd.s32 $0x8F2B, s0  }
0xc1: {  	[sflag:s0] =	ssyncadd.remote.s32 $0x1  }
0xc2: {  	_ =	sfence.sel $0xFFFF  }
0xc3: {  	[dreg:$0x0] =	wrdreg $0xFFFFFFFF;
	(pc) =	sbr.abs _section_cstart, $3  }
0xc4: {  	[dreg:$0x1] =	wrdreg $0xFFFFFFFF  }
0xc5: {  	_ =	task.clear_ibuf [dreg:s8], $0x2FFFF;
	_ =	strace $0x9FFFFFFF  }
0xc6: {  	(tm) =	ssettm $0x7FFFFFFF  }
0xc7: {  	_ =	shalt  }
tec
execute0_lowered:
.L_overlay_start_1:
0x0: {  	(tag) =	ssettag $0x1  }
0x1: {  	s0 =	rddreg [dreg:$0x0]  }
0x2: {  	s1 =	rddreg [dreg:$0x2]  }
0x3: {  	s11 =	stileid.u32;
	s3 =	rddreg [dreg:$0x3]  }
0x4: {  	s2 =	srdreg.scid;
	s4 =	rddreg [dreg:$0x4]  }
0x5: {  	s16 =	simm.s32 $0xF;
	s18 =	simm.s32 $0x1;
	s19 =	simm.s32 $0x80  }
0x6: {  	s28 =	simm.s32 $0xB610;
	s29 =	simm.s32 $0x3;
	s17 =	simm.s32 $0xC610  }
0x7: {  	s31 =	simm.s32 $0xA;
	s15 =	simm.s32 $0x7;
	s14 =	simm.s32 $0x8  }
0x8: {  	s30 =	simm.s32 $0xC;
	s2 =	sand.u32 $0x1, s2;
	s5 =	sshll.u32 s11, $0x1  }
0x9: {  	s8 =	smul.u32 $0x2780, s11;
	p0 =	sgt.u32 s11, $0x1;
	s6 =	sor.u32 s2, s5  }
0xa: {  	s5 =	simm.s32 $0x0;
	s9 =	ssub.s32 $0x2, s2;
	s2 =	smul.u32 $0x27800, s2  }
0xb: {  	s7 =	smul.u32 $0x4E, s6;
	[smem:$0x7FF] =	sst s5;
	s6 =	smin.u32 s6, $0x4  }
0xc: {  	s20 =	sshrl.u32 s8, $0x3;
	s21 =	sshrl.u32 s9, $0x1;
	s25 =	sadd.s32 s8, s4  }
0xd: {  	_ =	strace $0x8000004A;
	s9 =	ssub.s32 s9, s21;
	s2 =	sadd.s32 s8, s2  }
0xe: {  	[dreg:$0x9] =	wrdreg s25;
	s21 =	simm.s32 $0x9E10;
	s25 =	simm.s32 $0xAE10  }
0xf: {  	s6 =	sadd.s32 s6, s7;
	s24 =	sshrl.u32 s2, $0x3;
	s26 =	smax.u32 s9, $0x1  }
0x10: {  	s2 =	simm.s32 $0xBE10;
	s9 =	simm.s32 $0x0;
	s6 =	sshll.u32 s6, $0x4  }
0x11: {  	[dreg:$0xb] =	wrdreg s26;
	s26 =	simm.s32 $0xB;
	s10 =	sadd.s32 s6, s0  }
0x12: {  	s0 =	sadd.s32 s20, s0;
	s20 =	simm.s32 $0x5;
	s22 =	sadd.s32 $0x1000, s10  }
.Ltmp0:
0x13: {  	s23 =	sadd.s32 $0x14A00, s0;
	[dreg:$0x6] =	wrdreg s22;
	(pc) =	sbr.rel .LBB2_1-.Ltmp0, $4  }
0x14: {  	s7 =	sadd.s32 $0xAC40, s10;
	s0 =	sadd.s32 $0x19900, s0;
	[dreg:$0x7] =	wrdreg s23  }
0x15: {  	s10 =	sadd.s32 s8, s3;
	s8 =	simm.s32 $0xE;
	[dreg:$0x8] =	wrdreg s0  }
0x16: {  	s0 =	sadd.s32 s1, s24;
	s23 =	simm.s32 $0xA610;
	s1 =	simm.s32 $0x4  }
0x17: {  	v0 =	vimm.f32 $0.0e+00;
	s24 =	simm.s32 $0x9;
	s22 =	simm.s32 $0xD;
	[dreg:$0xa] =	wrdreg s0  }
.LBB2_8:
0x18: {  	_ =	swait.ge [sflag:s14], $0x800  }
0x19: {  	[sflag:s14] =	ssyncset.done $0x0  }
0x1a: {  	[sflag:s14] =	ssyncadd.s32 $0xFFFFF800  }
0x1b: {  	[spmem:s3] =	stream.indirect.scatter.add.f32 [tilespmem:s17], [sflag:$0xE], $0x10, s13, s19, $0xb8;
	[tilespmem:$0x14490] =	vst v63  }
0x1c: {  	_ =	swait.ge [sflag:s24], $0x800  }
0x1d: {  	s0 =	simm.s32 @!p0 $0x80;
	[sflag:s24] =	ssyncset.done $0x0  }
0x1e: {  	s5 =	simm.s32 @!p0 $0x7610;
	s6 =	simm.s32 @!p0 $0x9E10;
	[sflag:s24] =	ssyncadd.s32 $0xFFFFF800  }
0x1f: {  	[tilespmem:s6], [sflag:$0x3] =	stream.indirect.gather @!p0 [spmem:s4], $0x10, s5, s0, $0xb8;
	[tilespmem:$0x14490] =	vst v63  }
0x20: {  	s5 =	simm.s32 @!p0 $0x3  }
0x21: {  	_ =	swait.ge @!p0 [sflag:s5], $0x800  }
0x22: {  	[sflag:s5] =	ssyncset.done @!p0 $0x0  }
0x23: {  	[sflag:s5] =	ssyncadd.s32 @!p0 $0xFFFFF800;
	s5 =	simm.s32 @!p0 $0x9D90  }
0x24: {  	[spmem:s3] =	stream.indirect.scatter.add.f32 @!p0 [tilespmem:s6], [sflag:$0x9], $0x10, s5, s0, $0xb8;
	[tilespmem:$0x14490] =	vst v63  }
0x25: {  	s0 =	simm.s32 @!p0 $0x9  }
0x26: {  	_ =	swait.ge @!p0 [sflag:s0], $0x800  }
0x27: {  	[sflag:s0] =	ssyncset.done @!p0 $0x0  }
0x28: {  	[sflag:s0] =	ssyncadd.s32 @!p0 $0xFFFFF800  }
0x29: {  	_ =	swait.ge [sflag:s31], $0x800  }
0x2a: {  	[sflag:s31] =	ssyncset.done $0x0  }
0x2b: {  	[sflag:s31] =	ssyncadd.s32 $0xFFFFF800  }
0x2c: {  	_ =	swait.ge [sflag:s26], $0x800  }
0x2d: {  	[sflag:s26] =	ssyncset.done $0x0  }
0x2e: {  	[sflag:s26] =	ssyncadd.s32 $0xFFFFF800  }
0x2f: {  	_ =	swait.ge [sflag:s30], $0x800  }
0x30: {  	[sflag:s30] =	ssyncset.done $0x0  }
0x31: {  	[sflag:s30] =	ssyncadd.s32 $0xFFFFF800  }
0x32: {  	_ =	swait.ge [sflag:s22], $0x800  }
0x33: {  	[sflag:s22] =	ssyncset.done $0x0  }
0x34: {  	[sflag:s22] =	ssyncadd.s32 $0xFFFFF800  }
0x35: {  	_ =	swait.ge [sflag:s8], $0x800  }
0x36: {  	[sflag:s8] =	ssyncset.done $0x0  }
0x37: {  	s6 =	stileid.u32;
	[sflag:s8] =	ssyncadd.s32 $0xFFFFF800  }
0x38: {  	s0 =	sshll.u32 s6, $0x6;
	[bflag:$0x0] =	sbarrier.arrive $0xFFFF  }
0x39: {  	s11 =	sshrl.u32 s10, $0x3;
	s0 =	sor.u32 $0x1C0F, s0;
	s12 =	rddreg [dreg:$0xa]  }
0x3a: {  	[hbm:s12], [sflag:s0] =	dma.local [spmem:s11], $0x4F0  }
0x3b: {  	_ =	swait.ge [sflag:s16], $0x4F0  }
0x3c: {  	s9 =	sadd.s32 $0x1, s9;
	s13 =	rddreg [dreg:$0xb]  }
0x3d: {  	p1 =	sne.s32 s9, s13  }
.Ltmp1:
0x3e: {  	_ = 	snop;
	(pc) =	sbr.rel @!p1 .LBB2_9-.Ltmp1, $3  }
0x3f: {  	_ =	sdelay $0x1  }
0x40: {  	[sflag:s16] =	ssyncset.done $0x0  }
0x41: {  	s5 =	simm.s32 $0x0;
	[sflag:s16] =	ssyncadd.s32 $0xFFFFFB10  }
.LBB2_1:
0x42: {  	s11 =	simm.s32 @p0 $0x0;
	s12 =	simm.s32 @p0 $0x4F10;
	s0 =	rddreg [dreg:$0x6]  }
0x43: {  	[tilespmem:s12], [sflag:$0x2] =	stream.linear.gather @p0 [hbm4b:s0+s11], $0x2700, $0x38;
	[tilespmem:$0x14490] =	vst v63  }
0x44: {  	s12 =	simm.s32 @p0 $0x7690  }
0x45: {  	[tilespmem:s12], [sflag:$0x2] =	stream.linear.gather @p0 [hbm4b:s7+s11], $0x2700, $0x38;
	[tilespmem:$0x14490] =	vst v63  }
0x46: {  	s11 =	simm.s32 @!p0 $0x0;
	s12 =	simm.s32 @!p0 $0x4F10  }
0x47: {  	[tilespmem:s12], [sflag:$0x2] =	stream.linear.gather @!p0 [hbm4b:s0+s11], $0x2780, $0x38;
	[tilespmem:$0x14490] =	vst v63  }
0x48: {  	s12 =	simm.s32 @!p0 $0x7690  }
0x49: {  	[tilespmem:s12], [sflag:$0x2] =	stream.linear.gather @!p0 [hbm4b:s7+s11], $0x2780, $0x38;
	[tilespmem:$0x14490] =	vst v63  }
0x4a: {  	s6 =	rddreg [dreg:$0x7]  }
0x4b: {  	[tilespmem:s5], [sflag:$0x1] =	stream.linear.gather [hbm4b:s6+s5], $0x2780, $0x38;
	[tilespmem:$0x14490] =	vst v63  }
0x4c: {  	s11 =	rddreg [dreg:$0x8];
	s6 =	simm.s32 $0x2780  }
0x4d: {  	[tilespmem:s6], [sflag:$0x1] =	stream.linear.gather [hbm4b:s11+s5], $0x2780, $0x38;
	[tilespmem:$0x14490] =	vst v63  }
0x4e: {  	s13 =	simm.s32 $0x4F00;
	s12 =	rddreg [dreg:$0x1]  }
0x4f: {  	[tilespmem:s13], [sflag:$0xF] =	stream.linear.gather [hbm4b:s12+s5], $0x10, $0x38;
	[tilespmem:$0x14490] =	vst v63  }
0x50: {  	_ =	swait.ge [sflag:s16], $0x10  }
0x51: {  	[sflag:s16] =	ssyncset.done $0x0  }
0x52: {  	s11 =	simm.s32 $0x0;
	s12 =	simm.s32 $0x200;
	[sflag:s16] =	ssyncadd.s32 $0xFFFFFFF0  }
.LBB2_2:
0x53: {  	p1 =	sne.s32 s12, $0x9C00;
	[tilespmem:s11+$0xCE80] =	vst v0  }
0x54: {  	[tilespmem:s11+$0xCE10] =	vst v0  }
0x55: {  	[tilespmem:s11+$0xCE20] =	vst v0  }
.Ltmp2:
0x56: {  	[tilespmem:s11+$0xCE30] =	vst v0;
	(pc) =	sbr.rel @p1 .LBB2_2-.Ltmp2, $4  }
0x57: {  	[tilespmem:s11+$0xCE40] =	vst v0  }
0x58: {  	[tilespmem:s11+$0xCE50] =	vst v0  }
0x59: {  	[tilespmem:s11+$0xCE60] =	vst v0  }
0x5a: {  	[tilespmem:s11+$0xCE70] =	vst v0;
	s11 =	sshra.s32 s12, $0x2;
	s12 =	sadd.s32 $0x200, s12  }
0x5b: {  	[tilespmem:s11+$0xCE80] =	vst v0  }
0x5c: {  	[tilespmem:s11+$0xCE10] =	vst v0  }
0x5d: {  	[tilespmem:s11+$0xCE20] =	vst v0  }
0x5e: {  	[tilespmem:s11+$0xCE30] =	vst v0  }
0x5f: {  	[tilespmem:s11+$0xCE40] =	vst v0  }
0x60: {  	[tilespmem:s11+$0xCE50] =	vst v0  }
0x61: {  	[tilespmem:s11+$0xCE60] =	vst v0  }
0x62: {  	[tilespmem:s11+$0xCE70] =	vst v0;
	s0 =	simm.s32 $0xCE10  }
0x63: {  	[spmem:s10] =	stream.linear.scatter [tilespmem:s0], [sflag:$0xF], $0x2780, $0x38;
	[tilespmem:$0x14490] =	vst v63  }
0x64: {  	_ =	swait.ge [sflag:s16], $0x2780  }
0x65: {  	[sflag:s16] =	ssyncset.done $0x0  }
0x66: {  	[sflag:s16] =	ssyncadd.s32 $0xFFFFD880  }
0x67: {  	_ =	swait.ge [sflag:s18], $0x2780  }
0x68: {  	[sflag:s18] =	ssyncset.done $0x0  }
0x69: {  	[sflag:s18] =	ssyncadd.s32 $0xFFFFD880  }
0x6a: {  	_ =	swait.ge [sflag:s18], $0x2780  }
0x6b: {  	[sflag:s18] =	ssyncset.done $0x0  }
0x6c: {  	[sflag:s18] =	ssyncadd.s32 $0xFFFFD880  }
0x6d: {  	s11 =	simm.s32 $0x0;
	v1 =	vld [tilespmem:$0x4F00]  }
0x6e: {  	v8 =	vld [tilespmem:s11+$0x2780]  }
0x6f: {  	v13 =	vld [tilespmem:s11+$0x2790]  }
0x70: {  	v7 =	vld [tilespmem:s11+$0x27A0]  }
0x71: {  	v6 =	vld [tilespmem:s11+$0x27B0]  }
0x72: {  	v5 =	vld [tilespmem:s11+$0x27C0]  }
0x73: {  	v4 =	vld [tilespmem:s11+$0x27D0]  }
0x74: {  	v3 =	vld [tilespmem:s11+$0x27E0]  }
0x75: {  	v2 =	vld [tilespmem:s11+$0x27F0]  }
0x76: {  	v14 =	vld [tilespmem:s11+$0x0]  }
0x77: {  	v15 =	vld [tilespmem:s11+$0x10]  }
0x78: {  	v12 =	vld [tilespmem:s11+$0x20]  }
0x79: {  	v11 =	vld [tilespmem:s11+$0x30]  }
0x7a: {  	v10 =	vld [tilespmem:s11+$0x40]  }
0x7b: {  	v9 =	vld [tilespmem:s11+$0x50];
	v14 =	vadd.f32 v8, v14  }
0x7c: {  	s12 =	simm.s32 $0x200;
	v13 =	vadd.f32 v13, v15;
	v8 =	vld [tilespmem:s11+$0x60]  }
.LBB2_4:
0x7d: {  	s13 =	sshra.s32 s12, $0x2;
	p1 =	sne.s32 s12, $0x9C00;
	v14 =	vadd.f32 v14, v1;
	v7 =	vadd.f32 v7, v12;
	v12 =	vld [tilespmem:s11+$0x70]  }
0x7e: {  	v15 =	vld [tilespmem:s13+$0x2780];
	v13 =	vadd.f32 v13, v1;
	v6 =	vadd.f32 v6, v11  }
0x7f: {  	v16 =	vld [tilespmem:s13+$0x2790];
	v11 =	vmax.f32 v14, $0.0e+00;
	v14 =	vadd.f32 v7, v1;
	v5 =	vadd.f32 v5, v10  }
0x80: {  	v7 =	vld [tilespmem:s13+$0x27A0];
	[tilespmem:s11+$0x0] =	vst v11;
	v10 =	vmax.f32 v13, $0.0e+00;
	v11 =	vadd.f32 v6, v1;
	v4 =	vadd.f32 v4, v9  }
0x81: {  	v6 =	vld [tilespmem:s13+$0x27B0];
	[tilespmem:s11+$0x10] =	vst v10;
	v9 =	vmax.f32 v14, $0.0e+00;
	v10 =	vadd.f32 v5, v1;
	v3 =	vadd.f32 v3, v8  }
0x82: {  	v5 =	vld [tilespmem:s13+$0x27C0];
	[tilespmem:s11+$0x20] =	vst v9;
	v8 =	vmax.f32 v11, $0.0e+00;
	v9 =	vadd.f32 v4, v1;
	v2 =	vadd.f32 v2, v12  }
0x83: {  	v4 =	vld [tilespmem:s13+$0x27D0];
	[tilespmem:s11+$0x30] =	vst v8;
	v8 =	vmax.f32 v10, $0.0e+00;
	v10 =	vadd.f32 v3, v1  }
0x84: {  	v3 =	vld [tilespmem:s13+$0x27E0];
	[tilespmem:s11+$0x40] =	vst v8;
	v8 =	vmax.f32 v9, $0.0e+00;
	v9 =	vadd.f32 v2, v1  }
0x85: {  	v2 =	vld [tilespmem:s13+$0x27F0];
	[tilespmem:s11+$0x50] =	vst v8;
	v8 =	vmax.f32 v10, $0.0e+00  }
0x86: {  	v13 =	vld [tilespmem:s13+$0x0];
	[tilespmem:s11+$0x60] =	vst v8;
	v8 =	vmax.f32 v9, $0.0e+00  }
0x87: {  	v17 =	vld [tilespmem:s13+$0x10];
	[tilespmem:s11+$0x70] =	vst v8;
	s11 =	smov.u32 s13  }
.Ltmp3:
0x88: {  	v12 =	vld [tilespmem:s11+$0x20];
	(pc) =	sbr.rel @p1 .LBB2_4-.Ltmp3, $4  }
0x89: {  	v11 =	vld [tilespmem:s11+$0x30]  }
0x8a: {  	v10 =	vld [tilespmem:s11+$0x40]  }
0x8b: {  	v14 =	vadd.f32 v15, v13;
	v9 =	vld [tilespmem:s11+$0x50]  }
0x8c: {  	s12 =	sadd.s32 $0x200, s12;
	v13 =	vadd.f32 v16, v17;
	v8 =	vld [tilespmem:s11+$0x60]  }
0x8d: {  	v14 =	vadd.f32 v14, v1;
	v7 =	vadd.f32 v7, v12;
	v61 =	vld [tilespmem:s11+$0x70]  }
0x8e: {  	v13 =	vadd.f32 v13, v1;
	v6 =	vadd.f32 v6, v11  }
0x8f: {  	v62 =	vmax.f32 v14, $0.0e+00;
	v7 =	vadd.f32 v7, v1;
	v5 =	vadd.f32 v5, v10  }
0x90: {  	[tilespmem:s11+$0x0] =	vst v62;
	v63 =	vmax.f32 v13, $0.0e+00;
	v6 =	vadd.f32 v6, v1;
	v4 =	vadd.f32 v4, v9  }
0x91: {  	[tilespmem:s11+$0x10] =	vst v63;
	v7 =	vmax.f32 v7, $0.0e+00;
	v5 =	vadd.f32 v5, v1;
	v3 =	vadd.f32 v3, v8  }
0x92: {  	[tilespmem:s11+$0x20] =	vst v7;
	v6 =	vmax.f32 v6, $0.0e+00;
	v4 =	vadd.f32 v4, v1;
	v2 =	vadd.f32 v2, v61  }
0x93: {  	[tilespmem:s11+$0x30] =	vst v6;
	v5 =	vmax.f32 v5, $0.0e+00;
	v3 =	vadd.f32 v3, v1  }
0x94: {  	[tilespmem:s11+$0x40] =	vst v5;
	v4 =	vmax.f32 v4, $0.0e+00;
	v1 =	vadd.f32 v2, v1  }
0x95: {  	[tilespmem:s11+$0x50] =	vst v4;
	v2 =	vmax.f32 v3, $0.0e+00  }
0x96: {  	[tilespmem:s11+$0x60] =	vst v2;
	v1 =	vmax.f32 v1, $0.0e+00  }
0x97: {  	s0 =	rddreg [dreg:$0x9];
	[tilespmem:s11+$0x70] =	vst v1  }
0x98: {  	[spmem:s0] =	stream.linear.scatter [tilespmem:s5], [sflag:$0xF], $0x2780, $0x38;
	[tilespmem:$0x14490] =	vst v63  }
0x99: {  	_ =	swait.ge [sflag:s16], $0x2780  }
0x9a: {  	[sflag:s16] =	ssyncset.done $0x0  }
0x9b: {  	s11 =	simm.s32 @p0 $0x2;
	[sflag:s16] =	ssyncadd.s32 $0xFFFFD880  }
0x9c: {  	_ =	swait.ge @p0 [sflag:s11], $0x2700  }
0x9d: {  	[sflag:s11] =	ssyncset.done @p0 $0x0  }
0x9e: {  	[sflag:s11] =	ssyncadd.s32 @p0 $0xFFFFD900  }
0x9f: {  	_ =	swait.ge @p0 [sflag:s11], $0x2700  }
0xa0: {  	[sflag:s11] =	ssyncset.done @p0 $0x0  }
0xa1: {  	[sflag:s11] =	ssyncadd.s32 @p0 $0xFFFFD900;
	s11 =	simm.s32 @!p0 $0x2  }
0xa2: {  	_ =	swait.ge @!p0 [sflag:s11], $0x2780  }
0xa3: {  	[sflag:s11] =	ssyncset.done @!p0 $0x0  }
0xa4: {  	[sflag:s11] =	ssyncadd.s32 @!p0 $0xFFFFD880  }
0xa5: {  	_ =	swait.ge @!p0 [sflag:s11], $0x2780  }
0xa6: {  	[sflag:s11] =	ssyncset.done @!p0 $0x0  }
0xa7: {  	[sflag:s11] =	ssyncadd.s32 @!p0 $0xFFFFD880  }
0xa8: {  	s12 =	simm.s32 $0x4F10;
	[bflag:$0x0] =	sbarrier.arrive $0xFFFF  }
0xa9: {  	[tilespmem:s21], [sflag:$0x3] =	stream.indirect.gather [spmem:s4], $0x10, s12, s19, $0xb8;
	[tilespmem:$0x14490] =	vst v63  }
0xaa: {  	s13 =	simm.s32 $0x4F90  }
0xab: {  	[tilespmem:s23], [sflag:$0x4] =	stream.indirect.gather [spmem:s4], $0x10, s13, s19, $0xb8;
	[tilespmem:$0x14490] =	vst v63  }
0xac: {  	s5 =	simm.s32 $0x5010  }
0xad: {  	[tilespmem:s25], [sflag:$0x5] =	stream.indirect.gather [spmem:s4], $0x10, s5, s19, $0xb8;
	[tilespmem:$0x14490] =	vst v63  }
0xae: {  	s6 =	simm.s32 $0x5090  }
0xaf: {  	[tilespmem:s28], [sflag:$0x6] =	stream.indirect.gather [spmem:s4], $0x10, s6, s19, $0xb8;
	[tilespmem:$0x14490] =	vst v63  }
0xb0: {  	_ =	swait.ge [sflag:s29], $0x800  }
0xb1: {  	[sflag:s29] =	ssyncset.done $0x0  }
0xb2: {  	s11 =	simm.s32 $0x7690;
	[sflag:s29] =	ssyncadd.s32 $0xFFFFF800  }
0xb3: {  	[spmem:s3] =	stream.indirect.scatter.add.f32 [tilespmem:s21], [sflag:$0x9], $0x10, s11, s19, $0xb8;
	[tilespmem:$0x14490] =	vst v63  }
0xb4: {  	s12 =	simm.s32 $0x5110  }
0xb5: {  	[tilespmem:s2], [sflag:$0x7] =	stream.indirect.gather [spmem:s4], $0x10, s12, s19, $0xb8;
	[tilespmem:$0x14490] =	vst v63  }
0xb6: {  	_ =	swait.ge [sflag:s1], $0x800  }
0xb7: {  	[sflag:s1] =	ssyncset.done $0x0  }
0xb8: {  	s13 =	simm.s32 $0x7710;
	[sflag:s1] =	ssyncadd.s32 $0xFFFFF800  }
0xb9: {  	[spmem:s3] =	stream.indirect.scatter.add.f32 [tilespmem:s23], [sflag:$0xA], $0x10, s13, s19, $0xb8;
	[tilespmem:$0x14490] =	vst v63  }
0xba: {  	s5 =	simm.s32 $0x5190  }
0xbb: {  	[tilespmem:s17], [sflag:$0x8] =	stream.indirect.gather [spmem:s4], $0x10, s5, s19, $0xb8;
	[tilespmem:$0x14490] =	vst v63  }
0xbc: {  	_ =	swait.ge [sflag:s20], $0x800  }
0xbd: {  	[sflag:s20] =	ssyncset.done $0x0  }
0xbe: {  	s6 =	simm.s32 $0x7790;
	[sflag:s20] =	ssyncadd.s32 $0xFFFFF800  }
0xbf: {  	[spmem:s3] =	stream.indirect.scatter.add.f32 [tilespmem:s25], [sflag:$0xB], $0x10, s6, s19, $0xb8;
	[tilespmem:$0x14490] =	vst v63  }
0xc0: {  	_ =	swait.ge [sflag:s24], $0x800  }
0xc1: {  	[sflag:s24] =	ssyncset.done $0x0  }
0xc2: {  	s11 =	simm.s32 $0x5210;
	s12 =	simm.s32 $0x6;
	[sflag:s24] =	ssyncadd.s32 $0xFFFFF800  }
0xc3: {  	[tilespmem:s21], [sflag:$0x3] =	stream.indirect.gather [spmem:s4], $0x10, s11, s19, $0xb8;
	[tilespmem:$0x14490] =	vst v63  }
0xc4: {  	_ =	swait.ge [sflag:s12], $0x800  }
0xc5: {  	[sflag:s12] =	ssyncset.done $0x0  }
0xc6: {  	s13 =	simm.s32 $0x7810;
	[sflag:s12] =	ssyncadd.s32 $0xFFFFF800  }
0xc7: {  	[spmem:s3] =	stream.indirect.scatter.add.f32 [tilespmem:s28], [sflag:$0xC], $0x10, s13, s19, $0xb8;
	[tilespmem:$0x14490] =	vst v63  }
0xc8: {  	_ =	swait.ge [sflag:s31], $0x800  }
0xc9: {  	[sflag:s31] =	ssyncset.done $0x0  }
0xca: {  	s5 =	simm.s32 $0x5290;
	[sflag:s31] =	ssyncadd.s32 $0xFFFFF800  }
0xcb: {  	[tilespmem:s23], [sflag:$0x4] =	stream.indirect.gather [spmem:s4], $0x10, s5, s19, $0xb8;
	[tilespmem:$0x14490] =	vst v63  }
0xcc: {  	_ =	swait.ge [sflag:s15], $0x800  }
0xcd: {  	[sflag:s15] =	ssyncset.done $0x0  }
0xce: {  	s6 =	simm.s32 $0x7890;
	[sflag:s15] =	ssyncadd.s32 $0xFFFFF800  }
0xcf: {  	[spmem:s3] =	stream.indirect.scatter.add.f32 [tilespmem:s2], [sflag:$0xD], $0x10, s6, s19, $0xb8;
	[tilespmem:$0x14490] =	vst v63  }
0xd0: {  	_ =	swait.ge [sflag:s26], $0x800  }
0xd1: {  	[sflag:s26] =	ssyncset.done $0x0  }
0xd2: {  	s11 =	simm.s32 $0x5310;
	[sflag:s26] =	ssyncadd.s32 $0xFFFFF800  }
0xd3: {  	[tilespmem:s25], [sflag:$0x5] =	stream.indirect.gather [spmem:s4], $0x10, s11, s19, $0xb8;
	[tilespmem:$0x14490] =	vst v63  }
0xd4: {  	_ =	swait.ge [sflag:s14], $0x800  }
0xd5: {  	[sflag:s14] =	ssyncset.done $0x0  }
0xd6: {  	s12 =	simm.s32 $0x7910;
	[sflag:s14] =	ssyncadd.s32 $0xFFFFF800  }
0xd7: {  	[spmem:s3] =	stream.indirect.scatter.add.f32 [tilespmem:s17], [sflag:$0xE], $0x10, s12, s19, $0xb8;
	[tilespmem:$0x14490] =	vst v63  }
0xd8: {  	_ =	swait.ge [sflag:s30], $0x800  }
0xd9: {  	[sflag:s30] =	ssyncset.done $0x0  }
0xda: {  	s13 =	simm.s32 $0x5390;
	s11 =	simm.s32 $0x0;
	[sflag:s30] =	ssyncadd.s32 $0xFFFFF800  }
0xdb: {  	[tilespmem:s28], [sflag:$0x6] =	stream.indirect.gather [spmem:s4], $0x10, s13, s19, $0xb8;
	[tilespmem:$0x14490] =	vst v63  }
.LBB2_6:
0xdc: {  	_ =	swait.ge [sflag:s29], $0x800  }
0xdd: {  	s12 =	sshra.s32 s11, $0x2;
	[sflag:s29] =	ssyncset.done $0x0  }
0xde: {  	s13 =	sadd.s32 $0x7990, s12;
	[sflag:s29] =	ssyncadd.s32 $0xFFFFF800  }
0xdf: {  	[spmem:s3] =	stream.indirect.scatter.add.f32 [tilespmem:s21], [sflag:$0x9], $0x10, s13, s19, $0xb8;
	[tilespmem:$0x14490] =	vst v63  }
0xe0: {  	_ =	swait.ge [sflag:s22], $0x800  }
0xe1: {  	[sflag:s22] =	ssyncset.done $0x0  }
0xe2: {  	s6 =	sadd.s32 $0x5410, s12;
	[sflag:s22] =	ssyncadd.s32 $0xFFFFF800  }
0xe3: {  	[tilespmem:s2], [sflag:$0x7] =	stream.indirect.gather [spmem:s4], $0x10, s6, s19, $0xb8;
	[tilespmem:$0x14490] =	vst v63  }
0xe4: {  	_ =	swait.ge [sflag:s1], $0x800  }
0xe5: {  	[sflag:s1] =	ssyncset.done $0x0  }
0xe6: {  	s0 =	sadd.s32 $0x7A10, s12;
	[sflag:s1] =	ssyncadd.s32 $0xFFFFF800  }
0xe7: {  	[spmem:s3] =	stream.indirect.scatter.add.f32 [tilespmem:s23], [sflag:$0xA], $0x10, s0, s19, $0xb8;
	[tilespmem:$0x14490] =	vst v63  }
0xe8: {  	_ =	swait.ge [sflag:s8], $0x800  }
0xe9: {  	[sflag:s8] =	ssyncset.done $0x0  }
0xea: {  	s5 =	sadd.s32 $0x5490, s12;
	[sflag:s8] =	ssyncadd.s32 $0xFFFFF800  }
0xeb: {  	[tilespmem:s17], [sflag:$0x8] =	stream.indirect.gather [spmem:s4], $0x10, s5, s19, $0xb8;
	[tilespmem:$0x14490] =	vst v63  }
0xec: {  	_ =	swait.ge [sflag:s20], $0x800  }
0xed: {  	p1 =	seq.s32 s11, $0x8400;
	[sflag:s20] =	ssyncset.done $0x0  }
0xee: {  	s13 =	simm.s32 @p1 $0x6;
	s6 =	sadd.s32 $0x7A90, s12;
	[sflag:s20] =	ssyncadd.s32 $0xFFFFF800  }
0xef: {  	[spmem:s3] =	stream.indirect.scatter.add.f32 [tilespmem:s25], [sflag:$0xB], $0x10, s6, s19, $0xb8;
	[tilespmem:$0x14490] =	vst v63  }
0xf0: {  	_ =	swait.ge @p1 [sflag:s13], $0x800  }
0xf1: {  	[sflag:s13] =	ssyncset.done @p1 $0x0  }
0xf2: {  	[sflag:s13] =	ssyncadd.s32 @p1 $0xFFFFF800;
	s13 =	sshra.s32 @p1 s11, $0x2  }
0xf3: {  	s0 =	simm.s32 @p1 $0x80;
	s5 =	simm.s32 @p1 $0xB610;
	s13 =	sadd.s32 @p1 $0x7B10, s13  }
0xf4: {  	[spmem:s3] =	stream.indirect.scatter.add.f32 @p1 [tilespmem:s5], [sflag:$0xC], $0x10, s13, s0, $0xb8;
	[tilespmem:$0x14490] =	vst v63  }
0xf5: {  	s0 =	simm.s32 @!p1 $0x9  }
0xf6: {  	_ =	swait.ge @!p1 [sflag:s0], $0x800  }
0xf7: {  	[sflag:s0] =	ssyncset.done @!p1 $0x0  }
0xf8: {  	[sflag:s0] =	ssyncadd.s32 @!p1 $0xFFFFF800;
	s0 =	sshra.s32 @!p1 s11, $0x2  }
0xf9: {  	s6 =	simm.s32 @!p1 $0x9E10;
	s13 =	simm.s32 @!p1 $0x80;
	s5 =	sadd.s32 @!p1 $0x5510, s0  }
0xfa: {  	[tilespmem:s6], [sflag:$0x3] =	stream.indirect.gather @!p1 [spmem:s4], $0x10, s5, s13, $0xb8;
	[tilespmem:$0x14490] =	vst v63  }
0xfb: {  	s5 =	simm.s32 @!p1 $0x6  }
0xfc: {  	_ =	swait.ge @!p1 [sflag:s5], $0x800  }
0xfd: {  	[sflag:s5] =	ssyncset.done @!p1 $0x0  }
0xfe: {  	s6 =	simm.s32 @!p1 $0xB610;
	[sflag:s5] =	ssyncadd.s32 @!p1 $0xFFFFF800;
	s5 =	sadd.s32 @!p1 $0x7B10, s0  }
0xff: {  	[spmem:s3] =	stream.indirect.scatter.add.f32 @!p1 [tilespmem:s6], [sflag:$0xC], $0x10, s5, s13, $0xb8;
	[tilespmem:$0x14490] =	vst v63  }
0x100: {  	s5 =	simm.s32 @!p1 $0xA  }
0x101: {  	_ =	swait.ge @!p1 [sflag:s5], $0x800  }
0x102: {  	[sflag:s5] =	ssyncset.done @!p1 $0x0  }
0x103: {  	s0 =	sadd.s32 @!p1 $0x5590, s0;
	[sflag:s5] =	ssyncadd.s32 @!p1 $0xFFFFF800;
	s5 =	simm.s32 @!p1 $0xA610  }
0x104: {  	[tilespmem:s5], [sflag:$0x4] =	stream.indirect.gather @!p1 [spmem:s4], $0x10, s0, s13, $0xb8;
	[tilespmem:$0x14490] =	vst v63  }
.Ltmp4:
0x105: {  	_ =	swait.ge [sflag:s15], $0x800;
	(pc) =	sbr.rel @p1 .LBB2_8-.Ltmp4, $4  }
0x106: {  	[sflag:s15] =	ssyncset.done $0x0  }
0x107: {  	s13 =	sadd.s32 $0x7B90, s12;
	[sflag:s15] =	ssyncadd.s32 $0xFFFFF800  }
0x108: {  	[spmem:s3] =	stream.indirect.scatter.add.f32 [tilespmem:s2], [sflag:$0xD], $0x10, s13, s19, $0xb8;
	[tilespmem:$0x14490] =	vst v63  }
0x109: {  	s13 =	sadd.s32 $0x7C10, s12  }
0x10a: {  	_ =	swait.ge [sflag:s26], $0x800  }
0x10b: {  	[sflag:s26] =	ssyncset.done $0x0  }
0x10c: {  	s0 =	sadd.s32 $0x5610, s12;
	[sflag:s26] =	ssyncadd.s32 $0xFFFFF800  }
0x10d: {  	[tilespmem:s25], [sflag:$0x5] =	stream.indirect.gather [spmem:s4], $0x10, s0, s19, $0xb8;
	[tilespmem:$0x14490] =	vst v63  }
0x10e: {  	_ =	swait.ge [sflag:s14], $0x800  }
0x10f: {  	[sflag:s14] =	ssyncset.done $0x0  }
0x110: {  	[sflag:s14] =	ssyncadd.s32 $0xFFFFF800  }
0x111: {  	[spmem:s3] =	stream.indirect.scatter.add.f32 [tilespmem:s17], [sflag:$0xE], $0x10, s13, s19, $0xb8;
	[tilespmem:$0x14490] =	vst v63  }
.Ltmp5:
0x112: {  	_ = 	snop;
	(pc) =	sbr.rel .LBB2_6-.Ltmp5, $4  }
0x113: {  	_ =	swait.ge [sflag:s30], $0x800  }
0x114: {  	[sflag:s30] =	ssyncset.done $0x0  }
0x115: {  	s11 =	sadd.s32 $0xC00, s11;
	s13 =	sadd.s32 $0x5690, s12;
	[sflag:s30] =	ssyncadd.s32 $0xFFFFF800  }
0x116: {  	[tilespmem:s28], [sflag:$0x6] =	stream.indirect.gather [spmem:s4], $0x10, s13, s19, $0xb8;
	[tilespmem:$0x14490] =	vst v63  }
.LBB2_9:
0x117: {  	_ =	sfence.sel $0x180000  }
0x118: {  	[bflag:$0x0] =	sbarrier.arrive $0xFFFF  }
0x119: {  	_ =	strace $0x9000004A  }
0x11a: {  	s0 =	stileid.u32;
	[bflag:$0x2] =	sbarrier.arrive $0xFFFF  }
0x11b: {  	p0 =	sne.s32 s0, $0x0;
	s0 =	rddreg [dreg:$0x5]  }
0x11c: {  	s0 =	sadd.s32 @!p0 $0x100000, s0  }
0x11d: {  	[sflag:s0] =	ssyncadd.tile.s32 @!p0 $0x1;
	_ =	shalt  }
.Lfunc_end2:
_tile_overlayer_lowered:
.L_overlay_start_2:
0x11e: {  	(tag) =	ssettag $0x2  }
0x11f: {  	s0 =	rddreg [dreg:$0x0];
	s2 =	stileid.u32  }
0x120: {  	s1 =	rddreg [dreg:$0x1];
	p0 =	sne.s32 s2, $0x0  }
0x121: {  	s3 =	rddreg [dreg:$0x2];
	[bflag:$0x3] =	sbarrier.arrive $0xFFFF;
	s2 =	simm.s32 @!p0 $0x1C0F  }
0x122: {  	[timem:s3], [sflag:s2] =	dma.local @!p0 [hbm:s0], s1  }
0x123: {  	s0 =	simm.s32 @!p0 $0xF  }
0x124: {  	_ =	swait.ge @!p0 [sflag:s0], s1  }
0x125: {  	s1 =	ssub.s32 @!p0 $0x0, s1;
	[sflag:s0] =	ssyncset.done @!p0 $0x0  }
0x126: {  	[sflag:s0] =	ssyncadd.s32 @!p0 s1  }
0x127: {  	[bflag:$0x3] =	sbarrier.arrive $0xFFFF  }
0x128: {  	_ =	shalt  }

</sc_bundles>
